<compile_context>
chip_gen: v7x
topology: tpu7x:2x2x1
jax: 0.10.2.dev20260603
libtpu: 0.0.44.dev20260713+nightly
codegen_flags: <defaults>
</compile_context>

<pallas_src>
import functools

import jax
import jax.numpy as jnp
from jax import lax
from jax.experimental import pallas as pl
from jax.experimental.pallas import tpu as pltpu
from jax.experimental.pallas import tpu_sc as plsc

_N = 3_200_000
_S = 100_000
_NC = 2
_NS = 16
_BLK = 10_000
_TAIL = 128
_IMAX = jnp.iinfo(jnp.int32).max


def _take(v, idx):
    return jnp.take_along_axis(v, idx, axis=0)


def _body(x_hbm, i_hbm, out_hbm, xb, ib, xtb, itb, ovm, iidx,
          e_prev, e_first, e_last, e_next, *, n, s, c, blk, tail):
    iota = lax.iota(jnp.int32, 16)
    nw = _NC * _NS
    wid = lax.axis_index("s") * _NC + lax.axis_index("c")
    base = wid * c
    neg_inf = jnp.float32(-jnp.inf)

    def splat(v, lane):
        return _take(v, jnp.full((16,), lane, jnp.int32))

    def al(v):
        return pl.multiple_of(v, 8)

    pltpu.sync_copy(i_hbm.at[pl.ds(al(jnp.maximum(base - 16, 0)), 16)], e_prev)
    pltpu.sync_copy(i_hbm.at[pl.ds(al(base), 16)], e_first)
    pltpu.sync_copy(i_hbm.at[pl.ds(al(base + c - 16), 16)], e_last)
    pltpu.sync_copy(
        i_hbm.at[pl.ds(al(jnp.minimum(base + c, n - 16)), 16)], e_next)
    prev_v = splat(e_prev[...], 15)
    first_v = splat(e_first[...], 0)
    last_v = splat(e_last[...], 15)
    next_v = splat(e_next[...], 0)

    is0 = wid == 0
    islast = wid == nw - 1
    nf_lo_v = jnp.where(is0, 0, first_v + (prev_v == first_v).astype(jnp.int32))
    nf_hi_v = jnp.where(islast, s, next_v + (last_v == next_v).astype(jnp.int32))
    nf_lo = jnp.max(nf_lo_v)
    nf_hi = jnp.max(nf_hi_v)
    al_lo = (nf_lo // 8) * 8
    cs = jnp.where(is0, -1, prev_v)
    cm = jnp.full((16,), neg_inf, jnp.float32)
    cp = jnp.full((16,), _IMAX, jnp.int32)
    cr = jnp.full((16,), -1, jnp.int32)

    nbi = (nf_hi - al_lo + 127) // 128
    fill = jnp.full((16,), _IMAX, jnp.int32)

    def init_body(b, _):
        o0 = al(al_lo + b * 128)
        for j in range(8):
            ovm[pl.ds(al(o0 + j * 16), 16)] = fill
        return 0
    lax.fori_loop(0, nbi, init_body, 0)

    sh1 = jnp.maximum(iota - 1, 0)
    lane15 = jnp.full((16,), 15, jnp.int32)
    lane0m = iota == 0

    def step(x_v, i_v, pos0, cs, cm, cp, cr):
        p_v = pos0 + iota
        st = i_v != _take(i_v, sh1)
        rseed = jnp.where(st | lane0m, p_v, -1)
        r = plsc.cummax(rseed)
        rl = jnp.maximum(r - pos0, 0)
        m, p = x_v, p_v
        for k in (1, 2, 4, 8):
            idxk = jnp.maximum(iota - k, rl)
            m_sh = _take(m, idxk)
            p_sh = _take(p, idxk)
            tk = m_sh >= m
            m = jnp.where(tk, m_sh, m)
            p = jnp.where(tk, p_sh, p)
        fr = i_v == cs
        tc = fr & (cm >= m)
        m = jnp.where(tc, cm, m)
        p = jnp.where(tc, cp, p)
        r = jnp.where(fr, cr, r)
        plsc.store_scatter(ovm, [i_v], p - r, mask=r >= 0)
        return (_take(i_v, lane15), _take(m, lane15), _take(p, lane15),
                _take(r, lane15))

    def outer_body(b, carry):
        pltpu.sync_copy(x_hbm.at[pl.ds(al(base + b * blk), blk)], xb)
        pltpu.sync_copy(i_hbm.at[pl.ds(al(base + b * blk), blk)], ib)

        def block_body(t, carry):
            cs, cm, cp, cr = carry
            for u in range(5):
                off = t * 80 + u * 16
                x_v = xb[pl.ds(off, 16)]
                i_v = ib[pl.ds(off, 16)]
                cs, cm, cp, cr = step(
                    x_v, i_v, base + b * blk + off, cs, cm, cp, cr)
            return cs, cm, cp, cr
        return lax.fori_loop(0, blk // 80, block_body, carry)

    cs, cm, cp, cr = lax.fori_loop(0, c // blk, outer_body, (cs, cm, cp, cr))

    cs_s = jnp.max(cs)
    cr_s = jnp.max(cr)
    cm_s = jnp.max(cm)
    cp_s = jnp.max(cp)
    pos0 = base + c
    owned = cr_s >= 0

    def tail_cond(state):
        pos, closed, _, _ = state
        return jnp.logical_not(closed) & (pos < n)

    def tail_body(state):
        pos, closed, cm_s, cp_s = state
        rpos = jnp.minimum(pos, n - tail)
        pltpu.sync_copy(x_hbm.at[pl.ds(al(rpos), tail)], xtb)
        pltpu.sync_copy(i_hbm.at[pl.ds(al(rpos), tail)], itb)
        for j in range(tail // 16):
            x_v = xtb[pl.ds(j * 16, 16)]
            i_v = itb[pl.ds(j * 16, 16)]
            p_v = rpos + j * 16 + iota
            mism = i_v != cs_s
            pm = (jnp.cumsum(mism.astype(jnp.int32)) == 0) & jnp.logical_not(closed)
            vm = jnp.max(jnp.where(pm, x_v, neg_inf))
            vp = jnp.min(jnp.where(pm & (x_v == vm), p_v, _IMAX))
            better = vm > cm_s
            nonempty = jnp.any(pm)
            cm_s = jnp.where(nonempty & better, vm, cm_s)
            cp_s = jnp.where(nonempty & better, vp, cp_s)
            closed = closed | jnp.any(mism)
        return rpos + tail, closed, cm_s, cp_s

    _, _, cm_s, cp_s = lax.while_loop(
        tail_cond, tail_body,
        (pos0, jnp.logical_not(owned) | (pos0 >= n), cm_s, cp_s))

    plsc.store_scatter(ovm, [jnp.broadcast_to(cs_s, (16,))],
                       jnp.broadcast_to(cp_s - cr_s, (16,)),
                       mask=lane0m & owned)

    nbo = (nf_hi - al_lo + 127) // 128

    def copy_body(b, _):
        o0 = al(al_lo + b * 128)
        for j in range(8):
            iv = o0 + j * 16 + iota
            iv = jnp.where((iv >= nf_lo) & (iv < nf_hi), iv, s)
            iidx[pl.ds(j * 16, 16)] = iv
        pltpu.sync_copy(ovm.at[pl.ds(o0, 128)], out_hbm.at[iidx])
        return 0
    lax.fori_loop(0, nbo, copy_body, 0)


def _make(n, s, c, blk, tail):
    mesh = plsc.VectorSubcoreMesh(
        core_axis_name="c", subcore_axis_name="s",
        num_cores=_NC, num_subcores=_NS)
    body = functools.partial(_body, n=n, s=s, c=c, blk=blk, tail=tail)
    return pl.kernel(
        body,
        out_type=jax.ShapeDtypeStruct((s + 128,), jnp.int32),
        mesh=mesh,
        compiler_params=pltpu.CompilerParams(needs_layout_passes=False),
        scratch_types=[
            pltpu.VMEM((blk,), jnp.float32),
            pltpu.VMEM((blk,), jnp.int32),
            pltpu.VMEM((tail,), jnp.float32),
            pltpu.VMEM((tail,), jnp.int32),
            pltpu.VMEM((s + 128,), jnp.int32),
            pltpu.VMEM((128,), jnp.int32),
            pltpu.VMEM((16,), jnp.int32),
            pltpu.VMEM((16,), jnp.int32),
            pltpu.VMEM((16,), jnp.int32),
            pltpu.VMEM((16,), jnp.int32),
        ],
    )


def kernel(x, index):
    out = _make(_N, _S, _N // (_NC * _NS), _BLK, _TAIL)(x, index)
    return out[:_S]

# --- scband reference (transcript-rebuilt; emitter-appended) ---
"""Pipeline reference for scband-max-pressure-agents-23467701305385 (READ-ONLY COPY).

The authoritative reference and input builder live on the scoring server;
editing this copy changes nothing except your own understanding.
"""

import jax, jax.numpy as jnp
import numpy as np

N = 3200000  # total phase entries
S = 100000   # number of intersections (segments)


def setup_inputs(seed: int = 0) -> dict:
    key = jax.random.key(seed)
    k1, k2 = jax.random.split(key)
    x = jax.random.normal(k1, (N,), dtype=jnp.float32)
    index = jnp.sort(jax.random.randint(k2, (N,), 0, S, dtype=jnp.int32))
    return {"x": x, "index": index}


def reference(x, index):
    # FlexibleArgmax(x, index): per-segment argmax returning the LOCAL
    # position of the max element within each segment (the chosen phase
    # index per intersection). First call path of MaxPressureAgents.act:
    # actions = max_pressure_actions; durations = zeros.
    idx = index.astype(jnp.int32)
    seg_max = jax.ops.segment_max(x, idx, num_segments=S)
    positions = jnp.arange(N, dtype=jnp.int32)
    seg_start = jax.ops.segment_min(positions, idx, num_segments=S)
    local_pos = positions - seg_start[idx]
    is_max = x == seg_max[idx]
    cand = jnp.where(is_max, local_pos, jnp.int32(N))
    actions = jax.ops.segment_min(cand, idx, num_segments=S)
    return actions

if __name__ == "__main__":
    import jax
    _d = setup_inputs()
    print(jax.jit(kernel)(*tuple(_d.values())))

</pallas_src>

<mosaic_0001>
#map = affine_map<(d0, d1) -> (0)>
module attributes {stable_mosaic.version = 14 : i64} {
  func.func @_body(%arg0: i32, %arg1: i32, %arg2: memref<3200000xf32, #tpu.memory_space<hbm>>, %arg3: memref<3200000xi32, #tpu.memory_space<hbm>>, %arg4: memref<100128xi32, #tpu.memory_space<hbm>>, %arg5: memref<10000xf32, #tpu.memory_space<vmem>>, %arg6: memref<10000xi32, #tpu.memory_space<vmem>>, %arg7: memref<128xf32, #tpu.memory_space<vmem>>, %arg8: memref<128xi32, #tpu.memory_space<vmem>>, %arg9: memref<100128xi32, #tpu.memory_space<vmem>>, %arg10: memref<128xi32, #tpu.memory_space<vmem>>, %arg11: memref<16xi32, #tpu.memory_space<vmem>>, %arg12: memref<16xi32, #tpu.memory_space<vmem>>, %arg13: memref<16xi32, #tpu.memory_space<vmem>>, %arg14: memref<16xi32, #tpu.memory_space<vmem>>) attributes {dimension_semantics = [#tpu.dimension_semantics<core_parallel>, #tpu.dimension_semantics<subcore_parallel>], iteration_bounds = array<i64: 2, 16>, scalar_prefetch = 0 : i64, scratch_operands = 10 : i64, tpu.core_type = #tpu.core_type<sc_vector_subcore>, window_params = [{transform_indices = #map}, {transform_indices = #map}, {transform_indices = #map}]} {
    %iota3A = tpu.iota {dimensions = array<i32: 0>} : vector<16xi32>
    %mul3A = arith.constant 2 : i32
    %mul3A_0 = arith.muli %arg1, %mul3A : i32
    %add3A = arith.addi %mul3A_0, %arg0 : i32
    %mul3A_1 = arith.constant 100000 : i32
    %mul3A_2 = arith.muli %add3A, %mul3A_1 : i32
    %sub3A = arith.constant 16 : i32
    %sub3A_3 = arith.subi %mul3A_2, %sub3A : i32
    %max3A = arith.constant 0 : i32
    %max3A_4 = arith.maxsi %sub3A_3, %max3A : i32
    %multiple_of3A = tpu.assume_multiple %max3A_4, 8 : i32
    "tpu.region"() ({
      %run_scoped3A = tpu.sem_alloc : memref<!tpu.dma_semaphore, #tpu.memory_space<semaphore_mem>>
      %dma_start3A = tpu.memref_slice %arg3[%multiple_of3A] : memref<3200000xi32, #tpu.memory_space<hbm>> -> memref<16xi32, #tpu.memory_space<hbm>>
      %dma_start3A_259 = tpu.memref_slice %arg3[%multiple_of3A] : memref<3200000xi32, #tpu.memory_space<hbm>> -> memref<16xi32, #tpu.memory_space<hbm>>
      tpu.enqueue_dma source(%dma_start3A_259 : memref<16xi32, #tpu.memory_space<hbm>>) target(%arg11 : memref<16xi32, #tpu.memory_space<vmem>>) target_semaphore(%run_scoped3A : memref<!tpu.dma_semaphore, #tpu.memory_space<semaphore_mem>>)
      %dma_wait3A = tpu.memref_slice %arg3[%multiple_of3A] : memref<3200000xi32, #tpu.memory_space<hbm>> -> memref<16xi32, #tpu.memory_space<hbm>>
      %dma_wait3A_260 = tpu.memref_slice %arg3[%multiple_of3A] : memref<3200000xi32, #tpu.memory_space<hbm>> -> memref<16xi32, #tpu.memory_space<hbm>>
      tpu.wait_dma2 semaphore(%run_scoped3A : memref<!tpu.dma_semaphore, #tpu.memory_space<semaphore_mem>>) src(%dma_wait3A_260 : memref<16xi32, #tpu.memory_space<hbm>>) dst(%arg11 : memref<16xi32, #tpu.memory_space<vmem>>)
      tpu.yield
    }) : () -> ()
    %multiple_of3A_5 = tpu.assume_multiple %mul3A_2, 8 : i32
    "tpu.region"() ({
      %run_scoped3A = tpu.sem_alloc : memref<!tpu.dma_semaphore, #tpu.memory_space<semaphore_mem>>
      %dma_start3A = tpu.memref_slice %arg3[%multiple_of3A_5] : memref<3200000xi32, #tpu.memory_space<hbm>> -> memref<16xi32, #tpu.memory_space<hbm>>
      %dma_start3A_259 = tpu.memref_slice %arg3[%multiple_of3A_5] : memref<3200000xi32, #tpu.memory_space<hbm>> -> memref<16xi32, #tpu.memory_space<hbm>>
      tpu.enqueue_dma source(%dma_start3A_259 : memref<16xi32, #tpu.memory_space<hbm>>) target(%arg12 : memref<16xi32, #tpu.memory_space<vmem>>) target_semaphore(%run_scoped3A : memref<!tpu.dma_semaphore, #tpu.memory_space<semaphore_mem>>)
      %dma_wait3A = tpu.memref_slice %arg3[%multiple_of3A_5] : memref<3200000xi32, #tpu.memory_space<hbm>> -> memref<16xi32, #tpu.memory_space<hbm>>
      %dma_wait3A_260 = tpu.memref_slice %arg3[%multiple_of3A_5] : memref<3200000xi32, #tpu.memory_space<hbm>> -> memref<16xi32, #tpu.memory_space<hbm>>
      tpu.wait_dma2 semaphore(%run_scoped3A : memref<!tpu.dma_semaphore, #tpu.memory_space<semaphore_mem>>) src(%dma_wait3A_260 : memref<16xi32, #tpu.memory_space<hbm>>) dst(%arg12 : memref<16xi32, #tpu.memory_space<vmem>>)
      tpu.yield
    }) : () -> ()
    %add3A_6 = arith.constant 100000 : i32
    %add3A_7 = arith.addi %mul3A_2, %add3A_6 : i32
    %sub3A_8 = arith.constant 16 : i32
    %sub3A_9 = arith.subi %add3A_7, %sub3A_8 : i32
    %multiple_of3A_10 = tpu.assume_multiple %sub3A_9, 8 : i32
    "tpu.region"() ({
      %run_scoped3A = tpu.sem_alloc : memref<!tpu.dma_semaphore, #tpu.memory_space<semaphore_mem>>
      %dma_start3A = tpu.memref_slice %arg3[%multiple_of3A_10] : memref<3200000xi32, #tpu.memory_space<hbm>> -> memref<16xi32, #tpu.memory_space<hbm>>
      %dma_start3A_259 = tpu.memref_slice %arg3[%multiple_of3A_10] : memref<3200000xi32, #tpu.memory_space<hbm>> -> memref<16xi32, #tpu.memory_space<hbm>>
      tpu.enqueue_dma source(%dma_start3A_259 : memref<16xi32, #tpu.memory_space<hbm>>) target(%arg13 : memref<16xi32, #tpu.memory_space<vmem>>) target_semaphore(%run_scoped3A : memref<!tpu.dma_semaphore, #tpu.memory_space<semaphore_mem>>)
      %dma_wait3A = tpu.memref_slice %arg3[%multiple_of3A_10] : memref<3200000xi32, #tpu.memory_space<hbm>> -> memref<16xi32, #tpu.memory_space<hbm>>
      %dma_wait3A_260 = tpu.memref_slice %arg3[%multiple_of3A_10] : memref<3200000xi32, #tpu.memory_space<hbm>> -> memref<16xi32, #tpu.memory_space<hbm>>
      tpu.wait_dma2 semaphore(%run_scoped3A : memref<!tpu.dma_semaphore, #tpu.memory_space<semaphore_mem>>) src(%dma_wait3A_260 : memref<16xi32, #tpu.memory_space<hbm>>) dst(%arg13 : memref<16xi32, #tpu.memory_space<vmem>>)
      tpu.yield
    }) : () -> ()
    %add3A_11 = arith.constant 100000 : i32
    %add3A_12 = arith.addi %mul3A_2, %add3A_11 : i32
    %min3A = arith.constant 3199984 : i32
    %min3A_13 = arith.minsi %add3A_12, %min3A : i32
    %multiple_of3A_14 = tpu.assume_multiple %min3A_13, 8 : i32
    "tpu.region"() ({
      %run_scoped3A = tpu.sem_alloc : memref<!tpu.dma_semaphore, #tpu.memory_space<semaphore_mem>>
      %dma_start3A = tpu.memref_slice %arg3[%multiple_of3A_14] : memref<3200000xi32, #tpu.memory_space<hbm>> -> memref<16xi32, #tpu.memory_space<hbm>>
      %dma_start3A_259 = tpu.memref_slice %arg3[%multiple_of3A_14] : memref<3200000xi32, #tpu.memory_space<hbm>> -> memref<16xi32, #tpu.memory_space<hbm>>
      tpu.enqueue_dma source(%dma_start3A_259 : memref<16xi32, #tpu.memory_space<hbm>>) target(%arg14 : memref<16xi32, #tpu.memory_space<vmem>>) target_semaphore(%run_scoped3A : memref<!tpu.dma_semaphore, #tpu.memory_space<semaphore_mem>>)
      %dma_wait3A = tpu.memref_slice %arg3[%multiple_of3A_14] : memref<3200000xi32, #tpu.memory_space<hbm>> -> memref<16xi32, #tpu.memory_space<hbm>>
      %dma_wait3A_260 = tpu.memref_slice %arg3[%multiple_of3A_14] : memref<3200000xi32, #tpu.memory_space<hbm>> -> memref<16xi32, #tpu.memory_space<hbm>>
      tpu.wait_dma2 semaphore(%run_scoped3A : memref<!tpu.dma_semaphore, #tpu.memory_space<semaphore_mem>>) src(%dma_wait3A_260 : memref<16xi32, #tpu.memory_space<hbm>>) dst(%arg14 : memref<16xi32, #tpu.memory_space<vmem>>)
      tpu.yield
    }) : () -> ()
    %get3A = arith.constant 0 : index
    %get3A_15 = tpu.vector_load %arg11[%get3A] {strides = array<i32>} : memref<16xi32, #tpu.memory_space<vmem>>, vector<16xi32>,
    %broadcast_in_dim3A = arith.constant 15 : i32
    %broadcast_in_dim3A_16 = vector.broadcast %broadcast_in_dim3A : i32 to vector<16xi32>
    %lt3A = arith.constant 0 : i32
    %lt3A_17 = vector.broadcast %lt3A : i32 to vector<16xi32>
    %lt3A_18 = arith.cmpi slt, %broadcast_in_dim3A_16, %lt3A_17 : vector<16xi32>
    %add3A_19 = arith.constant 16 : i32
    %add3A_20 = vector.broadcast %add3A_19 : i32 to vector<16xi32>
    %add3A_21 = arith.addi %broadcast_in_dim3A_16, %add3A_20 : vector<16xi32>
    %select_n3A = arith.select %lt3A_18, %add3A_21, %broadcast_in_dim3A_16 : vector<16xi1>, vector<16xi32>
    %reshape3A = vector.shape_cast %select_n3A : vector<16xi32> to vector<16x1xi32>
    %gather3A = vector.shape_cast %reshape3A : vector<16x1xi32> to vector<16xi32>
    %gather3A_22 = tpu.dynamic_gather %get3A_15[%gather3A] in [0] : vector<16xi32>, vector<16xi32> -> vector<16xi32>
    %get3A_23 = arith.constant 0 : index
    %get3A_24 = tpu.vector_load %arg12[%get3A_23] {strides = array<i32>} : memref<16xi32, #tpu.memory_space<vmem>>, vector<16xi32>,
    %broadcast_in_dim3A_25 = arith.constant 0 : i32
    %broadcast_in_dim3A_26 = vector.broadcast %broadcast_in_dim3A_25 : i32 to vector<16xi32>
    %lt3A_27 = arith.constant 0 : i32
    %lt3A_28 = vector.broadcast %lt3A_27 : i32 to vector<16xi32>
    %lt3A_29 = arith.cmpi slt, %broadcast_in_dim3A_26, %lt3A_28 : vector<16xi32>
    %add3A_30 = arith.constant 16 : i32
    %add3A_31 = vector.broadcast %add3A_30 : i32 to vector<16xi32>
    %add3A_32 = arith.addi %broadcast_in_dim3A_26, %add3A_31 : vector<16xi32>
    %select_n3A_33 = arith.select %lt3A_29, %add3A_32, %broadcast_in_dim3A_26 : vector<16xi1>, vector<16xi32>
    %reshape3A_34 = vector.shape_cast %select_n3A_33 : vector<16xi32> to vector<16x1xi32>
    %gather3A_35 = vector.shape_cast %reshape3A_34 : vector<16x1xi32> to vector<16xi32>
    %gather3A_36 = tpu.dynamic_gather %get3A_24[%gather3A_35] in [0] : vector<16xi32>, vector<16xi32> -> vector<16xi32>
    %get3A_37 = arith.constant 0 : index
    %get3A_38 = tpu.vector_load %arg13[%get3A_37] {strides = array<i32>} : memref<16xi32, #tpu.memory_space<vmem>>, vector<16xi32>,
    %broadcast_in_dim3A_39 = arith.constant 15 : i32
    %broadcast_in_dim3A_40 = vector.broadcast %broadcast_in_dim3A_39 : i32 to vector<16xi32>
    %lt3A_41 = arith.constant 0 : i32
    %lt3A_42 = vector.broadcast %lt3A_41 : i32 to vector<16xi32>
    %lt3A_43 = arith.cmpi slt, %broadcast_in_dim3A_40, %lt3A_42 : vector<16xi32>
    %add3A_44 = arith.constant 16 : i32
    %add3A_45 = vector.broadcast %add3A_44 : i32 to vector<16xi32>
    %add3A_46 = arith.addi %broadcast_in_dim3A_40, %add3A_45 : vector<16xi32>
    %select_n3A_47 = arith.select %lt3A_43, %add3A_46, %broadcast_in_dim3A_40 : vector<16xi1>, vector<16xi32>
    %reshape3A_48 = vector.shape_cast %select_n3A_47 : vector<16xi32> to vector<16x1xi32>
    %gather3A_49 = vector.shape_cast %reshape3A_48 : vector<16x1xi32> to vector<16xi32>
    %gather3A_50 = tpu.dynamic_gather %get3A_38[%gather3A_49] in [0] : vector<16xi32>, vector<16xi32> -> vector<16xi32>
    %get3A_51 = arith.constant 0 : index
    %get3A_52 = tpu.vector_load %arg14[%get3A_51] {strides = array<i32>} : memref<16xi32, #tpu.memory_space<vmem>>, vector<16xi32>,
    %broadcast_in_dim3A_53 = arith.constant 0 : i32
    %broadcast_in_dim3A_54 = vector.broadcast %broadcast_in_dim3A_53 : i32 to vector<16xi32>
    %lt3A_55 = arith.constant 0 : i32
    %lt3A_56 = vector.broadcast %lt3A_55 : i32 to vector<16xi32>
    %lt3A_57 = arith.cmpi slt, %broadcast_in_dim3A_54, %lt3A_56 : vector<16xi32>
    %add3A_58 = arith.constant 16 : i32
    %add3A_59 = vector.broadcast %add3A_58 : i32 to vector<16xi32>
    %add3A_60 = arith.addi %broadcast_in_dim3A_54, %add3A_59 : vector<16xi32>
    %select_n3A_61 = arith.select %lt3A_57, %add3A_60, %broadcast_in_dim3A_54 : vector<16xi1>, vector<16xi32>
    %reshape3A_62 = vector.shape_cast %select_n3A_61 : vector<16xi32> to vector<16x1xi32>
    %gather3A_63 = vector.shape_cast %reshape3A_62 : vector<16x1xi32> to vector<16xi32>
    %gather3A_64 = tpu.dynamic_gather %get3A_52[%gather3A_63] in [0] : vector<16xi32>, vector<16xi32> -> vector<16xi32>
    %eq3A = arith.constant 0 : i32
    %eq3A_65 = arith.cmpi eq, %add3A, %eq3A : i32
    %eq3A_66 = arith.constant 31 : i32
    %eq3A_67 = arith.cmpi eq, %add3A, %eq3A_66 : i32
    %eq3A_68 = arith.cmpi eq, %gather3A_22, %gather3A_36 : vector<16xi32>
    %convert_element_type3A = arith.extui %eq3A_68 : vector<16xi1> to vector<16xi32>
    %add3A_69 = arith.addi %gather3A_36, %convert_element_type3A : vector<16xi32>
    %jit3A = arith.constant 0 : i32
    %broadcast_in_dim3A_70 = vector.broadcast %jit3A : i32 to vector<16xi32>
    %select_n3A_71 = arith.select %eq3A_65, %broadcast_in_dim3A_70, %add3A_69 : vector<16xi32>
    %eq3A_72 = arith.cmpi eq, %gather3A_50, %gather3A_64 : vector<16xi32>
    %convert_element_type3A_73 = arith.extui %eq3A_72 : vector<16xi1> to vector<16xi32>
    %add3A_74 = arith.addi %gather3A_64, %convert_element_type3A_73 : vector<16xi32>
    %jit3A_75 = arith.constant 100000 : i32
    %broadcast_in_dim3A_76 = vector.broadcast %jit3A_75 : i32 to vector<16xi32>
    %select_n3A_77 = arith.select %eq3A_67, %broadcast_in_dim3A_76, %add3A_74 : vector<16xi32>
    %reduce_max3A = arith.constant true
    %reduce_max3A_78 = vector.broadcast %reduce_max3A : i1 to vector<16xi1>
    %reduce_max3A_79 = arith.constant -2147483648 : i32
    %reduce_max3A_80 = vector.broadcast %reduce_max3A_79 : i32 to vector<16xi32>
    %reduce_max3A_81 = arith.xori %select_n3A_71, %reduce_max3A_80 : vector<16xi32>
    %reduce_max3A_82 = tpu.scan <max>, %reduce_max3A_81 masked %reduce_max3A_78 : vector<16xi32>, vector<16xi1> -> vector<16xi32>
    %reduce_max3A_83 = arith.xori %reduce_max3A_82, %reduce_max3A_80 : vector<16xi32>
    %reduce_max3A_84 = vector.extract %reduce_max3A_83[15] : i32 from vector<16xi32>
    %reduce_max3A_85 = arith.constant true
    %reduce_max3A_86 = vector.broadcast %reduce_max3A_85 : i1 to vector<16xi1>
    %reduce_max3A_87 = arith.constant -2147483648 : i32
    %reduce_max3A_88 = vector.broadcast %reduce_max3A_87 : i32 to vector<16xi32>
    %reduce_max3A_89 = arith.xori %select_n3A_77, %reduce_max3A_88 : vector<16xi32>
    %reduce_max3A_90 = tpu.scan <max>, %reduce_max3A_89 masked %reduce_max3A_86 : vector<16xi32>, vector<16xi1> -> vector<16xi32>
    %reduce_max3A_91 = arith.xori %reduce_max3A_90, %reduce_max3A_88 : vector<16xi32>
    %reduce_max3A_92 = vector.extract %reduce_max3A_91[15] : i32 from vector<16xi32>
    %jit3A_93 = arith.constant 8 : i32
    %div3A = arith.divsi %reduce_max3A_84, %jit3A_93 : i32
    %sign3A = arith.constant 0 : i32
    %sign3A_94 = arith.cmpi sgt, %reduce_max3A_84, %sign3A : i32
    %sign3A_95 = arith.extui %sign3A_94 : i1 to i32
    %sign3A_96 = arith.constant 0 : i32
    %sign3A_97 = arith.cmpi slt, %reduce_max3A_84, %sign3A_96 : i32
    %sign3A_98 = arith.extui %sign3A_97 : i1 to i32
    %sign3A_99 = arith.subi %sign3A_95, %sign3A_98 : i32
    %sign3A_100 = arith.constant 0 : i32
    %sign3A_101 = arith.cmpi sgt, %jit3A_93, %sign3A_100 : i32
    %sign3A_102 = arith.extui %sign3A_101 : i1 to i32
    %sign3A_103 = arith.constant 0 : i32
    %sign3A_104 = arith.cmpi slt, %jit3A_93, %sign3A_103 : i32
    %sign3A_105 = arith.extui %sign3A_104 : i1 to i32
    %sign3A_106 = arith.subi %sign3A_102, %sign3A_105 : i32
    %ne3A = arith.cmpi ne, %sign3A_99, %sign3A_106 : i32
    %rem3A = arith.remsi %reduce_max3A_84, %jit3A_93 : i32
    %ne3A_107 = arith.constant 0 : i32
    %ne3A_108 = arith.cmpi ne, %rem3A, %ne3A_107 : i32
    %and3A = arith.andi %ne3A, %ne3A_108 : i1
    %sub3A_109 = arith.constant 1 : i32
    %sub3A_110 = arith.subi %div3A, %sub3A_109 : i32
    %select_n3A_111 = arith.select %and3A, %sub3A_110, %div3A : i32
    %mul3A_112 = arith.constant 8 : i32
    %mul3A_113 = arith.muli %select_n3A_111, %mul3A_112 : i32
    %jit3A_114 = arith.constant -1 : i32
    %broadcast_in_dim3A_115 = vector.broadcast %jit3A_114 : i32 to vector<16xi32>
    %select_n3A_116 = arith.select %eq3A_65, %broadcast_in_dim3A_115, %gather3A_22 : vector<16xi32>
    %broadcast_in_dim3A_117 = arith.constant 0xFF800000 : f32
    %broadcast_in_dim3A_118 = vector.broadcast %broadcast_in_dim3A_117 : f32 to vector<16xf32>
    %broadcast_in_dim3A_119 = arith.constant 2147483647 : i32
    %broadcast_in_dim3A_120 = vector.broadcast %broadcast_in_dim3A_119 : i32 to vector<16xi32>
    %broadcast_in_dim3A_121 = arith.constant -1 : i32
    %broadcast_in_dim3A_122 = vector.broadcast %broadcast_in_dim3A_121 : i32 to vector<16xi32>
    %sub3A_123 = arith.subi %reduce_max3A_92, %mul3A_113 : i32
    %add3A_124 = arith.constant 127 : i32
    %add3A_125 = arith.addi %sub3A_123, %add3A_124 : i32
    %jit3A_126 = arith.constant 128 : i32
    %div3A_127 = arith.divsi %add3A_125, %jit3A_126 : i32
    %sign3A_128 = arith.constant 0 : i32
    %sign3A_129 = arith.cmpi sgt, %add3A_125, %sign3A_128 : i32
    %sign3A_130 = arith.extui %sign3A_129 : i1 to i32
    %sign3A_131 = arith.constant 0 : i32
    %sign3A_132 = arith.cmpi slt, %add3A_125, %sign3A_131 : i32
    %sign3A_133 = arith.extui %sign3A_132 : i1 to i32
    %sign3A_134 = arith.subi %sign3A_130, %sign3A_133 : i32
    %sign3A_135 = arith.constant 0 : i32
    %sign3A_136 = arith.cmpi sgt, %jit3A_126, %sign3A_135 : i32
    %sign3A_137 = arith.extui %sign3A_136 : i1 to i32
    %sign3A_138 = arith.constant 0 : i32
    %sign3A_139 = arith.cmpi slt, %jit3A_126, %sign3A_138 : i32
    %sign3A_140 = arith.extui %sign3A_139 : i1 to i32
    %sign3A_141 = arith.subi %sign3A_137, %sign3A_140 : i32
    %ne3A_142 = arith.cmpi ne, %sign3A_134, %sign3A_141 : i32
    %rem3A_143 = arith.remsi %add3A_125, %jit3A_126 : i32
    %ne3A_144 = arith.constant 0 : i32
    %ne3A_145 = arith.cmpi ne, %rem3A_143, %ne3A_144 : i32
    %and3A_146 = arith.andi %ne3A_142, %ne3A_145 : i1
    %sub3A_147 = arith.constant 1 : i32
    %sub3A_148 = arith.subi %div3A_127, %sub3A_147 : i32
    %select_n3A_149 = arith.select %and3A_146, %sub3A_148, %div3A_127 : i32
    %broadcast_in_dim3A_150 = arith.constant 2147483647 : i32
    %broadcast_in_dim3A_151 = vector.broadcast %broadcast_in_dim3A_150 : i32 to vector<16xi32>
    %while3A = arith.constant 0 : i32
    %while3A_152 = arith.constant 0 : i32
    %while3A_153 = arith.subi %select_n3A_149, %while3A : i32
    %while3A_154 = arith.addi %while3A, %while3A_153 : i32
    %while3A_155 = arith.constant 1 : i32
    %while3A_156 = arith.divsi %while3A_153, %while3A_155 : i32
    %while3A_157 = arith.muli %while3A_156, %while3A_155 : i32
    %while3A_158 = arith.addi %while3A, %while3A_157 : i32
    %while3A_159 = arith.constant 1 : i32
    %while3A_160 = scf.for %while3A_259 = %while3A to %while3A_158 step %while3A_159 iter_args(%while3A_260 = %while3A_152) -> (i32)  : i32 {
      %mul3A_261 = arith.constant 128 : i32
      %mul3A_262 = arith.muli %while3A_259, %mul3A_261 : i32
      %add3A_263 = arith.addi %mul3A_113, %mul3A_262 : i32
      %multiple_of3A_264 = tpu.assume_multiple %add3A_263, 8 : i32
      %add3A_265 = arith.constant 0 : i32
      %add3A_266 = arith.addi %multiple_of3A_264, %add3A_265 : i32
      %multiple_of3A_267 = tpu.assume_multiple %add3A_266, 8 : i32
      %swap3A = arith.index_cast %multiple_of3A_267 : i32 to index
      %swap3A_268 = tpu.vector_load %arg9[%swap3A] {strides = array<i32>} : memref<100128xi32, #tpu.memory_space<vmem>>, vector<16xi32>,
      tpu.vector_store %arg9[%swap3A], %broadcast_in_dim3A_151 {strides = array<i32>} : memref<100128xi32, #tpu.memory_space<vmem>>, vector<16xi32>,
      %add3A_269 = arith.constant 16 : i32
      %add3A_270 = arith.addi %multiple_of3A_264, %add3A_269 : i32
      %multiple_of3A_271 = tpu.assume_multiple %add3A_270, 8 : i32
      %swap3A_272 = arith.index_cast %multiple_of3A_271 : i32 to index
      %swap3A_273 = tpu.vector_load %arg9[%swap3A_272] {strides = array<i32>} : memref<100128xi32, #tpu.memory_space<vmem>>, vector<16xi32>,
      tpu.vector_store %arg9[%swap3A_272], %broadcast_in_dim3A_151 {strides = array<i32>} : memref<100128xi32, #tpu.memory_space<vmem>>, vector<16xi32>,
      %add3A_274 = arith.constant 32 : i32
      %add3A_275 = arith.addi %multiple_of3A_264, %add3A_274 : i32
      %multiple_of3A_276 = tpu.assume_multiple %add3A_275, 8 : i32
      %swap3A_277 = arith.index_cast %multiple_of3A_276 : i32 to index
      %swap3A_278 = tpu.vector_load %arg9[%swap3A_277] {strides = array<i32>} : memref<100128xi32, #tpu.memory_space<vmem>>, vector<16xi32>,
      tpu.vector_store %arg9[%swap3A_277], %broadcast_in_dim3A_151 {strides = array<i32>} : memref<100128xi32, #tpu.memory_space<vmem>>, vector<16xi32>,
      %add3A_279 = arith.constant 48 : i32
      %add3A_280 = arith.addi %multiple_of3A_264, %add3A_279 : i32
      %multiple_of3A_281 = tpu.assume_multiple %add3A_280, 8 : i32
      %swap3A_282 = arith.index_cast %multiple_of3A_281 : i32 to index
      %swap3A_283 = tpu.vector_load %arg9[%swap3A_282] {strides = array<i32>} : memref<100128xi32, #tpu.memory_space<vmem>>, vector<16xi32>,
      tpu.vector_store %arg9[%swap3A_282], %broadcast_in_dim3A_151 {strides = array<i32>} : memref<100128xi32, #tpu.memory_space<vmem>>, vector<16xi32>,
      %add3A_284 = arith.constant 64 : i32
      %add3A_285 = arith.addi %multiple_of3A_264, %add3A_284 : i32
      %multiple_of3A_286 = tpu.assume_multiple %add3A_285, 8 : i32
      %swap3A_287 = arith.index_cast %multiple_of3A_286 : i32 to index
      %swap3A_288 = tpu.vector_load %arg9[%swap3A_287] {strides = array<i32>} : memref<100128xi32, #tpu.memory_space<vmem>>, vector<16xi32>,
      tpu.vector_store %arg9[%swap3A_287], %broadcast_in_dim3A_151 {strides = array<i32>} : memref<100128xi32, #tpu.memory_space<vmem>>, vector<16xi32>,
      %add3A_289 = arith.constant 80 : i32
      %add3A_290 = arith.addi %multiple_of3A_264, %add3A_289 : i32
      %multiple_of3A_291 = tpu.assume_multiple %add3A_290, 8 : i32
      %swap3A_292 = arith.index_cast %multiple_of3A_291 : i32 to index
      %swap3A_293 = tpu.vector_load %arg9[%swap3A_292] {strides = array<i32>} : memref<100128xi32, #tpu.memory_space<vmem>>, vector<16xi32>,
      tpu.vector_store %arg9[%swap3A_292], %broadcast_in_dim3A_151 {strides = array<i32>} : memref<100128xi32, #tpu.memory_space<vmem>>, vector<16xi32>,
      %add3A_294 = arith.constant 96 : i32
      %add3A_295 = arith.addi %multiple_of3A_264, %add3A_294 : i32
      %multiple_of3A_296 = tpu.assume_multiple %add3A_295, 8 : i32
      %swap3A_297 = arith.index_cast %multiple_of3A_296 : i32 to index
      %swap3A_298 = tpu.vector_load %arg9[%swap3A_297] {strides = array<i32>} : memref<100128xi32, #tpu.memory_space<vmem>>, vector<16xi32>,
      tpu.vector_store %arg9[%swap3A_297], %broadcast_in_dim3A_151 {strides = array<i32>} : memref<100128xi32, #tpu.memory_space<vmem>>, vector<16xi32>,
      %add3A_299 = arith.constant 112 : i32
      %add3A_300 = arith.addi %multiple_of3A_264, %add3A_299 : i32
      %multiple_of3A_301 = tpu.assume_multiple %add3A_300, 8 : i32
      %swap3A_302 = arith.index_cast %multiple_of3A_301 : i32 to index
      %swap3A_303 = tpu.vector_load %arg9[%swap3A_302] {strides = array<i32>} : memref<100128xi32, #tpu.memory_space<vmem>>, vector<16xi32>,
      tpu.vector_store %arg9[%swap3A_302], %broadcast_in_dim3A_151 {strides = array<i32>} : memref<100128xi32, #tpu.memory_space<vmem>>, vector<16xi32>,
      %while3A_304 = arith.constant 0 : i32
      scf.yield %while3A_304 : i32
    }
    %while3A_161 = arith.constant 1 : i32
    %while3A_162 = scf.for %while3A_259 = %while3A_158 to %while3A_154 step %while3A_161 iter_args(%while3A_260 = %while3A_160) -> (i32)  : i32 {
      %mul3A_261 = arith.constant 128 : i32
      %mul3A_262 = arith.muli %while3A_259, %mul3A_261 : i32
      %add3A_263 = arith.addi %mul3A_113, %mul3A_262 : i32
      %multiple_of3A_264 = tpu.assume_multiple %add3A_263, 8 : i32
      %add3A_265 = arith.constant 0 : i32
      %add3A_266 = arith.addi %multiple_of3A_264, %add3A_265 : i32
      %multiple_of3A_267 = tpu.assume_multiple %add3A_266, 8 : i32
      %swap3A = arith.index_cast %multiple_of3A_267 : i32 to index
      %swap3A_268 = tpu.vector_load %arg9[%swap3A] {strides = array<i32>} : memref<100128xi32, #tpu.memory_space<vmem>>, vector<16xi32>,
      tpu.vector_store %arg9[%swap3A], %broadcast_in_dim3A_151 {strides = array<i32>} : memref<100128xi32, #tpu.memory_space<vmem>>, vector<16xi32>,
      %add3A_269 = arith.constant 16 : i32
      %add3A_270 = arith.addi %multiple_of3A_264, %add3A_269 : i32
      %multiple_of3A_271 = tpu.assume_multiple %add3A_270, 8 : i32
      %swap3A_272 = arith.index_cast %multiple_of3A_271 : i32 to index
      %swap3A_273 = tpu.vector_load %arg9[%swap3A_272] {strides = array<i32>} : memref<100128xi32, #tpu.memory_space<vmem>>, vector<16xi32>,
      tpu.vector_store %arg9[%swap3A_272], %broadcast_in_dim3A_151 {strides = array<i32>} : memref<100128xi32, #tpu.memory_space<vmem>>, vector<16xi32>,
      %add3A_274 = arith.constant 32 : i32
      %add3A_275 = arith.addi %multiple_of3A_264, %add3A_274 : i32
      %multiple_of3A_276 = tpu.assume_multiple %add3A_275, 8 : i32
      %swap3A_277 = arith.index_cast %multiple_of3A_276 : i32 to index
      %swap3A_278 = tpu.vector_load %arg9[%swap3A_277] {strides = array<i32>} : memref<100128xi32, #tpu.memory_space<vmem>>, vector<16xi32>,
      tpu.vector_store %arg9[%swap3A_277], %broadcast_in_dim3A_151 {strides = array<i32>} : memref<100128xi32, #tpu.memory_space<vmem>>, vector<16xi32>,
      %add3A_279 = arith.constant 48 : i32
      %add3A_280 = arith.addi %multiple_of3A_264, %add3A_279 : i32
      %multiple_of3A_281 = tpu.assume_multiple %add3A_280, 8 : i32
      %swap3A_282 = arith.index_cast %multiple_of3A_281 : i32 to index
      %swap3A_283 = tpu.vector_load %arg9[%swap3A_282] {strides = array<i32>} : memref<100128xi32, #tpu.memory_space<vmem>>, vector<16xi32>,
      tpu.vector_store %arg9[%swap3A_282], %broadcast_in_dim3A_151 {strides = array<i32>} : memref<100128xi32, #tpu.memory_space<vmem>>, vector<16xi32>,
      %add3A_284 = arith.constant 64 : i32
      %add3A_285 = arith.addi %multiple_of3A_264, %add3A_284 : i32
      %multiple_of3A_286 = tpu.assume_multiple %add3A_285, 8 : i32
      %swap3A_287 = arith.index_cast %multiple_of3A_286 : i32 to index
      %swap3A_288 = tpu.vector_load %arg9[%swap3A_287] {strides = array<i32>} : memref<100128xi32, #tpu.memory_space<vmem>>, vector<16xi32>,
      tpu.vector_store %arg9[%swap3A_287], %broadcast_in_dim3A_151 {strides = array<i32>} : memref<100128xi32, #tpu.memory_space<vmem>>, vector<16xi32>,
      %add3A_289 = arith.constant 80 : i32
      %add3A_290 = arith.addi %multiple_of3A_264, %add3A_289 : i32
      %multiple_of3A_291 = tpu.assume_multiple %add3A_290, 8 : i32
      %swap3A_292 = arith.index_cast %multiple_of3A_291 : i32 to index
      %swap3A_293 = tpu.vector_load %arg9[%swap3A_292] {strides = array<i32>} : memref<100128xi32, #tpu.memory_space<vmem>>, vector<16xi32>,
      tpu.vector_store %arg9[%swap3A_292], %broadcast_in_dim3A_151 {strides = array<i32>} : memref<100128xi32, #tpu.memory_space<vmem>>, vector<16xi32>,
      %add3A_294 = arith.constant 96 : i32
      %add3A_295 = arith.addi %multiple_of3A_264, %add3A_294 : i32
      %multiple_of3A_296 = tpu.assume_multiple %add3A_295, 8 : i32
      %swap3A_297 = arith.index_cast %multiple_of3A_296 : i32 to index
      %swap3A_298 = tpu.vector_load %arg9[%swap3A_297] {strides = array<i32>} : memref<100128xi32, #tpu.memory_space<vmem>>, vector<16xi32>,
      tpu.vector_store %arg9[%swap3A_297], %broadcast_in_dim3A_151 {strides = array<i32>} : memref<100128xi32, #tpu.memory_space<vmem>>, vector<16xi32>,
      %add3A_299 = arith.constant 112 : i32
      %add3A_300 = arith.addi %multiple_of3A_264, %add3A_299 : i32
      %multiple_of3A_301 = tpu.assume_multiple %add3A_300, 8 : i32
      %swap3A_302 = arith.index_cast %multiple_of3A_301 : i32 to index
      %swap3A_303 = tpu.vector_load %arg9[%swap3A_302] {strides = array<i32>} : memref<100128xi32, #tpu.memory_space<vmem>>, vector<16xi32>,
      tpu.vector_store %arg9[%swap3A_302], %broadcast_in_dim3A_151 {strides = array<i32>} : memref<100128xi32, #tpu.memory_space<vmem>>, vector<16xi32>,
      %while3A_304 = arith.constant 0 : i32
      scf.yield %while3A_304 : i32
    }
    %sub3A_163 = arith.constant 1 : i32
    %sub3A_164 = vector.broadcast %sub3A_163 : i32 to vector<16xi32>
    %sub3A_165 = arith.subi %iota3A, %sub3A_164 : vector<16xi32>
    %max3A_166 = arith.constant 0 : i32
    %max3A_167 = vector.broadcast %max3A_166 : i32 to vector<16xi32>
    %max3A_168 = arith.maxsi %sub3A_165, %max3A_167 : vector<16xi32>
    %broadcast_in_dim3A_169 = arith.constant 15 : i32
    %broadcast_in_dim3A_170 = vector.broadcast %broadcast_in_dim3A_169 : i32 to vector<16xi32>
    %eq3A_171 = arith.constant 0 : i32
    %eq3A_172 = vector.broadcast %eq3A_171 : i32 to vector<16xi32>
    %eq3A_173 = arith.cmpi eq, %iota3A, %eq3A_172 : vector<16xi32>
    %scan3A = arith.constant 0 : i32
    %scan3A_174 = arith.constant 10 : i32
    %scan3A_175 = arith.addi %scan3A, %scan3A_174 : i32
    %scan3A_176 = arith.constant 1 : i32
    %scan3A_177:4 = scf.for %scan3A_259 = %scan3A to %scan3A_175 step %scan3A_176 iter_args(%scan3A_260 = %select_n3A_116, %scan3A_261 = %broadcast_in_dim3A_118, %scan3A_262 = %broadcast_in_dim3A_120, %scan3A_263 = %broadcast_in_dim3A_122) -> (vector<16xi32>, vector<16xf32>, vector<16xi32>, vector<16xi32>)  : i32 {
      %mul3A_264 = arith.constant 10000 : i32
      %mul3A_265 = arith.muli %scan3A_259, %mul3A_264 : i32
      %add3A_266 = arith.addi %mul3A_2, %mul3A_265 : i32
      %multiple_of3A_267 = tpu.assume_multiple %add3A_266, 8 : i32
      "tpu.region"() ({
        %run_scoped3A = tpu.sem_alloc : memref<!tpu.dma_semaphore, #tpu.memory_space<semaphore_mem>>
        %dma_start3A = tpu.memref_slice %arg2[%multiple_of3A_267] : memref<3200000xf32, #tpu.memory_space<hbm>> -> memref<10000xf32, #tpu.memory_space<hbm>>
        %dma_start3A_278 = tpu.memref_slice %arg2[%multiple_of3A_267] : memref<3200000xf32, #tpu.memory_space<hbm>> -> memref<10000xf32, #tpu.memory_space<hbm>>
        tpu.enqueue_dma source(%dma_start3A_278 : memref<10000xf32, #tpu.memory_space<hbm>>) target(%arg5 : memref<10000xf32, #tpu.memory_space<vmem>>) target_semaphore(%run_scoped3A : memref<!tpu.dma_semaphore, #tpu.memory_space<semaphore_mem>>)
        %dma_wait3A = tpu.memref_slice %arg2[%multiple_of3A_267] : memref<3200000xf32, #tpu.memory_space<hbm>> -> memref<10000xf32, #tpu.memory_space<hbm>>
        %dma_wait3A_279 = tpu.memref_slice %arg2[%multiple_of3A_267] : memref<3200000xf32, #tpu.memory_space<hbm>> -> memref<10000xf32, #tpu.memory_space<hbm>>
        tpu.wait_dma2 semaphore(%run_scoped3A : memref<!tpu.dma_semaphore, #tpu.memory_space<semaphore_mem>>) src(%dma_wait3A_279 : memref<10000xf32, #tpu.memory_space<hbm>>) dst(%arg5 : memref<10000xf32, #tpu.memory_space<vmem>>)
        tpu.yield
      }) : () -> ()
      %mul3A_268 = arith.constant 10000 : i32
      %mul3A_269 = arith.muli %scan3A_259, %mul3A_268 : i32
      %add3A_270 = arith.addi %mul3A_2, %mul3A_269 : i32
      %multiple_of3A_271 = tpu.assume_multiple %add3A_270, 8 : i32
      "tpu.region"() ({
        %run_scoped3A = tpu.sem_alloc : memref<!tpu.dma_semaphore, #tpu.memory_space<semaphore_mem>>
        %dma_start3A = tpu.memref_slice %arg3[%multiple_of3A_271] : memref<3200000xi32, #tpu.memory_space<hbm>> -> memref<10000xi32, #tpu.memory_space<hbm>>
        %dma_start3A_278 = tpu.memref_slice %arg3[%multiple_of3A_271] : memref<3200000xi32, #tpu.memory_space<hbm>> -> memref<10000xi32, #tpu.memory_space<hbm>>
        tpu.enqueue_dma source(%dma_start3A_278 : memref<10000xi32, #tpu.memory_space<hbm>>) target(%arg6 : memref<10000xi32, #tpu.memory_space<vmem>>) target_semaphore(%run_scoped3A : memref<!tpu.dma_semaphore, #tpu.memory_space<semaphore_mem>>)
        %dma_wait3A = tpu.memref_slice %arg3[%multiple_of3A_271] : memref<3200000xi32, #tpu.memory_space<hbm>> -> memref<10000xi32, #tpu.memory_space<hbm>>
        %dma_wait3A_279 = tpu.memref_slice %arg3[%multiple_of3A_271] : memref<3200000xi32, #tpu.memory_space<hbm>> -> memref<10000xi32, #tpu.memory_space<hbm>>
        tpu.wait_dma2 semaphore(%run_scoped3A : memref<!tpu.dma_semaphore, #tpu.memory_space<semaphore_mem>>) src(%dma_wait3A_279 : memref<10000xi32, #tpu.memory_space<hbm>>) dst(%arg6 : memref<10000xi32, #tpu.memory_space<vmem>>)
        tpu.yield
      }) : () -> ()
      %scan3A_272 = arith.constant 0 : i32
      %scan3A_273 = arith.constant 125 : i32
      %scan3A_274 = arith.addi %scan3A_272, %scan3A_273 : i32
      %scan3A_275 = arith.constant 1 : i32
      %scan3A_276:4 = scf.for %scan3A_278 = %scan3A_272 to %scan3A_274 step %scan3A_275 iter_args(%scan3A_279 = %scan3A_260, %scan3A_280 = %scan3A_261, %scan3A_281 = %scan3A_262, %scan3A_282 = %scan3A_263) -> (vector<16xi32>, vector<16xf32>, vector<16xi32>, vector<16xi32>)  : i32 {
        %mul3A_283 = arith.constant 80 : i32
        %mul3A_284 = arith.muli %scan3A_278, %mul3A_283 : i32
        %add3A_285 = arith.constant 0 : i32
        %add3A_286 = arith.addi %mul3A_284, %add3A_285 : i32
        %get3A_287 = arith.index_cast %add3A_286 : i32 to index
        %get3A_288 = tpu.vector_load %arg5[%get3A_287] {strides = array<i32>} : memref<10000xf32, #tpu.memory_space<vmem>>, vector<16xf32>,
        %get3A_289 = arith.index_cast %add3A_286 : i32 to index
        %get3A_290 = tpu.vector_load %arg6[%get3A_289] {strides = array<i32>} : memref<10000xi32, #tpu.memory_space<vmem>>, vector<16xi32>,
        %mul3A_291 = arith.constant 10000 : i32
        %mul3A_292 = arith.muli %scan3A_259, %mul3A_291 : i32
        %add3A_293 = arith.addi %mul3A_2, %mul3A_292 : i32
        %add3A_294 = arith.addi %add3A_293, %add3A_286 : i32
        %add3A_295 = vector.broadcast %add3A_294 : i32 to vector<16xi32>
        %add3A_296 = arith.addi %add3A_295, %iota3A : vector<16xi32>
        %lt3A_297 = arith.constant 0 : i32
        %lt3A_298 = vector.broadcast %lt3A_297 : i32 to vector<16xi32>
        %lt3A_299 = arith.cmpi slt, %max3A_168, %lt3A_298 : vector<16xi32>
        %add3A_300 = arith.constant 16 : i32
        %add3A_301 = vector.broadcast %add3A_300 : i32 to vector<16xi32>
        %add3A_302 = arith.addi %max3A_168, %add3A_301 : vector<16xi32>
        %select_n3A_303 = arith.select %lt3A_299, %add3A_302, %max3A_168 : vector<16xi1>, vector<16xi32>
        %reshape3A_304 = vector.shape_cast %select_n3A_303 : vector<16xi32> to vector<16x1xi32>
        %gather3A_305 = vector.shape_cast %reshape3A_304 : vector<16x1xi32> to vector<16xi32>
        %gather3A_306 = tpu.dynamic_gather %get3A_290[%gather3A_305] in [0] : vector<16xi32>, vector<16xi32> -> vector<16xi32>
        %ne3A_307 = arith.cmpi ne, %get3A_290, %gather3A_306 : vector<16xi32>
        %or3A_308 = arith.ori %ne3A_307, %eq3A_173 : vector<16xi1>
        %jit3A_309 = arith.constant -1 : i32
        %broadcast_in_dim3A_310 = vector.broadcast %jit3A_309 : i32 to vector<16xi32>
        %select_n3A_311 = arith.select %or3A_308, %add3A_296, %broadcast_in_dim3A_310 : vector<16xi1>, vector<16xi32>
        %broadcast_in_dim3A_312 = arith.constant true
        %broadcast_in_dim3A_313 = vector.broadcast %broadcast_in_dim3A_312 : i1 to vector<16xi1>
        %masked_cummax3A = arith.constant -2147483648 : i32
        %masked_cummax3A_314 = vector.broadcast %masked_cummax3A : i32 to vector<16xi32>
        %masked_cummax3A_315 = arith.xori %select_n3A_311, %masked_cummax3A_314 : vector<16xi32>
        %masked_cummax3A_316 = tpu.scan <max>, %masked_cummax3A_315 masked %broadcast_in_dim3A_313 : vector<16xi32>, vector<16xi1> -> vector<16xi32>
        %masked_cummax3A_317 = arith.xori %masked_cummax3A_316, %masked_cummax3A_314 : vector<16xi32>
        %sub3A_318 = vector.broadcast %add3A_294 : i32 to vector<16xi32>
        %sub3A_319 = arith.subi %masked_cummax3A_317, %sub3A_318 : vector<16xi32>
        %max3A_320 = arith.constant 0 : i32
        %max3A_321 = vector.broadcast %max3A_320 : i32 to vector<16xi32>
        %max3A_322 = arith.maxsi %sub3A_319, %max3A_321 : vector<16xi32>
        %sub3A_323 = arith.constant 1 : i32
        %sub3A_324 = vector.broadcast %sub3A_323 : i32 to vector<16xi32>
        %sub3A_325 = arith.subi %iota3A, %sub3A_324 : vector<16xi32>
        %max3A_326 = arith.maxsi %sub3A_325, %max3A_322 : vector<16xi32>
        %lt3A_327 = arith.constant 0 : i32
        %lt3A_328 = vector.broadcast %lt3A_327 : i32 to vector<16xi32>
        %lt3A_329 = arith.cmpi slt, %max3A_326, %lt3A_328 : vector<16xi32>
        %add3A_330 = arith.constant 16 : i32
        %add3A_331 = vector.broadcast %add3A_330 : i32 to vector<16xi32>
        %add3A_332 = arith.addi %max3A_326, %add3A_331 : vector<16xi32>
        %select_n3A_333 = arith.select %lt3A_329, %add3A_332, %max3A_326 : vector<16xi1>, vector<16xi32>
        %reshape3A_334 = vector.shape_cast %select_n3A_333 : vector<16xi32> to vector<16x1xi32>
        %gather3A_335 = vector.shape_cast %reshape3A_334 : vector<16x1xi32> to vector<16xi32>
        %gather3A_336 = tpu.dynamic_gather %get3A_288[%gather3A_335] in [0] : vector<16xf32>, vector<16xi32> -> vector<16xf32>
        %lt3A_337 = arith.constant 0 : i32
        %lt3A_338 = vector.broadcast %lt3A_337 : i32 to vector<16xi32>
        %lt3A_339 = arith.cmpi slt, %max3A_326, %lt3A_338 : vector<16xi32>
        %add3A_340 = arith.constant 16 : i32
        %add3A_341 = vector.broadcast %add3A_340 : i32 to vector<16xi32>
        %add3A_342 = arith.addi %max3A_326, %add3A_341 : vector<16xi32>
        %select_n3A_343 = arith.select %lt3A_339, %add3A_342, %max3A_326 : vector<16xi1>, vector<16xi32>
        %reshape3A_344 = vector.shape_cast %select_n3A_343 : vector<16xi32> to vector<16x1xi32>
        %gather3A_345 = vector.shape_cast %reshape3A_344 : vector<16x1xi32> to vector<16xi32>
        %gather3A_346 = tpu.dynamic_gather %add3A_296[%gather3A_345] in [0] : vector<16xi32>, vector<16xi32> -> vector<16xi32>
        %ge3A_347 = arith.cmpf oge, %gather3A_336, %get3A_288 : vector<16xf32>
        %select_n3A_348 = arith.select %ge3A_347, %gather3A_336, %get3A_288 : vector<16xi1>, vector<16xf32>
        %select_n3A_349 = arith.select %ge3A_347, %gather3A_346, %add3A_296 : vector<16xi1>, vector<16xi32>
        %sub3A_350 = arith.constant 2 : i32
        %sub3A_351 = vector.broadcast %sub3A_350 : i32 to vector<16xi32>
        %sub3A_352 = arith.subi %iota3A, %sub3A_351 : vector<16xi32>
        %max3A_353 = arith.maxsi %sub3A_352, %max3A_322 : vector<16xi32>
        %lt3A_354 = arith.constant 0 : i32
        %lt3A_355 = vector.broadcast %lt3A_354 : i32 to vector<16xi32>
        %lt3A_356 = arith.cmpi slt, %max3A_353, %lt3A_355 : vector<16xi32>
        %add3A_357 = arith.constant 16 : i32
        %add3A_358 = vector.broadcast %add3A_357 : i32 to vector<16xi32>
        %add3A_359 = arith.addi %max3A_353, %add3A_358 : vector<16xi32>
        %select_n3A_360 = arith.select %lt3A_356, %add3A_359, %max3A_353 : vector<16xi1>, vector<16xi32>
        %reshape3A_361 = vector.shape_cast %select_n3A_360 : vector<16xi32> to vector<16x1xi32>
        %gather3A_362 = vector.shape_cast %reshape3A_361 : vector<16x1xi32> to vector<16xi32>
        %gather3A_363 = tpu.dynamic_gather %select_n3A_348[%gather3A_362] in [0] : vector<16xf32>, vector<16xi32> -> vector<16xf32>
        %lt3A_364 = arith.constant 0 : i32
        %lt3A_365 = vector.broadcast %lt3A_364 : i32 to vector<16xi32>
        %lt3A_366 = arith.cmpi slt, %max3A_353, %lt3A_365 : vector<16xi32>
        %add3A_367 = arith.constant 16 : i32
        %add3A_368 = vector.broadcast %add3A_367 : i32 to vector<16xi32>
        %add3A_369 = arith.addi %max3A_353, %add3A_368 : vector<16xi32>
        %select_n3A_370 = arith.select %lt3A_366, %add3A_369, %max3A_353 : vector<16xi1>, vector<16xi32>
        %reshape3A_371 = vector.shape_cast %select_n3A_370 : vector<16xi32> to vector<16x1xi32>
        %gather3A_372 = vector.shape_cast %reshape3A_371 : vector<16x1xi32> to vector<16xi32>
        %gather3A_373 = tpu.dynamic_gather %select_n3A_349[%gather3A_372] in [0] : vector<16xi32>, vector<16xi32> -> vector<16xi32>
        %ge3A_374 = arith.cmpf oge, %gather3A_363, %select_n3A_348 : vector<16xf32>
        %select_n3A_375 = arith.select %ge3A_374, %gather3A_363, %select_n3A_348 : vector<16xi1>, vector<16xf32>
        %select_n3A_376 = arith.select %ge3A_374, %gather3A_373, %select_n3A_349 : vector<16xi1>, vector<16xi32>
        %sub3A_377 = arith.constant 4 : i32
        %sub3A_378 = vector.broadcast %sub3A_377 : i32 to vector<16xi32>
        %sub3A_379 = arith.subi %iota3A, %sub3A_378 : vector<16xi32>
        %max3A_380 = arith.maxsi %sub3A_379, %max3A_322 : vector<16xi32>
        %lt3A_381 = arith.constant 0 : i32
        %lt3A_382 = vector.broadcast %lt3A_381 : i32 to vector<16xi32>
        %lt3A_383 = arith.cmpi slt, %max3A_380, %lt3A_382 : vector<16xi32>
        %add3A_384 = arith.constant 16 : i32
        %add3A_385 = vector.broadcast %add3A_384 : i32 to vector<16xi32>
        %add3A_386 = arith.addi %max3A_380, %add3A_385 : vector<16xi32>
        %select_n3A_387 = arith.select %lt3A_383, %add3A_386, %max3A_380 : vector<16xi1>, vector<16xi32>
        %reshape3A_388 = vector.shape_cast %select_n3A_387 : vector<16xi32> to vector<16x1xi32>
        %gather3A_389 = vector.shape_cast %reshape3A_388 : vector<16x1xi32> to vector<16xi32>
        %gather3A_390 = tpu.dynamic_gather %select_n3A_375[%gather3A_389] in [0] : vector<16xf32>, vector<16xi32> -> vector<16xf32>
        %lt3A_391 = arith.constant 0 : i32
        %lt3A_392 = vector.broadcast %lt3A_391 : i32 to vector<16xi32>
        %lt3A_393 = arith.cmpi slt, %max3A_380, %lt3A_392 : vector<16xi32>
        %add3A_394 = arith.constant 16 : i32
        %add3A_395 = vector.broadcast %add3A_394 : i32 to vector<16xi32>
        %add3A_396 = arith.addi %max3A_380, %add3A_395 : vector<16xi32>
        %select_n3A_397 = arith.select %lt3A_393, %add3A_396, %max3A_380 : vector<16xi1>, vector<16xi32>
        %reshape3A_398 = vector.shape_cast %select_n3A_397 : vector<16xi32> to vector<16x1xi32>
        %gather3A_399 = vector.shape_cast %reshape3A_398 : vector<16x1xi32> to vector<16xi32>
        %gather3A_400 = tpu.dynamic_gather %select_n3A_376[%gather3A_399] in [0] : vector<16xi32>, vector<16xi32> -> vector<16xi32>
        %ge3A_401 = arith.cmpf oge, %gather3A_390, %select_n3A_375 : vector<16xf32>
        %select_n3A_402 = arith.select %ge3A_401, %gather3A_390, %select_n3A_375 : vector<16xi1>, vector<16xf32>
        %select_n3A_403 = arith.select %ge3A_401, %gather3A_400, %select_n3A_376 : vector<16xi1>, vector<16xi32>
        %sub3A_404 = arith.constant 8 : i32
        %sub3A_405 = vector.broadcast %sub3A_404 : i32 to vector<16xi32>
        %sub3A_406 = arith.subi %iota3A, %sub3A_405 : vector<16xi32>
        %max3A_407 = arith.maxsi %sub3A_406, %max3A_322 : vector<16xi32>
        %lt3A_408 = arith.constant 0 : i32
        %lt3A_409 = vector.broadcast %lt3A_408 : i32 to vector<16xi32>
        %lt3A_410 = arith.cmpi slt, %max3A_407, %lt3A_409 : vector<16xi32>
        %add3A_411 = arith.constant 16 : i32
        %add3A_412 = vector.broadcast %add3A_411 : i32 to vector<16xi32>
        %add3A_413 = arith.addi %max3A_407, %add3A_412 : vector<16xi32>
        %select_n3A_414 = arith.select %lt3A_410, %add3A_413, %max3A_407 : vector<16xi1>, vector<16xi32>
        %reshape3A_415 = vector.shape_cast %select_n3A_414 : vector<16xi32> to vector<16x1xi32>
        %gather3A_416 = vector.shape_cast %reshape3A_415 : vector<16x1xi32> to vector<16xi32>
        %gather3A_417 = tpu.dynamic_gather %select_n3A_402[%gather3A_416] in [0] : vector<16xf32>, vector<16xi32> -> vector<16xf32>
        %lt3A_418 = arith.constant 0 : i32
        %lt3A_419 = vector.broadcast %lt3A_418 : i32 to vector<16xi32>
        %lt3A_420 = arith.cmpi slt, %max3A_407, %lt3A_419 : vector<16xi32>
        %add3A_421 = arith.constant 16 : i32
        %add3A_422 = vector.broadcast %add3A_421 : i32 to vector<16xi32>
        %add3A_423 = arith.addi %max3A_407, %add3A_422 : vector<16xi32>
        %select_n3A_424 = arith.select %lt3A_420, %add3A_423, %max3A_407 : vector<16xi1>, vector<16xi32>
        %reshape3A_425 = vector.shape_cast %select_n3A_424 : vector<16xi32> to vector<16x1xi32>
        %gather3A_426 = vector.shape_cast %reshape3A_425 : vector<16x1xi32> to vector<16xi32>
        %gather3A_427 = tpu.dynamic_gather %select_n3A_403[%gather3A_426] in [0] : vector<16xi32>, vector<16xi32> -> vector<16xi32>
        %ge3A_428 = arith.cmpf oge, %gather3A_417, %select_n3A_402 : vector<16xf32>
        %select_n3A_429 = arith.select %ge3A_428, %gather3A_417, %select_n3A_402 : vector<16xi1>, vector<16xf32>
        %select_n3A_430 = arith.select %ge3A_428, %gather3A_427, %select_n3A_403 : vector<16xi1>, vector<16xi32>
        %eq3A_431 = arith.cmpi eq, %get3A_290, %scan3A_279 : vector<16xi32>
        %ge3A_432 = arith.cmpf oge, %scan3A_280, %select_n3A_429 : vector<16xf32>
        %and3A_433 = arith.andi %eq3A_431, %ge3A_432 : vector<16xi1>
        %select_n3A_434 = arith.select %and3A_433, %scan3A_280, %select_n3A_429 : vector<16xi1>, vector<16xf32>
        %select_n3A_435 = arith.select %and3A_433, %scan3A_281, %select_n3A_430 : vector<16xi1>, vector<16xi32>
        %select_n3A_436 = arith.select %eq3A_431, %scan3A_282, %masked_cummax3A_317 : vector<16xi1>, vector<16xi32>
        %sub3A_437 = arith.subi %select_n3A_435, %select_n3A_436 : vector<16xi32>
        %ge3A_438 = arith.constant 0 : i32
        %ge3A_439 = vector.broadcast %ge3A_438 : i32 to vector<16xi32>
        %ge3A_440 = arith.cmpi sge, %select_n3A_436, %ge3A_439 : vector<16xi32>
        tpu.vector_store_idx %arg9[%get3A_290], %sub3A_437 masked %ge3A_440 : memref<100128xi32, #tpu.memory_space<vmem>>[vector<16xi32>], vector<16xi32>, vector<16xi1>
        %lt3A_441 = arith.constant 0 : i32
        %lt3A_442 = vector.broadcast %lt3A_441 : i32 to vector<16xi32>
        %lt3A_443 = arith.cmpi slt, %broadcast_in_dim3A_170, %lt3A_442 : vector<16xi32>
        %add3A_444 = arith.constant 16 : i32
        %add3A_445 = vector.broadcast %add3A_444 : i32 to vector<16xi32>
        %add3A_446 = arith.addi %broadcast_in_dim3A_170, %add3A_445 : vector<16xi32>
        %select_n3A_447 = arith.select %lt3A_443, %add3A_446, %broadcast_in_dim3A_170 : vector<16xi1>, vector<16xi32>
        %reshape3A_448 = vector.shape_cast %select_n3A_447 : vector<16xi32> to vector<16x1xi32>
        %gather3A_449 = vector.shape_cast %reshape3A_448 : vector<16x1xi32> to vector<16xi32>
        %gather3A_450 = tpu.dynamic_gather %get3A_290[%gather3A_449] in [0] : vector<16xi32>, vector<16xi32> -> vector<16xi32>
        %lt3A_451 = arith.constant 0 : i32
        %lt3A_452 = vector.broadcast %lt3A_451 : i32 to vector<16xi32>
        %lt3A_453 = arith.cmpi slt, %broadcast_in_dim3A_170, %lt3A_452 : vector<16xi32>
        %add3A_454 = arith.constant 16 : i32
        %add3A_455 = vector.broadcast %add3A_454 : i32 to vector<16xi32>
        %add3A_456 = arith.addi %broadcast_in_dim3A_170, %add3A_455 : vector<16xi32>
        %select_n3A_457 = arith.select %lt3A_453, %add3A_456, %broadcast_in_dim3A_170 : vector<16xi1>, vector<16xi32>
        %reshape3A_458 = vector.shape_cast %select_n3A_457 : vector<16xi32> to vector<16x1xi32>
        %gather3A_459 = vector.shape_cast %reshape3A_458 : vector<16x1xi32> to vector<16xi32>
        %gather3A_460 = tpu.dynamic_gather %select_n3A_434[%gather3A_459] in [0] : vector<16xf32>, vector<16xi32> -> vector<16xf32>
        %lt3A_461 = arith.constant 0 : i32
        %lt3A_462 = vector.broadcast %lt3A_461 : i32 to vector<16xi32>
        %lt3A_463 = arith.cmpi slt, %broadcast_in_dim3A_170, %lt3A_462 : vector<16xi32>
        %add3A_464 = arith.constant 16 : i32
        %add3A_465 = vector.broadcast %add3A_464 : i32 to vector<16xi32>
        %add3A_466 = arith.addi %broadcast_in_dim3A_170, %add3A_465 : vector<16xi32>
        %select_n3A_467 = arith.select %lt3A_463, %add3A_466, %broadcast_in_dim3A_170 : vector<16xi1>, vector<16xi32>
        %reshape3A_468 = vector.shape_cast %select_n3A_467 : vector<16xi32> to vector<16x1xi32>
        %gather3A_469 = vector.shape_cast %reshape3A_468 : vector<16x1xi32> to vector<16xi32>
        %gather3A_470 = tpu.dynamic_gather %select_n3A_435[%gather3A_469] in [0] : vector<16xi32>, vector<16xi32> -> vector<16xi32>
        %lt3A_471 = arith.constant 0 : i32
        %lt3A_472 = vector.broadcast %lt3A_471 : i32 to vector<16xi32>
        %lt3A_473 = arith.cmpi slt, %broadcast_in_dim3A_170, %lt3A_472 : vector<16xi32>
        %add3A_474 = arith.constant 16 : i32
        %add3A_475 = vector.broadcast %add3A_474 : i32 to vector<16xi32>
        %add3A_476 = arith.addi %broadcast_in_dim3A_170, %add3A_475 : vector<16xi32>
        %select_n3A_477 = arith.select %lt3A_473, %add3A_476, %broadcast_in_dim3A_170 : vector<16xi1>, vector<16xi32>
        %reshape3A_478 = vector.shape_cast %select_n3A_477 : vector<16xi32> to vector<16x1xi32>
        %gather3A_479 = vector.shape_cast %reshape3A_478 : vector<16x1xi32> to vector<16xi32>
        %gather3A_480 = tpu.dynamic_gather %select_n3A_436[%gather3A_479] in [0] : vector<16xi32>, vector<16xi32> -> vector<16xi32>
        %mul3A_481 = arith.constant 80 : i32
        %mul3A_482 = arith.muli %scan3A_278, %mul3A_481 : i32
        %add3A_483 = arith.constant 16 : i32
        %add3A_484 = arith.addi %mul3A_482, %add3A_483 : i32
        %get3A_485 = arith.index_cast %add3A_484 : i32 to index
        %get3A_486 = tpu.vector_load %arg5[%get3A_485] {strides = array<i32>} : memref<10000xf32, #tpu.memory_space<vmem>>, vector<16xf32>,
        %get3A_487 = arith.index_cast %add3A_484 : i32 to index
        %get3A_488 = tpu.vector_load %arg6[%get3A_487] {strides = array<i32>} : memref<10000xi32, #tpu.memory_space<vmem>>, vector<16xi32>,
        %mul3A_489 = arith.constant 10000 : i32
        %mul3A_490 = arith.muli %scan3A_259, %mul3A_489 : i32
        %add3A_491 = arith.addi %mul3A_2, %mul3A_490 : i32
        %add3A_492 = arith.addi %add3A_491, %add3A_484 : i32
        %add3A_493 = vector.broadcast %add3A_492 : i32 to vector<16xi32>
        %add3A_494 = arith.addi %add3A_493, %iota3A : vector<16xi32>
        %lt3A_495 = arith.constant 0 : i32
        %lt3A_496 = vector.broadcast %lt3A_495 : i32 to vector<16xi32>
        %lt3A_497 = arith.cmpi slt, %max3A_168, %lt3A_496 : vector<16xi32>
        %add3A_498 = arith.constant 16 : i32
        %add3A_499 = vector.broadcast %add3A_498 : i32 to vector<16xi32>
        %add3A_500 = arith.addi %max3A_168, %add3A_499 : vector<16xi32>
        %select_n3A_501 = arith.select %lt3A_497, %add3A_500, %max3A_168 : vector<16xi1>, vector<16xi32>
        %reshape3A_502 = vector.shape_cast %select_n3A_501 : vector<16xi32> to vector<16x1xi32>
        %gather3A_503 = vector.shape_cast %reshape3A_502 : vector<16x1xi32> to vector<16xi32>
        %gather3A_504 = tpu.dynamic_gather %get3A_488[%gather3A_503] in [0] : vector<16xi32>, vector<16xi32> -> vector<16xi32>
        %ne3A_505 = arith.cmpi ne, %get3A_488, %gather3A_504 : vector<16xi32>
        %or3A_506 = arith.ori %ne3A_505, %eq3A_173 : vector<16xi1>
        %jit3A_507 = arith.constant -1 : i32
        %broadcast_in_dim3A_508 = vector.broadcast %jit3A_507 : i32 to vector<16xi32>
        %select_n3A_509 = arith.select %or3A_506, %add3A_494, %broadcast_in_dim3A_508 : vector<16xi1>, vector<16xi32>
        %broadcast_in_dim3A_510 = arith.constant true
        %broadcast_in_dim3A_511 = vector.broadcast %broadcast_in_dim3A_510 : i1 to vector<16xi1>
        %masked_cummax3A_512 = arith.constant -2147483648 : i32
        %masked_cummax3A_513 = vector.broadcast %masked_cummax3A_512 : i32 to vector<16xi32>
        %masked_cummax3A_514 = arith.xori %select_n3A_509, %masked_cummax3A_513 : vector<16xi32>
        %masked_cummax3A_515 = tpu.scan <max>, %masked_cummax3A_514 masked %broadcast_in_dim3A_511 : vector<16xi32>, vector<16xi1> -> vector<16xi32>
        %masked_cummax3A_516 = arith.xori %masked_cummax3A_515, %masked_cummax3A_513 : vector<16xi32>
        %sub3A_517 = vector.broadcast %add3A_492 : i32 to vector<16xi32>
        %sub3A_518 = arith.subi %masked_cummax3A_516, %sub3A_517 : vector<16xi32>
        %max3A_519 = arith.constant 0 : i32
        %max3A_520 = vector.broadcast %max3A_519 : i32 to vector<16xi32>
        %max3A_521 = arith.maxsi %sub3A_518, %max3A_520 : vector<16xi32>
        %sub3A_522 = arith.constant 1 : i32
        %sub3A_523 = vector.broadcast %sub3A_522 : i32 to vector<16xi32>
        %sub3A_524 = arith.subi %iota3A, %sub3A_523 : vector<16xi32>
        %max3A_525 = arith.maxsi %sub3A_524, %max3A_521 : vector<16xi32>
        %lt3A_526 = arith.constant 0 : i32
        %lt3A_527 = vector.broadcast %lt3A_526 : i32 to vector<16xi32>
        %lt3A_528 = arith.cmpi slt, %max3A_525, %lt3A_527 : vector<16xi32>
        %add3A_529 = arith.constant 16 : i32
        %add3A_530 = vector.broadcast %add3A_529 : i32 to vector<16xi32>
        %add3A_531 = arith.addi %max3A_525, %add3A_530 : vector<16xi32>
        %select_n3A_532 = arith.select %lt3A_528, %add3A_531, %max3A_525 : vector<16xi1>, vector<16xi32>
        %reshape3A_533 = vector.shape_cast %select_n3A_532 : vector<16xi32> to vector<16x1xi32>
        %gather3A_534 = vector.shape_cast %reshape3A_533 : vector<16x1xi32> to vector<16xi32>
        %gather3A_535 = tpu.dynamic_gather %get3A_486[%gather3A_534] in [0] : vector<16xf32>, vector<16xi32> -> vector<16xf32>
        %lt3A_536 = arith.constant 0 : i32
        %lt3A_537 = vector.broadcast %lt3A_536 : i32 to vector<16xi32>
        %lt3A_538 = arith.cmpi slt, %max3A_525, %lt3A_537 : vector<16xi32>
        %add3A_539 = arith.constant 16 : i32
        %add3A_540 = vector.broadcast %add3A_539 : i32 to vector<16xi32>
        %add3A_541 = arith.addi %max3A_525, %add3A_540 : vector<16xi32>
        %select_n3A_542 = arith.select %lt3A_538, %add3A_541, %max3A_525 : vector<16xi1>, vector<16xi32>
        %reshape3A_543 = vector.shape_cast %select_n3A_542 : vector<16xi32> to vector<16x1xi32>
        %gather3A_544 = vector.shape_cast %reshape3A_543 : vector<16x1xi32> to vector<16xi32>
        %gather3A_545 = tpu.dynamic_gather %add3A_494[%gather3A_544] in [0] : vector<16xi32>, vector<16xi32> -> vector<16xi32>
        %ge3A_546 = arith.cmpf oge, %gather3A_535, %get3A_486 : vector<16xf32>
        %select_n3A_547 = arith.select %ge3A_546, %gather3A_535, %get3A_486 : vector<16xi1>, vector<16xf32>
        %select_n3A_548 = arith.select %ge3A_546, %gather3A_545, %add3A_494 : vector<16xi1>, vector<16xi32>
        %sub3A_549 = arith.constant 2 : i32
        %sub3A_550 = vector.broadcast %sub3A_549 : i32 to vector<16xi32>
        %sub3A_551 = arith.subi %iota3A, %sub3A_550 : vector<16xi32>
        %max3A_552 = arith.maxsi %sub3A_551, %max3A_521 : vector<16xi32>
        %lt3A_553 = arith.constant 0 : i32
        %lt3A_554 = vector.broadcast %lt3A_553 : i32 to vector<16xi32>
        %lt3A_555 = arith.cmpi slt, %max3A_552, %lt3A_554 : vector<16xi32>
        %add3A_556 = arith.constant 16 : i32
        %add3A_557 = vector.broadcast %add3A_556 : i32 to vector<16xi32>
        %add3A_558 = arith.addi %max3A_552, %add3A_557 : vector<16xi32>
        %select_n3A_559 = arith.select %lt3A_555, %add3A_558, %max3A_552 : vector<16xi1>, vector<16xi32>
        %reshape3A_560 = vector.shape_cast %select_n3A_559 : vector<16xi32> to vector<16x1xi32>
        %gather3A_561 = vector.shape_cast %reshape3A_560 : vector<16x1xi32> to vector<16xi32>
        %gather3A_562 = tpu.dynamic_gather %select_n3A_547[%gather3A_561] in [0] : vector<16xf32>, vector<16xi32> -> vector<16xf32>
        %lt3A_563 = arith.constant 0 : i32
        %lt3A_564 = vector.broadcast %lt3A_563 : i32 to vector<16xi32>
        %lt3A_565 = arith.cmpi slt, %max3A_552, %lt3A_564 : vector<16xi32>
        %add3A_566 = arith.constant 16 : i32
        %add3A_567 = vector.broadcast %add3A_566 : i32 to vector<16xi32>
        %add3A_568 = arith.addi %max3A_552, %add3A_567 : vector<16xi32>
        %select_n3A_569 = arith.select %lt3A_565, %add3A_568, %max3A_552 : vector<16xi1>, vector<16xi32>
        %reshape3A_570 = vector.shape_cast %select_n3A_569 : vector<16xi32> to vector<16x1xi32>
        %gather3A_571 = vector.shape_cast %reshape3A_570 : vector<16x1xi32> to vector<16xi32>
        %gather3A_572 = tpu.dynamic_gather %select_n3A_548[%gather3A_571] in [0] : vector<16xi32>, vector<16xi32> -> vector<16xi32>
        %ge3A_573 = arith.cmpf oge, %gather3A_562, %select_n3A_547 : vector<16xf32>
        %select_n3A_574 = arith.select %ge3A_573, %gather3A_562, %select_n3A_547 : vector<16xi1>, vector<16xf32>
        %select_n3A_575 = arith.select %ge3A_573, %gather3A_572, %select_n3A_548 : vector<16xi1>, vector<16xi32>
        %sub3A_576 = arith.constant 4 : i32
        %sub3A_577 = vector.broadcast %sub3A_576 : i32 to vector<16xi32>
        %sub3A_578 = arith.subi %iota3A, %sub3A_577 : vector<16xi32>
        %max3A_579 = arith.maxsi %sub3A_578, %max3A_521 : vector<16xi32>
        %lt3A_580 = arith.constant 0 : i32
        %lt3A_581 = vector.broadcast %lt3A_580 : i32 to vector<16xi32>
        %lt3A_582 = arith.cmpi slt, %max3A_579, %lt3A_581 : vector<16xi32>
        %add3A_583 = arith.constant 16 : i32
        %add3A_584 = vector.broadcast %add3A_583 : i32 to vector<16xi32>
        %add3A_585 = arith.addi %max3A_579, %add3A_584 : vector<16xi32>
        %select_n3A_586 = arith.select %lt3A_582, %add3A_585, %max3A_579 : vector<16xi1>, vector<16xi32>
        %reshape3A_587 = vector.shape_cast %select_n3A_586 : vector<16xi32> to vector<16x1xi32>
        %gather3A_588 = vector.shape_cast %reshape3A_587 : vector<16x1xi32> to vector<16xi32>
        %gather3A_589 = tpu.dynamic_gather %select_n3A_574[%gather3A_588] in [0] : vector<16xf32>, vector<16xi32> -> vector<16xf32>
        %lt3A_590 = arith.constant 0 : i32
        %lt3A_591 = vector.broadcast %lt3A_590 : i32 to vector<16xi32>
        %lt3A_592 = arith.cmpi slt, %max3A_579, %lt3A_591 : vector<16xi32>
        %add3A_593 = arith.constant 16 : i32
        %add3A_594 = vector.broadcast %add3A_593 : i32 to vector<16xi32>
        %add3A_595 = arith.addi %max3A_579, %add3A_594 : vector<16xi32>
        %select_n3A_596 = arith.select %lt3A_592, %add3A_595, %max3A_579 : vector<16xi1>, vector<16xi32>
        %reshape3A_597 = vector.shape_cast %select_n3A_596 : vector<16xi32> to vector<16x1xi32>
        %gather3A_598 = vector.shape_cast %reshape3A_597 : vector<16x1xi32> to vector<16xi32>
        %gather3A_599 = tpu.dynamic_gather %select_n3A_575[%gather3A_598] in [0] : vector<16xi32>, vector<16xi32> -> vector<16xi32>
        %ge3A_600 = arith.cmpf oge, %gather3A_589, %select_n3A_574 : vector<16xf32>
        %select_n3A_601 = arith.select %ge3A_600, %gather3A_589, %select_n3A_574 : vector<16xi1>, vector<16xf32>
        %select_n3A_602 = arith.select %ge3A_600, %gather3A_599, %select_n3A_575 : vector<16xi1>, vector<16xi32>
        %sub3A_603 = arith.constant 8 : i32
        %sub3A_604 = vector.broadcast %sub3A_603 : i32 to vector<16xi32>
        %sub3A_605 = arith.subi %iota3A, %sub3A_604 : vector<16xi32>
        %max3A_606 = arith.maxsi %sub3A_605, %max3A_521 : vector<16xi32>
        %lt3A_607 = arith.constant 0 : i32
        %lt3A_608 = vector.broadcast %lt3A_607 : i32 to vector<16xi32>
        %lt3A_609 = arith.cmpi slt, %max3A_606, %lt3A_608 : vector<16xi32>
        %add3A_610 = arith.constant 16 : i32
        %add3A_611 = vector.broadcast %add3A_610 : i32 to vector<16xi32>
        %add3A_612 = arith.addi %max3A_606, %add3A_611 : vector<16xi32>
        %select_n3A_613 = arith.select %lt3A_609, %add3A_612, %max3A_606 : vector<16xi1>, vector<16xi32>
        %reshape3A_614 = vector.shape_cast %select_n3A_613 : vector<16xi32> to vector<16x1xi32>
        %gather3A_615 = vector.shape_cast %reshape3A_614 : vector<16x1xi32> to vector<16xi32>
        %gather3A_616 = tpu.dynamic_gather %select_n3A_601[%gather3A_615] in [0] : vector<16xf32>, vector<16xi32> -> vector<16xf32>
        %lt3A_617 = arith.constant 0 : i32
        %lt3A_618 = vector.broadcast %lt3A_617 : i32 to vector<16xi32>
        %lt3A_619 = arith.cmpi slt, %max3A_606, %lt3A_618 : vector<16xi32>
        %add3A_620 = arith.constant 16 : i32
        %add3A_621 = vector.broadcast %add3A_620 : i32 to vector<16xi32>
        %add3A_622 = arith.addi %max3A_606, %add3A_621 : vector<16xi32>
        %select_n3A_623 = arith.select %lt3A_619, %add3A_622, %max3A_606 : vector<16xi1>, vector<16xi32>
        %reshape3A_624 = vector.shape_cast %select_n3A_623 : vector<16xi32> to vector<16x1xi32>
        %gather3A_625 = vector.shape_cast %reshape3A_624 : vector<16x1xi32> to vector<16xi32>
        %gather3A_626 = tpu.dynamic_gather %select_n3A_602[%gather3A_625] in [0] : vector<16xi32>, vector<16xi32> -> vector<16xi32>
        %ge3A_627 = arith.cmpf oge, %gather3A_616, %select_n3A_601 : vector<16xf32>
        %select_n3A_628 = arith.select %ge3A_627, %gather3A_616, %select_n3A_601 : vector<16xi1>, vector<16xf32>
        %select_n3A_629 = arith.select %ge3A_627, %gather3A_626, %select_n3A_602 : vector<16xi1>, vector<16xi32>
        %eq3A_630 = arith.cmpi eq, %get3A_488, %gather3A_450 : vector<16xi32>
        %ge3A_631 = arith.cmpf oge, %gather3A_460, %select_n3A_628 : vector<16xf32>
        %and3A_632 = arith.andi %eq3A_630, %ge3A_631 : vector<16xi1>
        %select_n3A_633 = arith.select %and3A_632, %gather3A_460, %select_n3A_628 : vector<16xi1>, vector<16xf32>
        %select_n3A_634 = arith.select %and3A_632, %gather3A_470, %select_n3A_629 : vector<16xi1>, vector<16xi32>
        %select_n3A_635 = arith.select %eq3A_630, %gather3A_480, %masked_cummax3A_516 : vector<16xi1>, vector<16xi32>
        %sub3A_636 = arith.subi %select_n3A_634, %select_n3A_635 : vector<16xi32>
        %ge3A_637 = arith.constant 0 : i32
        %ge3A_638 = vector.broadcast %ge3A_637 : i32 to vector<16xi32>
        %ge3A_639 = arith.cmpi sge, %select_n3A_635, %ge3A_638 : vector<16xi32>
        tpu.vector_store_idx %arg9[%get3A_488], %sub3A_636 masked %ge3A_639 : memref<100128xi32, #tpu.memory_space<vmem>>[vector<16xi32>], vector<16xi32>, vector<16xi1>
        %lt3A_640 = arith.constant 0 : i32
        %lt3A_641 = vector.broadcast %lt3A_640 : i32 to vector<16xi32>
        %lt3A_642 = arith.cmpi slt, %broadcast_in_dim3A_170, %lt3A_641 : vector<16xi32>
        %add3A_643 = arith.constant 16 : i32
        %add3A_644 = vector.broadcast %add3A_643 : i32 to vector<16xi32>
        %add3A_645 = arith.addi %broadcast_in_dim3A_170, %add3A_644 : vector<16xi32>
        %select_n3A_646 = arith.select %lt3A_642, %add3A_645, %broadcast_in_dim3A_170 : vector<16xi1>, vector<16xi32>
        %reshape3A_647 = vector.shape_cast %select_n3A_646 : vector<16xi32> to vector<16x1xi32>
        %gather3A_648 = vector.shape_cast %reshape3A_647 : vector<16x1xi32> to vector<16xi32>
        %gather3A_649 = tpu.dynamic_gather %get3A_488[%gather3A_648] in [0] : vector<16xi32>, vector<16xi32> -> vector<16xi32>
        %lt3A_650 = arith.constant 0 : i32
        %lt3A_651 = vector.broadcast %lt3A_650 : i32 to vector<16xi32>
        %lt3A_652 = arith.cmpi slt, %broadcast_in_dim3A_170, %lt3A_651 : vector<16xi32>
        %add3A_653 = arith.constant 16 : i32
        %add3A_654 = vector.broadcast %add3A_653 : i32 to vector<16xi32>
        %add3A_655 = arith.addi %broadcast_in_dim3A_170, %add3A_654 : vector<16xi32>
        %select_n3A_656 = arith.select %lt3A_652, %add3A_655, %broadcast_in_dim3A_170 : vector<16xi1>, vector<16xi32>
        %reshape3A_657 = vector.shape_cast %select_n3A_656 : vector<16xi32> to vector<16x1xi32>
        %gather3A_658 = vector.shape_cast %reshape3A_657 : vector<16x1xi32> to vector<16xi32>
        %gather3A_659 = tpu.dynamic_gather %select_n3A_633[%gather3A_658] in [0] : vector<16xf32>, vector<16xi32> -> vector<16xf32>
        %lt3A_660 = arith.constant 0 : i32
        %lt3A_661 = vector.broadcast %lt3A_660 : i32 to vector<16xi32>
        %lt3A_662 = arith.cmpi slt, %broadcast_in_dim3A_170, %lt3A_661 : vector<16xi32>
        %add3A_663 = arith.constant 16 : i32
        %add3A_664 = vector.broadcast %add3A_663 : i32 to vector<16xi32>
        %add3A_665 = arith.addi %broadcast_in_dim3A_170, %add3A_664 : vector<16xi32>
        %select_n3A_666 = arith.select %lt3A_662, %add3A_665, %broadcast_in_dim3A_170 : vector<16xi1>, vector<16xi32>
        %reshape3A_667 = vector.shape_cast %select_n3A_666 : vector<16xi32> to vector<16x1xi32>
        %gather3A_668 = vector.shape_cast %reshape3A_667 : vector<16x1xi32> to vector<16xi32>
        %gather3A_669 = tpu.dynamic_gather %select_n3A_634[%gather3A_668] in [0] : vector<16xi32>, vector<16xi32> -> vector<16xi32>
        %lt3A_670 = arith.constant 0 : i32
        %lt3A_671 = vector.broadcast %lt3A_670 : i32 to vector<16xi32>
        %lt3A_672 = arith.cmpi slt, %broadcast_in_dim3A_170, %lt3A_671 : vector<16xi32>
        %add3A_673 = arith.constant 16 : i32
        %add3A_674 = vector.broadcast %add3A_673 : i32 to vector<16xi32>
        %add3A_675 = arith.addi %broadcast_in_dim3A_170, %add3A_674 : vector<16xi32>
        %select_n3A_676 = arith.select %lt3A_672, %add3A_675, %broadcast_in_dim3A_170 : vector<16xi1>, vector<16xi32>
        %reshape3A_677 = vector.shape_cast %select_n3A_676 : vector<16xi32> to vector<16x1xi32>
        %gather3A_678 = vector.shape_cast %reshape3A_677 : vector<16x1xi32> to vector<16xi32>
        %gather3A_679 = tpu.dynamic_gather %select_n3A_635[%gather3A_678] in [0] : vector<16xi32>, vector<16xi32> -> vector<16xi32>
        %mul3A_680 = arith.constant 80 : i32
        %mul3A_681 = arith.muli %scan3A_278, %mul3A_680 : i32
        %add3A_682 = arith.constant 32 : i32
        %add3A_683 = arith.addi %mul3A_681, %add3A_682 : i32
        %get3A_684 = arith.index_cast %add3A_683 : i32 to index
        %get3A_685 = tpu.vector_load %arg5[%get3A_684] {strides = array<i32>} : memref<10000xf32, #tpu.memory_space<vmem>>, vector<16xf32>,
        %get3A_686 = arith.index_cast %add3A_683 : i32 to index
        %get3A_687 = tpu.vector_load %arg6[%get3A_686] {strides = array<i32>} : memref<10000xi32, #tpu.memory_space<vmem>>, vector<16xi32>,
        %mul3A_688 = arith.constant 10000 : i32
        %mul3A_689 = arith.muli %scan3A_259, %mul3A_688 : i32
        %add3A_690 = arith.addi %mul3A_2, %mul3A_689 : i32
        %add3A_691 = arith.addi %add3A_690, %add3A_683 : i32
        %add3A_692 = vector.broadcast %add3A_691 : i32 to vector<16xi32>
        %add3A_693 = arith.addi %add3A_692, %iota3A : vector<16xi32>
        %lt3A_694 = arith.constant 0 : i32
        %lt3A_695 = vector.broadcast %lt3A_694 : i32 to vector<16xi32>
        %lt3A_696 = arith.cmpi slt, %max3A_168, %lt3A_695 : vector<16xi32>
        %add3A_697 = arith.constant 16 : i32
        %add3A_698 = vector.broadcast %add3A_697 : i32 to vector<16xi32>
        %add3A_699 = arith.addi %max3A_168, %add3A_698 : vector<16xi32>
        %select_n3A_700 = arith.select %lt3A_696, %add3A_699, %max3A_168 : vector<16xi1>, vector<16xi32>
        %reshape3A_701 = vector.shape_cast %select_n3A_700 : vector<16xi32> to vector<16x1xi32>
        %gather3A_702 = vector.shape_cast %reshape3A_701 : vector<16x1xi32> to vector<16xi32>
        %gather3A_703 = tpu.dynamic_gather %get3A_687[%gather3A_702] in [0] : vector<16xi32>, vector<16xi32> -> vector<16xi32>
        %ne3A_704 = arith.cmpi ne, %get3A_687, %gather3A_703 : vector<16xi32>
        %or3A_705 = arith.ori %ne3A_704, %eq3A_173 : vector<16xi1>
        %jit3A_706 = arith.constant -1 : i32
        %broadcast_in_dim3A_707 = vector.broadcast %jit3A_706 : i32 to vector<16xi32>
        %select_n3A_708 = arith.select %or3A_705, %add3A_693, %broadcast_in_dim3A_707 : vector<16xi1>, vector<16xi32>
        %broadcast_in_dim3A_709 = arith.constant true
        %broadcast_in_dim3A_710 = vector.broadcast %broadcast_in_dim3A_709 : i1 to vector<16xi1>
        %masked_cummax3A_711 = arith.constant -2147483648 : i32
        %masked_cummax3A_712 = vector.broadcast %masked_cummax3A_711 : i32 to vector<16xi32>
        %masked_cummax3A_713 = arith.xori %select_n3A_708, %masked_cummax3A_712 : vector<16xi32>
        %masked_cummax3A_714 = tpu.scan <max>, %masked_cummax3A_713 masked %broadcast_in_dim3A_710 : vector<16xi32>, vector<16xi1> -> vector<16xi32>
        %masked_cummax3A_715 = arith.xori %masked_cummax3A_714, %masked_cummax3A_712 : vector<16xi32>
        %sub3A_716 = vector.broadcast %add3A_691 : i32 to vector<16xi32>
        %sub3A_717 = arith.subi %masked_cummax3A_715, %sub3A_716 : vector<16xi32>
        %max3A_718 = arith.constant 0 : i32
        %max3A_719 = vector.broadcast %max3A_718 : i32 to vector<16xi32>
        %max3A_720 = arith.maxsi %sub3A_717, %max3A_719 : vector<16xi32>
        %sub3A_721 = arith.constant 1 : i32
        %sub3A_722 = vector.broadcast %sub3A_721 : i32 to vector<16xi32>
        %sub3A_723 = arith.subi %iota3A, %sub3A_722 : vector<16xi32>
        %max3A_724 = arith.maxsi %sub3A_723, %max3A_720 : vector<16xi32>
        %lt3A_725 = arith.constant 0 : i32
        %lt3A_726 = vector.broadcast %lt3A_725 : i32 to vector<16xi32>
        %lt3A_727 = arith.cmpi slt, %max3A_724, %lt3A_726 : vector<16xi32>
        %add3A_728 = arith.constant 16 : i32
        %add3A_729 = vector.broadcast %add3A_728 : i32 to vector<16xi32>
        %add3A_730 = arith.addi %max3A_724, %add3A_729 : vector<16xi32>
        %select_n3A_731 = arith.select %lt3A_727, %add3A_730, %max3A_724 : vector<16xi1>, vector<16xi32>
        %reshape3A_732 = vector.shape_cast %select_n3A_731 : vector<16xi32> to vector<16x1xi32>
        %gather3A_733 = vector.shape_cast %reshape3A_732 : vector<16x1xi32> to vector<16xi32>
        %gather3A_734 = tpu.dynamic_gather %get3A_685[%gather3A_733] in [0] : vector<16xf32>, vector<16xi32> -> vector<16xf32>
        %lt3A_735 = arith.constant 0 : i32
        %lt3A_736 = vector.broadcast %lt3A_735 : i32 to vector<16xi32>
        %lt3A_737 = arith.cmpi slt, %max3A_724, %lt3A_736 : vector<16xi32>
        %add3A_738 = arith.constant 16 : i32
        %add3A_739 = vector.broadcast %add3A_738 : i32 to vector<16xi32>
        %add3A_740 = arith.addi %max3A_724, %add3A_739 : vector<16xi32>
        %select_n3A_741 = arith.select %lt3A_737, %add3A_740, %max3A_724 : vector<16xi1>, vector<16xi32>
        %reshape3A_742 = vector.shape_cast %select_n3A_741 : vector<16xi32> to vector<16x1xi32>
        %gather3A_743 = vector.shape_cast %reshape3A_742 : vector<16x1xi32> to vector<16xi32>
        %gather3A_744 = tpu.dynamic_gather %add3A_693[%gather3A_743] in [0] : vector<16xi32>, vector<16xi32> -> vector<16xi32>
        %ge3A_745 = arith.cmpf oge, %gather3A_734, %get3A_685 : vector<16xf32>
        %select_n3A_746 = arith.select %ge3A_745, %gather3A_734, %get3A_685 : vector<16xi1>, vector<16xf32>
        %select_n3A_747 = arith.select %ge3A_745, %gather3A_744, %add3A_693 : vector<16xi1>, vector<16xi32>
        %sub3A_748 = arith.constant 2 : i32
        %sub3A_749 = vector.broadcast %sub3A_748 : i32 to vector<16xi32>
        %sub3A_750 = arith.subi %iota3A, %sub3A_749 : vector<16xi32>
        %max3A_751 = arith.maxsi %sub3A_750, %max3A_720 : vector<16xi32>
        %lt3A_752 = arith.constant 0 : i32
        %lt3A_753 = vector.broadcast %lt3A_752 : i32 to vector<16xi32>
        %lt3A_754 = arith.cmpi slt, %max3A_751, %lt3A_753 : vector<16xi32>
        %add3A_755 = arith.constant 16 : i32
        %add3A_756 = vector.broadcast %add3A_755 : i32 to vector<16xi32>
        %add3A_757 = arith.addi %max3A_751, %add3A_756 : vector<16xi32>
        %select_n3A_758 = arith.select %lt3A_754, %add3A_757, %max3A_751 : vector<16xi1>, vector<16xi32>
        %reshape3A_759 = vector.shape_cast %select_n3A_758 : vector<16xi32> to vector<16x1xi32>
        %gather3A_760 = vector.shape_cast %reshape3A_759 : vector<16x1xi32> to vector<16xi32>
        %gather3A_761 = tpu.dynamic_gather %select_n3A_746[%gather3A_760] in [0] : vector<16xf32>, vector<16xi32> -> vector<16xf32>
        %lt3A_762 = arith.constant 0 : i32
        %lt3A_763 = vector.broadcast %lt3A_762 : i32 to vector<16xi32>
        %lt3A_764 = arith.cmpi slt, %max3A_751, %lt3A_763 : vector<16xi32>
        %add3A_765 = arith.constant 16 : i32
        %add3A_766 = vector.broadcast %add3A_765 : i32 to vector<16xi32>
        %add3A_767 = arith.addi %max3A_751, %add3A_766 : vector<16xi32>
        %select_n3A_768 = arith.select %lt3A_764, %add3A_767, %max3A_751 : vector<16xi1>, vector<16xi32>
        %reshape3A_769 = vector.shape_cast %select_n3A_768 : vector<16xi32> to vector<16x1xi32>
        %gather3A_770 = vector.shape_cast %reshape3A_769 : vector<16x1xi32> to vector<16xi32>
        %gather3A_771 = tpu.dynamic_gather %select_n3A_747[%gather3A_770] in [0] : vector<16xi32>, vector<16xi32> -> vector<16xi32>
        %ge3A_772 = arith.cmpf oge, %gather3A_761, %select_n3A_746 : vector<16xf32>
        %select_n3A_773 = arith.select %ge3A_772, %gather3A_761, %select_n3A_746 : vector<16xi1>, vector<16xf32>
        %select_n3A_774 = arith.select %ge3A_772, %gather3A_771, %select_n3A_747 : vector<16xi1>, vector<16xi32>
        %sub3A_775 = arith.constant 4 : i32
        %sub3A_776 = vector.broadcast %sub3A_775 : i32 to vector<16xi32>
        %sub3A_777 = arith.subi %iota3A, %sub3A_776 : vector<16xi32>
        %max3A_778 = arith.maxsi %sub3A_777, %max3A_720 : vector<16xi32>
        %lt3A_779 = arith.constant 0 : i32
        %lt3A_780 = vector.broadcast %lt3A_779 : i32 to vector<16xi32>
        %lt3A_781 = arith.cmpi slt, %max3A_778, %lt3A_780 : vector<16xi32>
        %add3A_782 = arith.constant 16 : i32
        %add3A_783 = vector.broadcast %add3A_782 : i32 to vector<16xi32>
        %add3A_784 = arith.addi %max3A_778, %add3A_783 : vector<16xi32>
        %select_n3A_785 = arith.select %lt3A_781, %add3A_784, %max3A_778 : vector<16xi1>, vector<16xi32>
        %reshape3A_786 = vector.shape_cast %select_n3A_785 : vector<16xi32> to vector<16x1xi32>
        %gather3A_787 = vector.shape_cast %reshape3A_786 : vector<16x1xi32> to vector<16xi32>
        %gather3A_788 = tpu.dynamic_gather %select_n3A_773[%gather3A_787] in [0] : vector<16xf32>, vector<16xi32> -> vector<16xf32>
        %lt3A_789 = arith.constant 0 : i32
        %lt3A_790 = vector.broadcast %lt3A_789 : i32 to vector<16xi32>
        %lt3A_791 = arith.cmpi slt, %max3A_778, %lt3A_790 : vector<16xi32>
        %add3A_792 = arith.constant 16 : i32
        %add3A_793 = vector.broadcast %add3A_792 : i32 to vector<16xi32>
        %add3A_794 = arith.addi %max3A_778, %add3A_793 : vector<16xi32>
        %select_n3A_795 = arith.select %lt3A_791, %add3A_794, %max3A_778 : vector<16xi1>, vector<16xi32>
        %reshape3A_796 = vector.shape_cast %select_n3A_795 : vector<16xi32> to vector<16x1xi32>
        %gather3A_797 = vector.shape_cast %reshape3A_796 : vector<16x1xi32> to vector<16xi32>
        %gather3A_798 = tpu.dynamic_gather %select_n3A_774[%gather3A_797] in [0] : vector<16xi32>, vector<16xi32> -> vector<16xi32>
        %ge3A_799 = arith.cmpf oge, %gather3A_788, %select_n3A_773 : vector<16xf32>
        %select_n3A_800 = arith.select %ge3A_799, %gather3A_788, %select_n3A_773 : vector<16xi1>, vector<16xf32>
        %select_n3A_801 = arith.select %ge3A_799, %gather3A_798, %select_n3A_774 : vector<16xi1>, vector<16xi32>
        %sub3A_802 = arith.constant 8 : i32
        %sub3A_803 = vector.broadcast %sub3A_802 : i32 to vector<16xi32>
        %sub3A_804 = arith.subi %iota3A, %sub3A_803 : vector<16xi32>
        %max3A_805 = arith.maxsi %sub3A_804, %max3A_720 : vector<16xi32>
        %lt3A_806 = arith.constant 0 : i32
        %lt3A_807 = vector.broadcast %lt3A_806 : i32 to vector<16xi32>
        %lt3A_808 = arith.cmpi slt, %max3A_805, %lt3A_807 : vector<16xi32>
        %add3A_809 = arith.constant 16 : i32
        %add3A_810 = vector.broadcast %add3A_809 : i32 to vector<16xi32>
        %add3A_811 = arith.addi %max3A_805, %add3A_810 : vector<16xi32>
        %select_n3A_812 = arith.select %lt3A_808, %add3A_811, %max3A_805 : vector<16xi1>, vector<16xi32>
        %reshape3A_813 = vector.shape_cast %select_n3A_812 : vector<16xi32> to vector<16x1xi32>
        %gather3A_814 = vector.shape_cast %reshape3A_813 : vector<16x1xi32> to vector<16xi32>
        %gather3A_815 = tpu.dynamic_gather %select_n3A_800[%gather3A_814] in [0] : vector<16xf32>, vector<16xi32> -> vector<16xf32>
        %lt3A_816 = arith.constant 0 : i32
        %lt3A_817 = vector.broadcast %lt3A_816 : i32 to vector<16xi32>
        %lt3A_818 = arith.cmpi slt, %max3A_805, %lt3A_817 : vector<16xi32>
        %add3A_819 = arith.constant 16 : i32
        %add3A_820 = vector.broadcast %add3A_819 : i32 to vector<16xi32>
        %add3A_821 = arith.addi %max3A_805, %add3A_820 : vector<16xi32>
        %select_n3A_822 = arith.select %lt3A_818, %add3A_821, %max3A_805 : vector<16xi1>, vector<16xi32>
        %reshape3A_823 = vector.shape_cast %select_n3A_822 : vector<16xi32> to vector<16x1xi32>
        %gather3A_824 = vector.shape_cast %reshape3A_823 : vector<16x1xi32> to vector<16xi32>
        %gather3A_825 = tpu.dynamic_gather %select_n3A_801[%gather3A_824] in [0] : vector<16xi32>, vector<16xi32> -> vector<16xi32>
        %ge3A_826 = arith.cmpf oge, %gather3A_815, %select_n3A_800 : vector<16xf32>
        %select_n3A_827 = arith.select %ge3A_826, %gather3A_815, %select_n3A_800 : vector<16xi1>, vector<16xf32>
        %select_n3A_828 = arith.select %ge3A_826, %gather3A_825, %select_n3A_801 : vector<16xi1>, vector<16xi32>
        %eq3A_829 = arith.cmpi eq, %get3A_687, %gather3A_649 : vector<16xi32>
        %ge3A_830 = arith.cmpf oge, %gather3A_659, %select_n3A_827 : vector<16xf32>
        %and3A_831 = arith.andi %eq3A_829, %ge3A_830 : vector<16xi1>
        %select_n3A_832 = arith.select %and3A_831, %gather3A_659, %select_n3A_827 : vector<16xi1>, vector<16xf32>
        %select_n3A_833 = arith.select %and3A_831, %gather3A_669, %select_n3A_828 : vector<16xi1>, vector<16xi32>
        %select_n3A_834 = arith.select %eq3A_829, %gather3A_679, %masked_cummax3A_715 : vector<16xi1>, vector<16xi32>
        %sub3A_835 = arith.subi %select_n3A_833, %select_n3A_834 : vector<16xi32>
        %ge3A_836 = arith.constant 0 : i32
        %ge3A_837 = vector.broadcast %ge3A_836 : i32 to vector<16xi32>
        %ge3A_838 = arith.cmpi sge, %select_n3A_834, %ge3A_837 : vector<16xi32>
        tpu.vector_store_idx %arg9[%get3A_687], %sub3A_835 masked %ge3A_838 : memref<100128xi32, #tpu.memory_space<vmem>>[vector<16xi32>], vector<16xi32>, vector<16xi1>
        %lt3A_839 = arith.constant 0 : i32
        %lt3A_840 = vector.broadcast %lt3A_839 : i32 to vector<16xi32>
        %lt3A_841 = arith.cmpi slt, %broadcast_in_dim3A_170, %lt3A_840 : vector<16xi32>
        %add3A_842 = arith.constant 16 : i32
        %add3A_843 = vector.broadcast %add3A_842 : i32 to vector<16xi32>
        %add3A_844 = arith.addi %broadcast_in_dim3A_170, %add3A_843 : vector<16xi32>
        %select_n3A_845 = arith.select %lt3A_841, %add3A_844, %broadcast_in_dim3A_170 : vector<16xi1>, vector<16xi32>
        %reshape3A_846 = vector.shape_cast %select_n3A_845 : vector<16xi32> to vector<16x1xi32>
        %gather3A_847 = vector.shape_cast %reshape3A_846 : vector<16x1xi32> to vector<16xi32>
        %gather3A_848 = tpu.dynamic_gather %get3A_687[%gather3A_847] in [0] : vector<16xi32>, vector<16xi32> -> vector<16xi32>
        %lt3A_849 = arith.constant 0 : i32
        %lt3A_850 = vector.broadcast %lt3A_849 : i32 to vector<16xi32>
        %lt3A_851 = arith.cmpi slt, %broadcast_in_dim3A_170, %lt3A_850 : vector<16xi32>
        %add3A_852 = arith.constant 16 : i32
        %add3A_853 = vector.broadcast %add3A_852 : i32 to vector<16xi32>
        %add3A_854 = arith.addi %broadcast_in_dim3A_170, %add3A_853 : vector<16xi32>
        %select_n3A_855 = arith.select %lt3A_851, %add3A_854, %broadcast_in_dim3A_170 : vector<16xi1>, vector<16xi32>
        %reshape3A_856 = vector.shape_cast %select_n3A_855 : vector<16xi32> to vector<16x1xi32>
        %gather3A_857 = vector.shape_cast %reshape3A_856 : vector<16x1xi32> to vector<16xi32>
        %gather3A_858 = tpu.dynamic_gather %select_n3A_832[%gather3A_857] in [0] : vector<16xf32>, vector<16xi32> -> vector<16xf32>
        %lt3A_859 = arith.constant 0 : i32
        %lt3A_860 = vector.broadcast %lt3A_859 : i32 to vector<16xi32>
        %lt3A_861 = arith.cmpi slt, %broadcast_in_dim3A_170, %lt3A_860 : vector<16xi32>
        %add3A_862 = arith.constant 16 : i32
        %add3A_863 = vector.broadcast %add3A_862 : i32 to vector<16xi32>
        %add3A_864 = arith.addi %broadcast_in_dim3A_170, %add3A_863 : vector<16xi32>
        %select_n3A_865 = arith.select %lt3A_861, %add3A_864, %broadcast_in_dim3A_170 : vector<16xi1>, vector<16xi32>
        %reshape3A_866 = vector.shape_cast %select_n3A_865 : vector<16xi32> to vector<16x1xi32>
        %gather3A_867 = vector.shape_cast %reshape3A_866 : vector<16x1xi32> to vector<16xi32>
        %gather3A_868 = tpu.dynamic_gather %select_n3A_833[%gather3A_867] in [0] : vector<16xi32>, vector<16xi32> -> vector<16xi32>
        %lt3A_869 = arith.constant 0 : i32
        %lt3A_870 = vector.broadcast %lt3A_869 : i32 to vector<16xi32>
        %lt3A_871 = arith.cmpi slt, %broadcast_in_dim3A_170, %lt3A_870 : vector<16xi32>
        %add3A_872 = arith.constant 16 : i32
        %add3A_873 = vector.broadcast %add3A_872 : i32 to vector<16xi32>
        %add3A_874 = arith.addi %broadcast_in_dim3A_170, %add3A_873 : vector<16xi32>
        %select_n3A_875 = arith.select %lt3A_871, %add3A_874, %broadcast_in_dim3A_170 : vector<16xi1>, vector<16xi32>
        %reshape3A_876 = vector.shape_cast %select_n3A_875 : vector<16xi32> to vector<16x1xi32>
        %gather3A_877 = vector.shape_cast %reshape3A_876 : vector<16x1xi32> to vector<16xi32>
        %gather3A_878 = tpu.dynamic_gather %select_n3A_834[%gather3A_877] in [0] : vector<16xi32>, vector<16xi32> -> vector<16xi32>
        %mul3A_879 = arith.constant 80 : i32
        %mul3A_880 = arith.muli %scan3A_278, %mul3A_879 : i32
        %add3A_881 = arith.constant 48 : i32
        %add3A_882 = arith.addi %mul3A_880, %add3A_881 : i32
        %get3A_883 = arith.index_cast %add3A_882 : i32 to index
        %get3A_884 = tpu.vector_load %arg5[%get3A_883] {strides = array<i32>} : memref<10000xf32, #tpu.memory_space<vmem>>, vector<16xf32>,
        %get3A_885 = arith.index_cast %add3A_882 : i32 to index
        %get3A_886 = tpu.vector_load %arg6[%get3A_885] {strides = array<i32>} : memref<10000xi32, #tpu.memory_space<vmem>>, vector<16xi32>,
        %mul3A_887 = arith.constant 10000 : i32
        %mul3A_888 = arith.muli %scan3A_259, %mul3A_887 : i32
        %add3A_889 = arith.addi %mul3A_2, %mul3A_888 : i32
        %add3A_890 = arith.addi %add3A_889, %add3A_882 : i32
        %add3A_891 = vector.broadcast %add3A_890 : i32 to vector<16xi32>
        %add3A_892 = arith.addi %add3A_891, %iota3A : vector<16xi32>
        %lt3A_893 = arith.constant 0 : i32
        %lt3A_894 = vector.broadcast %lt3A_893 : i32 to vector<16xi32>
        %lt3A_895 = arith.cmpi slt, %max3A_168, %lt3A_894 : vector<16xi32>
        %add3A_896 = arith.constant 16 : i32
        %add3A_897 = vector.broadcast %add3A_896 : i32 to vector<16xi32>
        %add3A_898 = arith.addi %max3A_168, %add3A_897 : vector<16xi32>
        %select_n3A_899 = arith.select %lt3A_895, %add3A_898, %max3A_168 : vector<16xi1>, vector<16xi32>
        %reshape3A_900 = vector.shape_cast %select_n3A_899 : vector<16xi32> to vector<16x1xi32>
        %gather3A_901 = vector.shape_cast %reshape3A_900 : vector<16x1xi32> to vector<16xi32>
        %gather3A_902 = tpu.dynamic_gather %get3A_886[%gather3A_901] in [0] : vector<16xi32>, vector<16xi32> -> vector<16xi32>
        %ne3A_903 = arith.cmpi ne, %get3A_886, %gather3A_902 : vector<16xi32>
        %or3A_904 = arith.ori %ne3A_903, %eq3A_173 : vector<16xi1>
        %jit3A_905 = arith.constant -1 : i32
        %broadcast_in_dim3A_906 = vector.broadcast %jit3A_905 : i32 to vector<16xi32>
        %select_n3A_907 = arith.select %or3A_904, %add3A_892, %broadcast_in_dim3A_906 : vector<16xi1>, vector<16xi32>
        %broadcast_in_dim3A_908 = arith.constant true
        %broadcast_in_dim3A_909 = vector.broadcast %broadcast_in_dim3A_908 : i1 to vector<16xi1>
        %masked_cummax3A_910 = arith.constant -2147483648 : i32
        %masked_cummax3A_911 = vector.broadcast %masked_cummax3A_910 : i32 to vector<16xi32>
        %masked_cummax3A_912 = arith.xori %select_n3A_907, %masked_cummax3A_911 : vector<16xi32>
        %masked_cummax3A_913 = tpu.scan <max>, %masked_cummax3A_912 masked %broadcast_in_dim3A_909 : vector<16xi32>, vector<16xi1> -> vector<16xi32>
        %masked_cummax3A_914 = arith.xori %masked_cummax3A_913, %masked_cummax3A_911 : vector<16xi32>
        %sub3A_915 = vector.broadcast %add3A_890 : i32 to vector<16xi32>
        %sub3A_916 = arith.subi %masked_cummax3A_914, %sub3A_915 : vector<16xi32>
        %max3A_917 = arith.constant 0 : i32
        %max3A_918 = vector.broadcast %max3A_917 : i32 to vector<16xi32>
        %max3A_919 = arith.maxsi %sub3A_916, %max3A_918 : vector<16xi32>
        %sub3A_920 = arith.constant 1 : i32
        %sub3A_921 = vector.broadcast %sub3A_920 : i32 to vector<16xi32>
        %sub3A_922 = arith.subi %iota3A, %sub3A_921 : vector<16xi32>
        %max3A_923 = arith.maxsi %sub3A_922, %max3A_919 : vector<16xi32>
        %lt3A_924 = arith.constant 0 : i32
        %lt3A_925 = vector.broadcast %lt3A_924 : i32 to vector<16xi32>
        %lt3A_926 = arith.cmpi slt, %max3A_923, %lt3A_925 : vector<16xi32>
        %add3A_927 = arith.constant 16 : i32
        %add3A_928 = vector.broadcast %add3A_927 : i32 to vector<16xi32>
        %add3A_929 = arith.addi %max3A_923, %add3A_928 : vector<16xi32>
        %select_n3A_930 = arith.select %lt3A_926, %add3A_929, %max3A_923 : vector<16xi1>, vector<16xi32>
        %reshape3A_931 = vector.shape_cast %select_n3A_930 : vector<16xi32> to vector<16x1xi32>
        %gather3A_932 = vector.shape_cast %reshape3A_931 : vector<16x1xi32> to vector<16xi32>
        %gather3A_933 = tpu.dynamic_gather %get3A_884[%gather3A_932] in [0] : vector<16xf32>, vector<16xi32> -> vector<16xf32>
        %lt3A_934 = arith.constant 0 : i32
        %lt3A_935 = vector.broadcast %lt3A_934 : i32 to vector<16xi32>
        %lt3A_936 = arith.cmpi slt, %max3A_923, %lt3A_935 : vector<16xi32>
        %add3A_937 = arith.constant 16 : i32
        %add3A_938 = vector.broadcast %add3A_937 : i32 to vector<16xi32>
        %add3A_939 = arith.addi %max3A_923, %add3A_938 : vector<16xi32>
        %select_n3A_940 = arith.select %lt3A_936, %add3A_939, %max3A_923 : vector<16xi1>, vector<16xi32>
        %reshape3A_941 = vector.shape_cast %select_n3A_940 : vector<16xi32> to vector<16x1xi32>
        %gather3A_942 = vector.shape_cast %reshape3A_941 : vector<16x1xi32> to vector<16xi32>
        %gather3A_943 = tpu.dynamic_gather %add3A_892[%gather3A_942] in [0] : vector<16xi32>, vector<16xi32> -> vector<16xi32>
        %ge3A_944 = arith.cmpf oge, %gather3A_933, %get3A_884 : vector<16xf32>
        %select_n3A_945 = arith.select %ge3A_944, %gather3A_933, %get3A_884 : vector<16xi1>, vector<16xf32>
        %select_n3A_946 = arith.select %ge3A_944, %gather3A_943, %add3A_892 : vector<16xi1>, vector<16xi32>
        %sub3A_947 = arith.constant 2 : i32
        %sub3A_948 = vector.broadcast %sub3A_947 : i32 to vector<16xi32>
        %sub3A_949 = arith.subi %iota3A, %sub3A_948 : vector<16xi32>
        %max3A_950 = arith.maxsi %sub3A_949, %max3A_919 : vector<16xi32>
        %lt3A_951 = arith.constant 0 : i32
        %lt3A_952 = vector.broadcast %lt3A_951 : i32 to vector<16xi32>
        %lt3A_953 = arith.cmpi slt, %max3A_950, %lt3A_952 : vector<16xi32>
        %add3A_954 = arith.constant 16 : i32
        %add3A_955 = vector.broadcast %add3A_954 : i32 to vector<16xi32>
        %add3A_956 = arith.addi %max3A_950, %add3A_955 : vector<16xi32>
        %select_n3A_957 = arith.select %lt3A_953, %add3A_956, %max3A_950 : vector<16xi1>, vector<16xi32>
        %reshape3A_958 = vector.shape_cast %select_n3A_957 : vector<16xi32> to vector<16x1xi32>
        %gather3A_959 = vector.shape_cast %reshape3A_958 : vector<16x1xi32> to vector<16xi32>
        %gather3A_960 = tpu.dynamic_gather %select_n3A_945[%gather3A_959] in [0] : vector<16xf32>, vector<16xi32> -> vector<16xf32>
        %lt3A_961 = arith.constant 0 : i32
        %lt3A_962 = vector.broadcast %lt3A_961 : i32 to vector<16xi32>
        %lt3A_963 = arith.cmpi slt, %max3A_950, %lt3A_962 : vector<16xi32>
        %add3A_964 = arith.constant 16 : i32
        %add3A_965 = vector.broadcast %add3A_964 : i32 to vector<16xi32>
        %add3A_966 = arith.addi %max3A_950, %add3A_965 : vector<16xi32>
        %select_n3A_967 = arith.select %lt3A_963, %add3A_966, %max3A_950 : vector<16xi1>, vector<16xi32>
        %reshape3A_968 = vector.shape_cast %select_n3A_967 : vector<16xi32> to vector<16x1xi32>
        %gather3A_969 = vector.shape_cast %reshape3A_968 : vector<16x1xi32> to vector<16xi32>
        %gather3A_970 = tpu.dynamic_gather %select_n3A_946[%gather3A_969] in [0] : vector<16xi32>, vector<16xi32> -> vector<16xi32>
        %ge3A_971 = arith.cmpf oge, %gather3A_960, %select_n3A_945 : vector<16xf32>
        %select_n3A_972 = arith.select %ge3A_971, %gather3A_960, %select_n3A_945 : vector<16xi1>, vector<16xf32>
        %select_n3A_973 = arith.select %ge3A_971, %gather3A_970, %select_n3A_946 : vector<16xi1>, vector<16xi32>
        %sub3A_974 = arith.constant 4 : i32
        %sub3A_975 = vector.broadcast %sub3A_974 : i32 to vector<16xi32>
        %sub3A_976 = arith.subi %iota3A, %sub3A_975 : vector<16xi32>
        %max3A_977 = arith.maxsi %sub3A_976, %max3A_919 : vector<16xi32>
        %lt3A_978 = arith.constant 0 : i32
        %lt3A_979 = vector.broadcast %lt3A_978 : i32 to vector<16xi32>
        %lt3A_980 = arith.cmpi slt, %max3A_977, %lt3A_979 : vector<16xi32>
        %add3A_981 = arith.constant 16 : i32
        %add3A_982 = vector.broadcast %add3A_981 : i32 to vector<16xi32>
        %add3A_983 = arith.addi %max3A_977, %add3A_982 : vector<16xi32>
        %select_n3A_984 = arith.select %lt3A_980, %add3A_983, %max3A_977 : vector<16xi1>, vector<16xi32>
        %reshape3A_985 = vector.shape_cast %select_n3A_984 : vector<16xi32> to vector<16x1xi32>
        %gather3A_986 = vector.shape_cast %reshape3A_985 : vector<16x1xi32> to vector<16xi32>
        %gather3A_987 = tpu.dynamic_gather %select_n3A_972[%gather3A_986] in [0] : vector<16xf32>, vector<16xi32> -> vector<16xf32>
        %lt3A_988 = arith.constant 0 : i32
        %lt3A_989 = vector.broadcast %lt3A_988 : i32 to vector<16xi32>
        %lt3A_990 = arith.cmpi slt, %max3A_977, %lt3A_989 : vector<16xi32>
        %add3A_991 = arith.constant 16 : i32
        %add3A_992 = vector.broadcast %add3A_991 : i32 to vector<16xi32>
        %add3A_993 = arith.addi %max3A_977, %add3A_992 : vector<16xi32>
        %select_n3A_994 = arith.select %lt3A_990, %add3A_993, %max3A_977 : vector<16xi1>, vector<16xi32>
        %reshape3A_995 = vector.shape_cast %select_n3A_994 : vector<16xi32> to vector<16x1xi32>
        %gather3A_996 = vector.shape_cast %reshape3A_995 : vector<16x1xi32> to vector<16xi32>
        %gather3A_997 = tpu.dynamic_gather %select_n3A_973[%gather3A_996] in [0] : vector<16xi32>, vector<16xi32> -> vector<16xi32>
        %ge3A_998 = arith.cmpf oge, %gather3A_987, %select_n3A_972 : vector<16xf32>
        %select_n3A_999 = arith.select %ge3A_998, %gather3A_987, %select_n3A_972 : vector<16xi1>, vector<16xf32>
        %select_n3A_1000 = arith.select %ge3A_998, %gather3A_997, %select_n3A_973 : vector<16xi1>, vector<16xi32>
        %sub3A_1001 = arith.constant 8 : i32
        %sub3A_1002 = vector.broadcast %sub3A_1001 : i32 to vector<16xi32>
        %sub3A_1003 = arith.subi %iota3A, %sub3A_1002 : vector<16xi32>
        %max3A_1004 = arith.maxsi %sub3A_1003, %max3A_919 : vector<16xi32>
        %lt3A_1005 = arith.constant 0 : i32
        %lt3A_1006 = vector.broadcast %lt3A_1005 : i32 to vector<16xi32>
        %lt3A_1007 = arith.cmpi slt, %max3A_1004, %lt3A_1006 : vector<16xi32>
        %add3A_1008 = arith.constant 16 : i32
        %add3A_1009 = vector.broadcast %add3A_1008 : i32 to vector<16xi32>
        %add3A_1010 = arith.addi %max3A_1004, %add3A_1009 : vector<16xi32>
        %select_n3A_1011 = arith.select %lt3A_1007, %add3A_1010, %max3A_1004 : vector<16xi1>, vector<16xi32>
        %reshape3A_1012 = vector.shape_cast %select_n3A_1011 : vector<16xi32> to vector<16x1xi32>
        %gather3A_1013 = vector.shape_cast %reshape3A_1012 : vector<16x1xi32> to vector<16xi32>
        %gather3A_1014 = tpu.dynamic_gather %select_n3A_999[%gather3A_1013] in [0] : vector<16xf32>, vector<16xi32> -> vector<16xf32>
        %lt3A_1015 = arith.constant 0 : i32
        %lt3A_1016 = vector.broadcast %lt3A_1015 : i32 to vector<16xi32>
        %lt3A_1017 = arith.cmpi slt, %max3A_1004, %lt3A_1016 : vector<16xi32>
        %add3A_1018 = arith.constant 16 : i32
        %add3A_1019 = vector.broadcast %add3A_1018 : i32 to vector<16xi32>
        %add3A_1020 = arith.addi %max3A_1004, %add3A_1019 : vector<16xi32>
        %select_n3A_1021 = arith.select %lt3A_1017, %add3A_1020, %max3A_1004 : vector<16xi1>, vector<16xi32>
        %reshape3A_1022 = vector.shape_cast %select_n3A_1021 : vector<16xi32> to vector<16x1xi32>
        %gather3A_1023 = vector.shape_cast %reshape3A_1022 : vector<16x1xi32> to vector<16xi32>
        %gather3A_1024 = tpu.dynamic_gather %select_n3A_1000[%gather3A_1023] in [0] : vector<16xi32>, vector<16xi32> -> vector<16xi32>
        %ge3A_1025 = arith.cmpf oge, %gather3A_1014, %select_n3A_999 : vector<16xf32>
        %select_n3A_1026 = arith.select %ge3A_1025, %gather3A_1014, %select_n3A_999 : vector<16xi1>, vector<16xf32>
        %select_n3A_1027 = arith.select %ge3A_1025, %gather3A_1024, %select_n3A_1000 : vector<16xi1>, vector<16xi32>
        %eq3A_1028 = arith.cmpi eq, %get3A_886, %gather3A_848 : vector<16xi32>
        %ge3A_1029 = arith.cmpf oge, %gather3A_858, %select_n3A_1026 : vector<16xf32>
        %and3A_1030 = arith.andi %eq3A_1028, %ge3A_1029 : vector<16xi1>
        %select_n3A_1031 = arith.select %and3A_1030, %gather3A_858, %select_n3A_1026 : vector<16xi1>, vector<16xf32>
        %select_n3A_1032 = arith.select %and3A_1030, %gather3A_868, %select_n3A_1027 : vector<16xi1>, vector<16xi32>
        %select_n3A_1033 = arith.select %eq3A_1028, %gather3A_878, %masked_cummax3A_914 : vector<16xi1>, vector<16xi32>
        %sub3A_1034 = arith.subi %select_n3A_1032, %select_n3A_1033 : vector<16xi32>
        %ge3A_1035 = arith.constant 0 : i32
        %ge3A_1036 = vector.broadcast %ge3A_1035 : i32 to vector<16xi32>
        %ge3A_1037 = arith.cmpi sge, %select_n3A_1033, %ge3A_1036 : vector<16xi32>
        tpu.vector_store_idx %arg9[%get3A_886], %sub3A_1034 masked %ge3A_1037 : memref<100128xi32, #tpu.memory_space<vmem>>[vector<16xi32>], vector<16xi32>, vector<16xi1>
        %lt3A_1038 = arith.constant 0 : i32
        %lt3A_1039 = vector.broadcast %lt3A_1038 : i32 to vector<16xi32>
        %lt3A_1040 = arith.cmpi slt, %broadcast_in_dim3A_170, %lt3A_1039 : vector<16xi32>
        %add3A_1041 = arith.constant 16 : i32
        %add3A_1042 = vector.broadcast %add3A_1041 : i32 to vector<16xi32>
        %add3A_1043 = arith.addi %broadcast_in_dim3A_170, %add3A_1042 : vector<16xi32>
        %select_n3A_1044 = arith.select %lt3A_1040, %add3A_1043, %broadcast_in_dim3A_170 : vector<16xi1>, vector<16xi32>
        %reshape3A_1045 = vector.shape_cast %select_n3A_1044 : vector<16xi32> to vector<16x1xi32>
        %gather3A_1046 = vector.shape_cast %reshape3A_1045 : vector<16x1xi32> to vector<16xi32>
        %gather3A_1047 = tpu.dynamic_gather %get3A_886[%gather3A_1046] in [0] : vector<16xi32>, vector<16xi32> -> vector<16xi32>
        %lt3A_1048 = arith.constant 0 : i32
        %lt3A_1049 = vector.broadcast %lt3A_1048 : i32 to vector<16xi32>
        %lt3A_1050 = arith.cmpi slt, %broadcast_in_dim3A_170, %lt3A_1049 : vector<16xi32>
        %add3A_1051 = arith.constant 16 : i32
        %add3A_1052 = vector.broadcast %add3A_1051 : i32 to vector<16xi32>
        %add3A_1053 = arith.addi %broadcast_in_dim3A_170, %add3A_1052 : vector<16xi32>
        %select_n3A_1054 = arith.select %lt3A_1050, %add3A_1053, %broadcast_in_dim3A_170 : vector<16xi1>, vector<16xi32>
        %reshape3A_1055 = vector.shape_cast %select_n3A_1054 : vector<16xi32> to vector<16x1xi32>
        %gather3A_1056 = vector.shape_cast %reshape3A_1055 : vector<16x1xi32> to vector<16xi32>
        %gather3A_1057 = tpu.dynamic_gather %select_n3A_1031[%gather3A_1056] in [0] : vector<16xf32>, vector<16xi32> -> vector<16xf32>
        %lt3A_1058 = arith.constant 0 : i32
        %lt3A_1059 = vector.broadcast %lt3A_1058 : i32 to vector<16xi32>
        %lt3A_1060 = arith.cmpi slt, %broadcast_in_dim3A_170, %lt3A_1059 : vector<16xi32>
        %add3A_1061 = arith.constant 16 : i32
        %add3A_1062 = vector.broadcast %add3A_1061 : i32 to vector<16xi32>
        %add3A_1063 = arith.addi %broadcast_in_dim3A_170, %add3A_1062 : vector<16xi32>
        %select_n3A_1064 = arith.select %lt3A_1060, %add3A_1063, %broadcast_in_dim3A_170 : vector<16xi1>, vector<16xi32>
        %reshape3A_1065 = vector.shape_cast %select_n3A_1064 : vector<16xi32> to vector<16x1xi32>
        %gather3A_1066 = vector.shape_cast %reshape3A_1065 : vector<16x1xi32> to vector<16xi32>
        %gather3A_1067 = tpu.dynamic_gather %select_n3A_1032[%gather3A_1066] in [0] : vector<16xi32>, vector<16xi32> -> vector<16xi32>
        %lt3A_1068 = arith.constant 0 : i32
        %lt3A_1069 = vector.broadcast %lt3A_1068 : i32 to vector<16xi32>
        %lt3A_1070 = arith.cmpi slt, %broadcast_in_dim3A_170, %lt3A_1069 : vector<16xi32>
        %add3A_1071 = arith.constant 16 : i32
        %add3A_1072 = vector.broadcast %add3A_1071 : i32 to vector<16xi32>
        %add3A_1073 = arith.addi %broadcast_in_dim3A_170, %add3A_1072 : vector<16xi32>
        %select_n3A_1074 = arith.select %lt3A_1070, %add3A_1073, %broadcast_in_dim3A_170 : vector<16xi1>, vector<16xi32>
        %reshape3A_1075 = vector.shape_cast %select_n3A_1074 : vector<16xi32> to vector<16x1xi32>
        %gather3A_1076 = vector.shape_cast %reshape3A_1075 : vector<16x1xi32> to vector<16xi32>
        %gather3A_1077 = tpu.dynamic_gather %select_n3A_1033[%gather3A_1076] in [0] : vector<16xi32>, vector<16xi32> -> vector<16xi32>
        %mul3A_1078 = arith.constant 80 : i32
        %mul3A_1079 = arith.muli %scan3A_278, %mul3A_1078 : i32
        %add3A_1080 = arith.constant 64 : i32
        %add3A_1081 = arith.addi %mul3A_1079, %add3A_1080 : i32
        %get3A_1082 = arith.index_cast %add3A_1081 : i32 to index
        %get3A_1083 = tpu.vector_load %arg5[%get3A_1082] {strides = array<i32>} : memref<10000xf32, #tpu.memory_space<vmem>>, vector<16xf32>,
        %get3A_1084 = arith.index_cast %add3A_1081 : i32 to index
        %get3A_1085 = tpu.vector_load %arg6[%get3A_1084] {strides = array<i32>} : memref<10000xi32, #tpu.memory_space<vmem>>, vector<16xi32>,
        %mul3A_1086 = arith.constant 10000 : i32
        %mul3A_1087 = arith.muli %scan3A_259, %mul3A_1086 : i32
        %add3A_1088 = arith.addi %mul3A_2, %mul3A_1087 : i32
        %add3A_1089 = arith.addi %add3A_1088, %add3A_1081 : i32
        %add3A_1090 = vector.broadcast %add3A_1089 : i32 to vector<16xi32>
        %add3A_1091 = arith.addi %add3A_1090, %iota3A : vector<16xi32>
        %lt3A_1092 = arith.constant 0 : i32
        %lt3A_1093 = vector.broadcast %lt3A_1092 : i32 to vector<16xi32>
        %lt3A_1094 = arith.cmpi slt, %max3A_168, %lt3A_1093 : vector<16xi32>
        %add3A_1095 = arith.constant 16 : i32
        %add3A_1096 = vector.broadcast %add3A_1095 : i32 to vector<16xi32>
        %add3A_1097 = arith.addi %max3A_168, %add3A_1096 : vector<16xi32>
        %select_n3A_1098 = arith.select %lt3A_1094, %add3A_1097, %max3A_168 : vector<16xi1>, vector<16xi32>
        %reshape3A_1099 = vector.shape_cast %select_n3A_1098 : vector<16xi32> to vector<16x1xi32>
        %gather3A_1100 = vector.shape_cast %reshape3A_1099 : vector<16x1xi32> to vector<16xi32>
        %gather3A_1101 = tpu.dynamic_gather %get3A_1085[%gather3A_1100] in [0] : vector<16xi32>, vector<16xi32> -> vector<16xi32>
        %ne3A_1102 = arith.cmpi ne, %get3A_1085, %gather3A_1101 : vector<16xi32>
        %or3A_1103 = arith.ori %ne3A_1102, %eq3A_173 : vector<16xi1>
        %jit3A_1104 = arith.constant -1 : i32
        %broadcast_in_dim3A_1105 = vector.broadcast %jit3A_1104 : i32 to vector<16xi32>
        %select_n3A_1106 = arith.select %or3A_1103, %add3A_1091, %broadcast_in_dim3A_1105 : vector<16xi1>, vector<16xi32>
        %broadcast_in_dim3A_1107 = arith.constant true
        %broadcast_in_dim3A_1108 = vector.broadcast %broadcast_in_dim3A_1107 : i1 to vector<16xi1>
        %masked_cummax3A_1109 = arith.constant -2147483648 : i32
        %masked_cummax3A_1110 = vector.broadcast %masked_cummax3A_1109 : i32 to vector<16xi32>
        %masked_cummax3A_1111 = arith.xori %select_n3A_1106, %masked_cummax3A_1110 : vector<16xi32>
        %masked_cummax3A_1112 = tpu.scan <max>, %masked_cummax3A_1111 masked %broadcast_in_dim3A_1108 : vector<16xi32>, vector<16xi1> -> vector<16xi32>
        %masked_cummax3A_1113 = arith.xori %masked_cummax3A_1112, %masked_cummax3A_1110 : vector<16xi32>
        %sub3A_1114 = vector.broadcast %add3A_1089 : i32 to vector<16xi32>
        %sub3A_1115 = arith.subi %masked_cummax3A_1113, %sub3A_1114 : vector<16xi32>
        %max3A_1116 = arith.constant 0 : i32
        %max3A_1117 = vector.broadcast %max3A_1116 : i32 to vector<16xi32>
        %max3A_1118 = arith.maxsi %sub3A_1115, %max3A_1117 : vector<16xi32>
        %sub3A_1119 = arith.constant 1 : i32
        %sub3A_1120 = vector.broadcast %sub3A_1119 : i32 to vector<16xi32>
        %sub3A_1121 = arith.subi %iota3A, %sub3A_1120 : vector<16xi32>
        %max3A_1122 = arith.maxsi %sub3A_1121, %max3A_1118 : vector<16xi32>
        %lt3A_1123 = arith.constant 0 : i32
        %lt3A_1124 = vector.broadcast %lt3A_1123 : i32 to vector<16xi32>
        %lt3A_1125 = arith.cmpi slt, %max3A_1122, %lt3A_1124 : vector<16xi32>
        %add3A_1126 = arith.constant 16 : i32
        %add3A_1127 = vector.broadcast %add3A_1126 : i32 to vector<16xi32>
        %add3A_1128 = arith.addi %max3A_1122, %add3A_1127 : vector<16xi32>
        %select_n3A_1129 = arith.select %lt3A_1125, %add3A_1128, %max3A_1122 : vector<16xi1>, vector<16xi32>
        %reshape3A_1130 = vector.shape_cast %select_n3A_1129 : vector<16xi32> to vector<16x1xi32>
        %gather3A_1131 = vector.shape_cast %reshape3A_1130 : vector<16x1xi32> to vector<16xi32>
        %gather3A_1132 = tpu.dynamic_gather %get3A_1083[%gather3A_1131] in [0] : vector<16xf32>, vector<16xi32> -> vector<16xf32>
        %lt3A_1133 = arith.constant 0 : i32
        %lt3A_1134 = vector.broadcast %lt3A_1133 : i32 to vector<16xi32>
        %lt3A_1135 = arith.cmpi slt, %max3A_1122, %lt3A_1134 : vector<16xi32>
        %add3A_1136 = arith.constant 16 : i32
        %add3A_1137 = vector.broadcast %add3A_1136 : i32 to vector<16xi32>
        %add3A_1138 = arith.addi %max3A_1122, %add3A_1137 : vector<16xi32>
        %select_n3A_1139 = arith.select %lt3A_1135, %add3A_1138, %max3A_1122 : vector<16xi1>, vector<16xi32>
        %reshape3A_1140 = vector.shape_cast %select_n3A_1139 : vector<16xi32> to vector<16x1xi32>
        %gather3A_1141 = vector.shape_cast %reshape3A_1140 : vector<16x1xi32> to vector<16xi32>
        %gather3A_1142 = tpu.dynamic_gather %add3A_1091[%gather3A_1141] in [0] : vector<16xi32>, vector<16xi32> -> vector<16xi32>
        %ge3A_1143 = arith.cmpf oge, %gather3A_1132, %get3A_1083 : vector<16xf32>
        %select_n3A_1144 = arith.select %ge3A_1143, %gather3A_1132, %get3A_1083 : vector<16xi1>, vector<16xf32>
        %select_n3A_1145 = arith.select %ge3A_1143, %gather3A_1142, %add3A_1091 : vector<16xi1>, vector<16xi32>
        %sub3A_1146 = arith.constant 2 : i32
        %sub3A_1147 = vector.broadcast %sub3A_1146 : i32 to vector<16xi32>
        %sub3A_1148 = arith.subi %iota3A, %sub3A_1147 : vector<16xi32>
        %max3A_1149 = arith.maxsi %sub3A_1148, %max3A_1118 : vector<16xi32>
        %lt3A_1150 = arith.constant 0 : i32
        %lt3A_1151 = vector.broadcast %lt3A_1150 : i32 to vector<16xi32>
        %lt3A_1152 = arith.cmpi slt, %max3A_1149, %lt3A_1151 : vector<16xi32>
        %add3A_1153 = arith.constant 16 : i32
        %add3A_1154 = vector.broadcast %add3A_1153 : i32 to vector<16xi32>
        %add3A_1155 = arith.addi %max3A_1149, %add3A_1154 : vector<16xi32>
        %select_n3A_1156 = arith.select %lt3A_1152, %add3A_1155, %max3A_1149 : vector<16xi1>, vector<16xi32>
        %reshape3A_1157 = vector.shape_cast %select_n3A_1156 : vector<16xi32> to vector<16x1xi32>
        %gather3A_1158 = vector.shape_cast %reshape3A_1157 : vector<16x1xi32> to vector<16xi32>
        %gather3A_1159 = tpu.dynamic_gather %select_n3A_1144[%gather3A_1158] in [0] : vector<16xf32>, vector<16xi32> -> vector<16xf32>
        %lt3A_1160 = arith.constant 0 : i32
        %lt3A_1161 = vector.broadcast %lt3A_1160 : i32 to vector<16xi32>
        %lt3A_1162 = arith.cmpi slt, %max3A_1149, %lt3A_1161 : vector<16xi32>
        %add3A_1163 = arith.constant 16 : i32
        %add3A_1164 = vector.broadcast %add3A_1163 : i32 to vector<16xi32>
        %add3A_1165 = arith.addi %max3A_1149, %add3A_1164 : vector<16xi32>
        %select_n3A_1166 = arith.select %lt3A_1162, %add3A_1165, %max3A_1149 : vector<16xi1>, vector<16xi32>
        %reshape3A_1167 = vector.shape_cast %select_n3A_1166 : vector<16xi32> to vector<16x1xi32>
        %gather3A_1168 = vector.shape_cast %reshape3A_1167 : vector<16x1xi32> to vector<16xi32>
        %gather3A_1169 = tpu.dynamic_gather %select_n3A_1145[%gather3A_1168] in [0] : vector<16xi32>, vector<16xi32> -> vector<16xi32>
        %ge3A_1170 = arith.cmpf oge, %gather3A_1159, %select_n3A_1144 : vector<16xf32>
        %select_n3A_1171 = arith.select %ge3A_1170, %gather3A_1159, %select_n3A_1144 : vector<16xi1>, vector<16xf32>
        %select_n3A_1172 = arith.select %ge3A_1170, %gather3A_1169, %select_n3A_1145 : vector<16xi1>, vector<16xi32>
        %sub3A_1173 = arith.constant 4 : i32
        %sub3A_1174 = vector.broadcast %sub3A_1173 : i32 to vector<16xi32>
        %sub3A_1175 = arith.subi %iota3A, %sub3A_1174 : vector<16xi32>
        %max3A_1176 = arith.maxsi %sub3A_1175, %max3A_1118 : vector<16xi32>
        %lt3A_1177 = arith.constant 0 : i32
        %lt3A_1178 = vector.broadcast %lt3A_1177 : i32 to vector<16xi32>
        %lt3A_1179 = arith.cmpi slt, %max3A_1176, %lt3A_1178 : vector<16xi32>
        %add3A_1180 = arith.constant 16 : i32
        %add3A_1181 = vector.broadcast %add3A_1180 : i32 to vector<16xi32>
        %add3A_1182 = arith.addi %max3A_1176, %add3A_1181 : vector<16xi32>
        %select_n3A_1183 = arith.select %lt3A_1179, %add3A_1182, %max3A_1176 : vector<16xi1>, vector<16xi32>
        %reshape3A_1184 = vector.shape_cast %select_n3A_1183 : vector<16xi32> to vector<16x1xi32>
        %gather3A_1185 = vector.shape_cast %reshape3A_1184 : vector<16x1xi32> to vector<16xi32>
        %gather3A_1186 = tpu.dynamic_gather %select_n3A_1171[%gather3A_1185] in [0] : vector<16xf32>, vector<16xi32> -> vector<16xf32>
        %lt3A_1187 = arith.constant 0 : i32
        %lt3A_1188 = vector.broadcast %lt3A_1187 : i32 to vector<16xi32>
        %lt3A_1189 = arith.cmpi slt, %max3A_1176, %lt3A_1188 : vector<16xi32>
        %add3A_1190 = arith.constant 16 : i32
        %add3A_1191 = vector.broadcast %add3A_1190 : i32 to vector<16xi32>
        %add3A_1192 = arith.addi %max3A_1176, %add3A_1191 : vector<16xi32>
        %select_n3A_1193 = arith.select %lt3A_1189, %add3A_1192, %max3A_1176 : vector<16xi1>, vector<16xi32>
        %reshape3A_1194 = vector.shape_cast %select_n3A_1193 : vector<16xi32> to vector<16x1xi32>
        %gather3A_1195 = vector.shape_cast %reshape3A_1194 : vector<16x1xi32> to vector<16xi32>
        %gather3A_1196 = tpu.dynamic_gather %select_n3A_1172[%gather3A_1195] in [0] : vector<16xi32>, vector<16xi32> -> vector<16xi32>
        %ge3A_1197 = arith.cmpf oge, %gather3A_1186, %select_n3A_1171 : vector<16xf32>
        %select_n3A_1198 = arith.select %ge3A_1197, %gather3A_1186, %select_n3A_1171 : vector<16xi1>, vector<16xf32>
        %select_n3A_1199 = arith.select %ge3A_1197, %gather3A_1196, %select_n3A_1172 : vector<16xi1>, vector<16xi32>
        %sub3A_1200 = arith.constant 8 : i32
        %sub3A_1201 = vector.broadcast %sub3A_1200 : i32 to vector<16xi32>
        %sub3A_1202 = arith.subi %iota3A, %sub3A_1201 : vector<16xi32>
        %max3A_1203 = arith.maxsi %sub3A_1202, %max3A_1118 : vector<16xi32>
        %lt3A_1204 = arith.constant 0 : i32
        %lt3A_1205 = vector.broadcast %lt3A_1204 : i32 to vector<16xi32>
        %lt3A_1206 = arith.cmpi slt, %max3A_1203, %lt3A_1205 : vector<16xi32>
        %add3A_1207 = arith.constant 16 : i32
        %add3A_1208 = vector.broadcast %add3A_1207 : i32 to vector<16xi32>
        %add3A_1209 = arith.addi %max3A_1203, %add3A_1208 : vector<16xi32>
        %select_n3A_1210 = arith.select %lt3A_1206, %add3A_1209, %max3A_1203 : vector<16xi1>, vector<16xi32>
        %reshape3A_1211 = vector.shape_cast %select_n3A_1210 : vector<16xi32> to vector<16x1xi32>
        %gather3A_1212 = vector.shape_cast %reshape3A_1211 : vector<16x1xi32> to vector<16xi32>
        %gather3A_1213 = tpu.dynamic_gather %select_n3A_1198[%gather3A_1212] in [0] : vector<16xf32>, vector<16xi32> -> vector<16xf32>
        %lt3A_1214 = arith.constant 0 : i32
        %lt3A_1215 = vector.broadcast %lt3A_1214 : i32 to vector<16xi32>
        %lt3A_1216 = arith.cmpi slt, %max3A_1203, %lt3A_1215 : vector<16xi32>
        %add3A_1217 = arith.constant 16 : i32
        %add3A_1218 = vector.broadcast %add3A_1217 : i32 to vector<16xi32>
        %add3A_1219 = arith.addi %max3A_1203, %add3A_1218 : vector<16xi32>
        %select_n3A_1220 = arith.select %lt3A_1216, %add3A_1219, %max3A_1203 : vector<16xi1>, vector<16xi32>
        %reshape3A_1221 = vector.shape_cast %select_n3A_1220 : vector<16xi32> to vector<16x1xi32>
        %gather3A_1222 = vector.shape_cast %reshape3A_1221 : vector<16x1xi32> to vector<16xi32>
        %gather3A_1223 = tpu.dynamic_gather %select_n3A_1199[%gather3A_1222] in [0] : vector<16xi32>, vector<16xi32> -> vector<16xi32>
        %ge3A_1224 = arith.cmpf oge, %gather3A_1213, %select_n3A_1198 : vector<16xf32>
        %select_n3A_1225 = arith.select %ge3A_1224, %gather3A_1213, %select_n3A_1198 : vector<16xi1>, vector<16xf32>
        %select_n3A_1226 = arith.select %ge3A_1224, %gather3A_1223, %select_n3A_1199 : vector<16xi1>, vector<16xi32>
        %eq3A_1227 = arith.cmpi eq, %get3A_1085, %gather3A_1047 : vector<16xi32>
        %ge3A_1228 = arith.cmpf oge, %gather3A_1057, %select_n3A_1225 : vector<16xf32>
        %and3A_1229 = arith.andi %eq3A_1227, %ge3A_1228 : vector<16xi1>
        %select_n3A_1230 = arith.select %and3A_1229, %gather3A_1057, %select_n3A_1225 : vector<16xi1>, vector<16xf32>
        %select_n3A_1231 = arith.select %and3A_1229, %gather3A_1067, %select_n3A_1226 : vector<16xi1>, vector<16xi32>
        %select_n3A_1232 = arith.select %eq3A_1227, %gather3A_1077, %masked_cummax3A_1113 : vector<16xi1>, vector<16xi32>
        %sub3A_1233 = arith.subi %select_n3A_1231, %select_n3A_1232 : vector<16xi32>
        %ge3A_1234 = arith.constant 0 : i32
        %ge3A_1235 = vector.broadcast %ge3A_1234 : i32 to vector<16xi32>
        %ge3A_1236 = arith.cmpi sge, %select_n3A_1232, %ge3A_1235 : vector<16xi32>
        tpu.vector_store_idx %arg9[%get3A_1085], %sub3A_1233 masked %ge3A_1236 : memref<100128xi32, #tpu.memory_space<vmem>>[vector<16xi32>], vector<16xi32>, vector<16xi1>
        %lt3A_1237 = arith.constant 0 : i32
        %lt3A_1238 = vector.broadcast %lt3A_1237 : i32 to vector<16xi32>
        %lt3A_1239 = arith.cmpi slt, %broadcast_in_dim3A_170, %lt3A_1238 : vector<16xi32>
        %add3A_1240 = arith.constant 16 : i32
        %add3A_1241 = vector.broadcast %add3A_1240 : i32 to vector<16xi32>
        %add3A_1242 = arith.addi %broadcast_in_dim3A_170, %add3A_1241 : vector<16xi32>
        %select_n3A_1243 = arith.select %lt3A_1239, %add3A_1242, %broadcast_in_dim3A_170 : vector<16xi1>, vector<16xi32>
        %reshape3A_1244 = vector.shape_cast %select_n3A_1243 : vector<16xi32> to vector<16x1xi32>
        %gather3A_1245 = vector.shape_cast %reshape3A_1244 : vector<16x1xi32> to vector<16xi32>
        %gather3A_1246 = tpu.dynamic_gather %get3A_1085[%gather3A_1245] in [0] : vector<16xi32>, vector<16xi32> -> vector<16xi32>
        %lt3A_1247 = arith.constant 0 : i32
        %lt3A_1248 = vector.broadcast %lt3A_1247 : i32 to vector<16xi32>
        %lt3A_1249 = arith.cmpi slt, %broadcast_in_dim3A_170, %lt3A_1248 : vector<16xi32>
        %add3A_1250 = arith.constant 16 : i32
        %add3A_1251 = vector.broadcast %add3A_1250 : i32 to vector<16xi32>
        %add3A_1252 = arith.addi %broadcast_in_dim3A_170, %add3A_1251 : vector<16xi32>
        %select_n3A_1253 = arith.select %lt3A_1249, %add3A_1252, %broadcast_in_dim3A_170 : vector<16xi1>, vector<16xi32>
        %reshape3A_1254 = vector.shape_cast %select_n3A_1253 : vector<16xi32> to vector<16x1xi32>
        %gather3A_1255 = vector.shape_cast %reshape3A_1254 : vector<16x1xi32> to vector<16xi32>
        %gather3A_1256 = tpu.dynamic_gather %select_n3A_1230[%gather3A_1255] in [0] : vector<16xf32>, vector<16xi32> -> vector<16xf32>
        %lt3A_1257 = arith.constant 0 : i32
        %lt3A_1258 = vector.broadcast %lt3A_1257 : i32 to vector<16xi32>
        %lt3A_1259 = arith.cmpi slt, %broadcast_in_dim3A_170, %lt3A_1258 : vector<16xi32>
        %add3A_1260 = arith.constant 16 : i32
        %add3A_1261 = vector.broadcast %add3A_1260 : i32 to vector<16xi32>
        %add3A_1262 = arith.addi %broadcast_in_dim3A_170, %add3A_1261 : vector<16xi32>
        %select_n3A_1263 = arith.select %lt3A_1259, %add3A_1262, %broadcast_in_dim3A_170 : vector<16xi1>, vector<16xi32>
        %reshape3A_1264 = vector.shape_cast %select_n3A_1263 : vector<16xi32> to vector<16x1xi32>
        %gather3A_1265 = vector.shape_cast %reshape3A_1264 : vector<16x1xi32> to vector<16xi32>
        %gather3A_1266 = tpu.dynamic_gather %select_n3A_1231[%gather3A_1265] in [0] : vector<16xi32>, vector<16xi32> -> vector<16xi32>
        %lt3A_1267 = arith.constant 0 : i32
        %lt3A_1268 = vector.broadcast %lt3A_1267 : i32 to vector<16xi32>
        %lt3A_1269 = arith.cmpi slt, %broadcast_in_dim3A_170, %lt3A_1268 : vector<16xi32>
        %add3A_1270 = arith.constant 16 : i32
        %add3A_1271 = vector.broadcast %add3A_1270 : i32 to vector<16xi32>
        %add3A_1272 = arith.addi %broadcast_in_dim3A_170, %add3A_1271 : vector<16xi32>
        %select_n3A_1273 = arith.select %lt3A_1269, %add3A_1272, %broadcast_in_dim3A_170 : vector<16xi1>, vector<16xi32>
        %reshape3A_1274 = vector.shape_cast %select_n3A_1273 : vector<16xi32> to vector<16x1xi32>
        %gather3A_1275 = vector.shape_cast %reshape3A_1274 : vector<16x1xi32> to vector<16xi32>
        %gather3A_1276 = tpu.dynamic_gather %select_n3A_1232[%gather3A_1275] in [0] : vector<16xi32>, vector<16xi32> -> vector<16xi32>
        scf.yield %gather3A_1246, %gather3A_1256, %gather3A_1266, %gather3A_1276 : vector<16xi32>, vector<16xf32>, vector<16xi32>, vector<16xi32>
      }
      %scan3A_277 = arith.constant 125 : i32
      scf.yield %scan3A_276#0, %scan3A_276#1, %scan3A_276#2, %scan3A_276#3 : vector<16xi32>, vector<16xf32>, vector<16xi32>, vector<16xi32>
    }
    %scan3A_178 = arith.constant 10 : i32
    %reduce_max3A_179 = arith.constant true
    %reduce_max3A_180 = vector.broadcast %reduce_max3A_179 : i1 to vector<16xi1>
    %reduce_max3A_181 = arith.constant -2147483648 : i32
    %reduce_max3A_182 = vector.broadcast %reduce_max3A_181 : i32 to vector<16xi32>
    %reduce_max3A_183 = arith.xori %scan3A_177#0, %reduce_max3A_182 : vector<16xi32>
    %reduce_max3A_184 = tpu.scan <max>, %reduce_max3A_183 masked %reduce_max3A_180 : vector<16xi32>, vector<16xi1> -> vector<16xi32>
    %reduce_max3A_185 = arith.xori %reduce_max3A_184, %reduce_max3A_182 : vector<16xi32>
    %reduce_max3A_186 = vector.extract %reduce_max3A_185[15] : i32 from vector<16xi32>
    %reduce_max3A_187 = arith.constant true
    %reduce_max3A_188 = vector.broadcast %reduce_max3A_187 : i1 to vector<16xi1>
    %reduce_max3A_189 = arith.constant -2147483648 : i32
    %reduce_max3A_190 = vector.broadcast %reduce_max3A_189 : i32 to vector<16xi32>
    %reduce_max3A_191 = arith.xori %scan3A_177#3, %reduce_max3A_190 : vector<16xi32>
    %reduce_max3A_192 = tpu.scan <max>, %reduce_max3A_191 masked %reduce_max3A_188 : vector<16xi32>, vector<16xi1> -> vector<16xi32>
    %reduce_max3A_193 = arith.xori %reduce_max3A_192, %reduce_max3A_190 : vector<16xi32>
    %reduce_max3A_194 = vector.extract %reduce_max3A_193[15] : i32 from vector<16xi32>
    %reduce_max3A_195 = arith.constant true
    %reduce_max3A_196 = vector.broadcast %reduce_max3A_195 : i1 to vector<16xi1>
    %reduce_max3A_197 = tpu.scan <max>, %scan3A_177#1 masked %reduce_max3A_196 : vector<16xf32>, vector<16xi1> -> vector<16xf32>
    %reduce_max3A_198 = vector.extract %reduce_max3A_197[15] : f32 from vector<16xf32>
    %reduce_max3A_199 = arith.constant true
    %reduce_max3A_200 = vector.broadcast %reduce_max3A_199 : i1 to vector<16xi1>
    %reduce_max3A_201 = arith.constant -2147483648 : i32
    %reduce_max3A_202 = vector.broadcast %reduce_max3A_201 : i32 to vector<16xi32>
    %reduce_max3A_203 = arith.xori %scan3A_177#2, %reduce_max3A_202 : vector<16xi32>
    %reduce_max3A_204 = tpu.scan <max>, %reduce_max3A_203 masked %reduce_max3A_200 : vector<16xi32>, vector<16xi1> -> vector<16xi32>
    %reduce_max3A_205 = arith.xori %reduce_max3A_204, %reduce_max3A_202 : vector<16xi32>
    %reduce_max3A_206 = vector.extract %reduce_max3A_205[15] : i32 from vector<16xi32>
    %add3A_207 = arith.constant 100000 : i32
    %add3A_208 = arith.addi %mul3A_2, %add3A_207 : i32
    %ge3A = arith.constant 0 : i32
    %ge3A_209 = arith.cmpi sge, %reduce_max3A_194, %ge3A : i32
    %not3A = arith.constant true
    %not3A_210 = arith.xori %ge3A_209, %not3A : i1
    %ge3A_211 = arith.constant 3200000 : i32
    %ge3A_212 = arith.cmpi sge, %add3A_208, %ge3A_211 : i32
    %or3A = arith.ori %not3A_210, %ge3A_212 : i1
    %while3A_213 = arith.constant 0xFF800000 : f32
    %while3A_214:4 = scf.while (%while3A_259 = %add3A_208, %while3A_260 = %or3A, %while3A_261 = %reduce_max3A_198, %while3A_262 = %reduce_max3A_206) : (i32, i1, f32, i32) -> (i32, i1, f32, i32) {
      %not3A_263 = arith.constant true
      %not3A_264 = arith.xori %while3A_260, %not3A_263 : i1
      %lt3A_265 = arith.constant 3200000 : i32
      %lt3A_266 = arith.cmpi slt, %while3A_259, %lt3A_265 : i32
      %and3A_267 = arith.andi %not3A_264, %lt3A_266 : i1
      scf.condition(%and3A_267) %while3A_259, %while3A_260, %while3A_261, %while3A_262 : i32, i1, f32, i32
    } do {
    ^bb0(%while3A_259: i32, %while3A_260: i1, %while3A_261: f32, %while3A_262: i32):
      %min3A_263 = arith.constant 3199872 : i32
      %min3A_264 = arith.minsi %while3A_259, %min3A_263 : i32
      %multiple_of3A_265 = tpu.assume_multiple %min3A_264, 8 : i32
      "tpu.region"() ({
        %run_scoped3A = tpu.sem_alloc : memref<!tpu.dma_semaphore, #tpu.memory_space<semaphore_mem>>
        %dma_start3A = tpu.memref_slice %arg2[%multiple_of3A_265] : memref<3200000xf32, #tpu.memory_space<hbm>> -> memref<128xf32, #tpu.memory_space<hbm>>
        %dma_start3A_817 = tpu.memref_slice %arg2[%multiple_of3A_265] : memref<3200000xf32, #tpu.memory_space<hbm>> -> memref<128xf32, #tpu.memory_space<hbm>>
        tpu.enqueue_dma source(%dma_start3A_817 : memref<128xf32, #tpu.memory_space<hbm>>) target(%arg7 : memref<128xf32, #tpu.memory_space<vmem>>) target_semaphore(%run_scoped3A : memref<!tpu.dma_semaphore, #tpu.memory_space<semaphore_mem>>)
        %dma_wait3A = tpu.memref_slice %arg2[%multiple_of3A_265] : memref<3200000xf32, #tpu.memory_space<hbm>> -> memref<128xf32, #tpu.memory_space<hbm>>
        %dma_wait3A_818 = tpu.memref_slice %arg2[%multiple_of3A_265] : memref<3200000xf32, #tpu.memory_space<hbm>> -> memref<128xf32, #tpu.memory_space<hbm>>
        tpu.wait_dma2 semaphore(%run_scoped3A : memref<!tpu.dma_semaphore, #tpu.memory_space<semaphore_mem>>) src(%dma_wait3A_818 : memref<128xf32, #tpu.memory_space<hbm>>) dst(%arg7 : memref<128xf32, #tpu.memory_space<vmem>>)
        tpu.yield
      }) : () -> ()
      %multiple_of3A_266 = tpu.assume_multiple %min3A_264, 8 : i32
      "tpu.region"() ({
        %run_scoped3A = tpu.sem_alloc : memref<!tpu.dma_semaphore, #tpu.memory_space<semaphore_mem>>
        %dma_start3A = tpu.memref_slice %arg3[%multiple_of3A_266] : memref<3200000xi32, #tpu.memory_space<hbm>> -> memref<128xi32, #tpu.memory_space<hbm>>
        %dma_start3A_817 = tpu.memref_slice %arg3[%multiple_of3A_266] : memref<3200000xi32, #tpu.memory_space<hbm>> -> memref<128xi32, #tpu.memory_space<hbm>>
        tpu.enqueue_dma source(%dma_start3A_817 : memref<128xi32, #tpu.memory_space<hbm>>) target(%arg8 : memref<128xi32, #tpu.memory_space<vmem>>) target_semaphore(%run_scoped3A : memref<!tpu.dma_semaphore, #tpu.memory_space<semaphore_mem>>)
        %dma_wait3A = tpu.memref_slice %arg3[%multiple_of3A_266] : memref<3200000xi32, #tpu.memory_space<hbm>> -> memref<128xi32, #tpu.memory_space<hbm>>
        %dma_wait3A_818 = tpu.memref_slice %arg3[%multiple_of3A_266] : memref<3200000xi32, #tpu.memory_space<hbm>> -> memref<128xi32, #tpu.memory_space<hbm>>
        tpu.wait_dma2 semaphore(%run_scoped3A : memref<!tpu.dma_semaphore, #tpu.memory_space<semaphore_mem>>) src(%dma_wait3A_818 : memref<128xi32, #tpu.memory_space<hbm>>) dst(%arg8 : memref<128xi32, #tpu.memory_space<vmem>>)
        tpu.yield
      }) : () -> ()
      %get3A_267 = arith.constant 0 : index
      %get3A_268 = tpu.vector_load %arg7[%get3A_267] {strides = array<i32>} : memref<128xf32, #tpu.memory_space<vmem>>, vector<16xf32>,
      %get3A_269 = arith.constant 0 : index
      %get3A_270 = tpu.vector_load %arg8[%get3A_269] {strides = array<i32>} : memref<128xi32, #tpu.memory_space<vmem>>, vector<16xi32>,
      %add3A_271 = arith.constant 0 : i32
      %add3A_272 = arith.addi %min3A_264, %add3A_271 : i32
      %add3A_273 = vector.broadcast %add3A_272 : i32 to vector<16xi32>
      %add3A_274 = arith.addi %add3A_273, %iota3A : vector<16xi32>
      %ne3A_275 = vector.broadcast %reduce_max3A_186 : i32 to vector<16xi32>
      %ne3A_276 = arith.cmpi ne, %get3A_270, %ne3A_275 : vector<16xi32>
      %convert_element_type3A_277 = arith.extui %ne3A_276 : vector<16xi1> to vector<16xi32>
      %cumsum3A = arith.constant true
      %cumsum3A_278 = vector.broadcast %cumsum3A : i1 to vector<16xi1>
      %cumsum3A_279 = tpu.scan <sum>, %convert_element_type3A_277 masked %cumsum3A_278 : vector<16xi32>, vector<16xi1> -> vector<16xi32>
      %eq3A_280 = arith.constant 0 : i32
      %eq3A_281 = vector.broadcast %eq3A_280 : i32 to vector<16xi32>
      %eq3A_282 = arith.cmpi eq, %cumsum3A_279, %eq3A_281 : vector<16xi32>
      %not3A_283 = arith.constant true
      %not3A_284 = arith.xori %while3A_260, %not3A_283 : i1
      %and3A_285 = vector.broadcast %not3A_284 : i1 to vector<16xi1>
      %and3A_286 = arith.andi %eq3A_282, %and3A_285 : vector<16xi1>
      %broadcast_in_dim3A_287 = vector.broadcast %while3A_213 : f32 to vector<16xf32>
      %select_n3A_288 = arith.select %and3A_286, %get3A_268, %broadcast_in_dim3A_287 : vector<16xi1>, vector<16xf32>
      %reduce_max3A_289 = arith.constant true
      %reduce_max3A_290 = vector.broadcast %reduce_max3A_289 : i1 to vector<16xi1>
      %reduce_max3A_291 = tpu.scan <max>, %select_n3A_288 masked %reduce_max3A_290 : vector<16xf32>, vector<16xi1> -> vector<16xf32>
      %reduce_max3A_292 = vector.extract %reduce_max3A_291[15] : f32 from vector<16xf32>
      %eq3A_293 = vector.broadcast %reduce_max3A_292 : f32 to vector<16xf32>
      %eq3A_294 = arith.cmpf oeq, %get3A_268, %eq3A_293 : vector<16xf32>
      %and3A_295 = arith.andi %and3A_286, %eq3A_294 : vector<16xi1>
      %jit3A_296 = arith.constant 2147483647 : i32
      %broadcast_in_dim3A_297 = vector.broadcast %jit3A_296 : i32 to vector<16xi32>
      %select_n3A_298 = arith.select %and3A_295, %add3A_274, %broadcast_in_dim3A_297 : vector<16xi1>, vector<16xi32>
      %reduce_min3A = arith.constant true
      %reduce_min3A_299 = vector.broadcast %reduce_min3A : i1 to vector<16xi1>
      %reduce_min3A_300 = arith.constant -2147483648 : i32
      %reduce_min3A_301 = vector.broadcast %reduce_min3A_300 : i32 to vector<16xi32>
      %reduce_min3A_302 = arith.xori %select_n3A_298, %reduce_min3A_301 : vector<16xi32>
      %reduce_min3A_303 = tpu.scan <min>, %reduce_min3A_302 masked %reduce_min3A_299 : vector<16xi32>, vector<16xi1> -> vector<16xi32>
      %reduce_min3A_304 = arith.xori %reduce_min3A_303, %reduce_min3A_301 : vector<16xi32>
      %reduce_min3A_305 = vector.extract %reduce_min3A_304[15] : i32 from vector<16xi32>
      %gt3A = arith.cmpf ogt, %reduce_max3A_292, %while3A_261 : f32
      %reduce_or3A = arith.constant 1.000000e+00 : f32
      %reduce_or3A_306 = arith.constant 0.000000e+00 : f32
      %reduce_or3A_307 = vector.broadcast %reduce_or3A : f32 to vector<16xf32>
      %reduce_or3A_308 = vector.broadcast %reduce_or3A_306 : f32 to vector<16xf32>
      %reduce_or3A_309 = arith.select %and3A_286, %reduce_or3A_307, %reduce_or3A_308 : vector<16xi1>, vector<16xf32>
      %reduce_or3A_310 = arith.constant true
      %reduce_or3A_311 = vector.broadcast %reduce_or3A_310 : i1 to vector<16xi1>
      %reduce_or3A_312 = tpu.scan <max>, %reduce_or3A_309 masked %reduce_or3A_311 : vector<16xf32>, vector<16xi1> -> vector<16xf32>
      %reduce_or3A_313 = vector.extract %reduce_or3A_312[15] : f32 from vector<16xf32>
      %reduce_or3A_314 = arith.constant 0.000000e+00 : f32
      %reduce_or3A_315 = arith.cmpf ogt, %reduce_or3A_313, %reduce_or3A_314 : f32
      %and3A_316 = arith.andi %reduce_or3A_315, %gt3A : i1
      %select_n3A_317 = arith.select %and3A_316, %reduce_max3A_292, %while3A_261 : f32
      %and3A_318 = arith.andi %reduce_or3A_315, %gt3A : i1
      %select_n3A_319 = arith.select %and3A_318, %reduce_min3A_305, %while3A_262 : i32
      %reduce_or3A_320 = arith.constant 1.000000e+00 : f32
      %reduce_or3A_321 = arith.constant 0.000000e+00 : f32
      %reduce_or3A_322 = vector.broadcast %reduce_or3A_320 : f32 to vector<16xf32>
      %reduce_or3A_323 = vector.broadcast %reduce_or3A_321 : f32 to vector<16xf32>
      %reduce_or3A_324 = arith.select %ne3A_276, %reduce_or3A_322, %reduce_or3A_323 : vector<16xi1>, vector<16xf32>
      %reduce_or3A_325 = arith.constant true
      %reduce_or3A_326 = vector.broadcast %reduce_or3A_325 : i1 to vector<16xi1>
      %reduce_or3A_327 = tpu.scan <max>, %reduce_or3A_324 masked %reduce_or3A_326 : vector<16xf32>, vector<16xi1> -> vector<16xf32>
      %reduce_or3A_328 = vector.extract %reduce_or3A_327[15] : f32 from vector<16xf32>
      %reduce_or3A_329 = arith.constant 0.000000e+00 : f32
      %reduce_or3A_330 = arith.cmpf ogt, %reduce_or3A_328, %reduce_or3A_329 : f32
      %or3A_331 = arith.ori %while3A_260, %reduce_or3A_330 : i1
      %get3A_332 = arith.constant 16 : index
      %get3A_333 = tpu.vector_load %arg7[%get3A_332] {strides = array<i32>} : memref<128xf32, #tpu.memory_space<vmem>>, vector<16xf32>,
      %get3A_334 = arith.constant 16 : index
      %get3A_335 = tpu.vector_load %arg8[%get3A_334] {strides = array<i32>} : memref<128xi32, #tpu.memory_space<vmem>>, vector<16xi32>,
      %add3A_336 = arith.constant 16 : i32
      %add3A_337 = arith.addi %min3A_264, %add3A_336 : i32
      %add3A_338 = vector.broadcast %add3A_337 : i32 to vector<16xi32>
      %add3A_339 = arith.addi %add3A_338, %iota3A : vector<16xi32>
      %ne3A_340 = vector.broadcast %reduce_max3A_186 : i32 to vector<16xi32>
      %ne3A_341 = arith.cmpi ne, %get3A_335, %ne3A_340 : vector<16xi32>
      %convert_element_type3A_342 = arith.extui %ne3A_341 : vector<16xi1> to vector<16xi32>
      %cumsum3A_343 = arith.constant true
      %cumsum3A_344 = vector.broadcast %cumsum3A_343 : i1 to vector<16xi1>
      %cumsum3A_345 = tpu.scan <sum>, %convert_element_type3A_342 masked %cumsum3A_344 : vector<16xi32>, vector<16xi1> -> vector<16xi32>
      %eq3A_346 = arith.constant 0 : i32
      %eq3A_347 = vector.broadcast %eq3A_346 : i32 to vector<16xi32>
      %eq3A_348 = arith.cmpi eq, %cumsum3A_345, %eq3A_347 : vector<16xi32>
      %not3A_349 = arith.constant true
      %not3A_350 = arith.xori %or3A_331, %not3A_349 : i1
      %and3A_351 = vector.broadcast %not3A_350 : i1 to vector<16xi1>
      %and3A_352 = arith.andi %eq3A_348, %and3A_351 : vector<16xi1>
      %broadcast_in_dim3A_353 = vector.broadcast %while3A_213 : f32 to vector<16xf32>
      %select_n3A_354 = arith.select %and3A_352, %get3A_333, %broadcast_in_dim3A_353 : vector<16xi1>, vector<16xf32>
      %reduce_max3A_355 = arith.constant true
      %reduce_max3A_356 = vector.broadcast %reduce_max3A_355 : i1 to vector<16xi1>
      %reduce_max3A_357 = tpu.scan <max>, %select_n3A_354 masked %reduce_max3A_356 : vector<16xf32>, vector<16xi1> -> vector<16xf32>
      %reduce_max3A_358 = vector.extract %reduce_max3A_357[15] : f32 from vector<16xf32>
      %eq3A_359 = vector.broadcast %reduce_max3A_358 : f32 to vector<16xf32>
      %eq3A_360 = arith.cmpf oeq, %get3A_333, %eq3A_359 : vector<16xf32>
      %and3A_361 = arith.andi %and3A_352, %eq3A_360 : vector<16xi1>
      %jit3A_362 = arith.constant 2147483647 : i32
      %broadcast_in_dim3A_363 = vector.broadcast %jit3A_362 : i32 to vector<16xi32>
      %select_n3A_364 = arith.select %and3A_361, %add3A_339, %broadcast_in_dim3A_363 : vector<16xi1>, vector<16xi32>
      %reduce_min3A_365 = arith.constant true
      %reduce_min3A_366 = vector.broadcast %reduce_min3A_365 : i1 to vector<16xi1>
      %reduce_min3A_367 = arith.constant -2147483648 : i32
      %reduce_min3A_368 = vector.broadcast %reduce_min3A_367 : i32 to vector<16xi32>
      %reduce_min3A_369 = arith.xori %select_n3A_364, %reduce_min3A_368 : vector<16xi32>
      %reduce_min3A_370 = tpu.scan <min>, %reduce_min3A_369 masked %reduce_min3A_366 : vector<16xi32>, vector<16xi1> -> vector<16xi32>
      %reduce_min3A_371 = arith.xori %reduce_min3A_370, %reduce_min3A_368 : vector<16xi32>
      %reduce_min3A_372 = vector.extract %reduce_min3A_371[15] : i32 from vector<16xi32>
      %gt3A_373 = arith.cmpf ogt, %reduce_max3A_358, %select_n3A_317 : f32
      %reduce_or3A_374 = arith.constant 1.000000e+00 : f32
      %reduce_or3A_375 = arith.constant 0.000000e+00 : f32
      %reduce_or3A_376 = vector.broadcast %reduce_or3A_374 : f32 to vector<16xf32>
      %reduce_or3A_377 = vector.broadcast %reduce_or3A_375 : f32 to vector<16xf32>
      %reduce_or3A_378 = arith.select %and3A_352, %reduce_or3A_376, %reduce_or3A_377 : vector<16xi1>, vector<16xf32>
      %reduce_or3A_379 = arith.constant true
      %reduce_or3A_380 = vector.broadcast %reduce_or3A_379 : i1 to vector<16xi1>
      %reduce_or3A_381 = tpu.scan <max>, %reduce_or3A_378 masked %reduce_or3A_380 : vector<16xf32>, vector<16xi1> -> vector<16xf32>
      %reduce_or3A_382 = vector.extract %reduce_or3A_381[15] : f32 from vector<16xf32>
      %reduce_or3A_383 = arith.constant 0.000000e+00 : f32
      %reduce_or3A_384 = arith.cmpf ogt, %reduce_or3A_382, %reduce_or3A_383 : f32
      %and3A_385 = arith.andi %reduce_or3A_384, %gt3A_373 : i1
      %select_n3A_386 = arith.select %and3A_385, %reduce_max3A_358, %select_n3A_317 : f32
      %and3A_387 = arith.andi %reduce_or3A_384, %gt3A_373 : i1
      %select_n3A_388 = arith.select %and3A_387, %reduce_min3A_372, %select_n3A_319 : i32
      %reduce_or3A_389 = arith.constant 1.000000e+00 : f32
      %reduce_or3A_390 = arith.constant 0.000000e+00 : f32
      %reduce_or3A_391 = vector.broadcast %reduce_or3A_389 : f32 to vector<16xf32>
      %reduce_or3A_392 = vector.broadcast %reduce_or3A_390 : f32 to vector<16xf32>
      %reduce_or3A_393 = arith.select %ne3A_341, %reduce_or3A_391, %reduce_or3A_392 : vector<16xi1>, vector<16xf32>
      %reduce_or3A_394 = arith.constant true
      %reduce_or3A_395 = vector.broadcast %reduce_or3A_394 : i1 to vector<16xi1>
      %reduce_or3A_396 = tpu.scan <max>, %reduce_or3A_393 masked %reduce_or3A_395 : vector<16xf32>, vector<16xi1> -> vector<16xf32>
      %reduce_or3A_397 = vector.extract %reduce_or3A_396[15] : f32 from vector<16xf32>
      %reduce_or3A_398 = arith.constant 0.000000e+00 : f32
      %reduce_or3A_399 = arith.cmpf ogt, %reduce_or3A_397, %reduce_or3A_398 : f32
      %or3A_400 = arith.ori %or3A_331, %reduce_or3A_399 : i1
      %get3A_401 = arith.constant 32 : index
      %get3A_402 = tpu.vector_load %arg7[%get3A_401] {strides = array<i32>} : memref<128xf32, #tpu.memory_space<vmem>>, vector<16xf32>,
      %get3A_403 = arith.constant 32 : index
      %get3A_404 = tpu.vector_load %arg8[%get3A_403] {strides = array<i32>} : memref<128xi32, #tpu.memory_space<vmem>>, vector<16xi32>,
      %add3A_405 = arith.constant 32 : i32
      %add3A_406 = arith.addi %min3A_264, %add3A_405 : i32
      %add3A_407 = vector.broadcast %add3A_406 : i32 to vector<16xi32>
      %add3A_408 = arith.addi %add3A_407, %iota3A : vector<16xi32>
      %ne3A_409 = vector.broadcast %reduce_max3A_186 : i32 to vector<16xi32>
      %ne3A_410 = arith.cmpi ne, %get3A_404, %ne3A_409 : vector<16xi32>
      %convert_element_type3A_411 = arith.extui %ne3A_410 : vector<16xi1> to vector<16xi32>
      %cumsum3A_412 = arith.constant true
      %cumsum3A_413 = vector.broadcast %cumsum3A_412 : i1 to vector<16xi1>
      %cumsum3A_414 = tpu.scan <sum>, %convert_element_type3A_411 masked %cumsum3A_413 : vector<16xi32>, vector<16xi1> -> vector<16xi32>
      %eq3A_415 = arith.constant 0 : i32
      %eq3A_416 = vector.broadcast %eq3A_415 : i32 to vector<16xi32>
      %eq3A_417 = arith.cmpi eq, %cumsum3A_414, %eq3A_416 : vector<16xi32>
      %not3A_418 = arith.constant true
      %not3A_419 = arith.xori %or3A_400, %not3A_418 : i1
      %and3A_420 = vector.broadcast %not3A_419 : i1 to vector<16xi1>
      %and3A_421 = arith.andi %eq3A_417, %and3A_420 : vector<16xi1>
      %broadcast_in_dim3A_422 = vector.broadcast %while3A_213 : f32 to vector<16xf32>
      %select_n3A_423 = arith.select %and3A_421, %get3A_402, %broadcast_in_dim3A_422 : vector<16xi1>, vector<16xf32>
      %reduce_max3A_424 = arith.constant true
      %reduce_max3A_425 = vector.broadcast %reduce_max3A_424 : i1 to vector<16xi1>
      %reduce_max3A_426 = tpu.scan <max>, %select_n3A_423 masked %reduce_max3A_425 : vector<16xf32>, vector<16xi1> -> vector<16xf32>
      %reduce_max3A_427 = vector.extract %reduce_max3A_426[15] : f32 from vector<16xf32>
      %eq3A_428 = vector.broadcast %reduce_max3A_427 : f32 to vector<16xf32>
      %eq3A_429 = arith.cmpf oeq, %get3A_402, %eq3A_428 : vector<16xf32>
      %and3A_430 = arith.andi %and3A_421, %eq3A_429 : vector<16xi1>
      %jit3A_431 = arith.constant 2147483647 : i32
      %broadcast_in_dim3A_432 = vector.broadcast %jit3A_431 : i32 to vector<16xi32>
      %select_n3A_433 = arith.select %and3A_430, %add3A_408, %broadcast_in_dim3A_432 : vector<16xi1>, vector<16xi32>
      %reduce_min3A_434 = arith.constant true
      %reduce_min3A_435 = vector.broadcast %reduce_min3A_434 : i1 to vector<16xi1>
      %reduce_min3A_436 = arith.constant -2147483648 : i32
      %reduce_min3A_437 = vector.broadcast %reduce_min3A_436 : i32 to vector<16xi32>
      %reduce_min3A_438 = arith.xori %select_n3A_433, %reduce_min3A_437 : vector<16xi32>
      %reduce_min3A_439 = tpu.scan <min>, %reduce_min3A_438 masked %reduce_min3A_435 : vector<16xi32>, vector<16xi1> -> vector<16xi32>
      %reduce_min3A_440 = arith.xori %reduce_min3A_439, %reduce_min3A_437 : vector<16xi32>
      %reduce_min3A_441 = vector.extract %reduce_min3A_440[15] : i32 from vector<16xi32>
      %gt3A_442 = arith.cmpf ogt, %reduce_max3A_427, %select_n3A_386 : f32
      %reduce_or3A_443 = arith.constant 1.000000e+00 : f32
      %reduce_or3A_444 = arith.constant 0.000000e+00 : f32
      %reduce_or3A_445 = vector.broadcast %reduce_or3A_443 : f32 to vector<16xf32>
      %reduce_or3A_446 = vector.broadcast %reduce_or3A_444 : f32 to vector<16xf32>
      %reduce_or3A_447 = arith.select %and3A_421, %reduce_or3A_445, %reduce_or3A_446 : vector<16xi1>, vector<16xf32>
      %reduce_or3A_448 = arith.constant true
      %reduce_or3A_449 = vector.broadcast %reduce_or3A_448 : i1 to vector<16xi1>
      %reduce_or3A_450 = tpu.scan <max>, %reduce_or3A_447 masked %reduce_or3A_449 : vector<16xf32>, vector<16xi1> -> vector<16xf32>
      %reduce_or3A_451 = vector.extract %reduce_or3A_450[15] : f32 from vector<16xf32>
      %reduce_or3A_452 = arith.constant 0.000000e+00 : f32
      %reduce_or3A_453 = arith.cmpf ogt, %reduce_or3A_451, %reduce_or3A_452 : f32
      %and3A_454 = arith.andi %reduce_or3A_453, %gt3A_442 : i1
      %select_n3A_455 = arith.select %and3A_454, %reduce_max3A_427, %select_n3A_386 : f32
      %and3A_456 = arith.andi %reduce_or3A_453, %gt3A_442 : i1
      %select_n3A_457 = arith.select %and3A_456, %reduce_min3A_441, %select_n3A_388 : i32
      %reduce_or3A_458 = arith.constant 1.000000e+00 : f32
      %reduce_or3A_459 = arith.constant 0.000000e+00 : f32
      %reduce_or3A_460 = vector.broadcast %reduce_or3A_458 : f32 to vector<16xf32>
      %reduce_or3A_461 = vector.broadcast %reduce_or3A_459 : f32 to vector<16xf32>
      %reduce_or3A_462 = arith.select %ne3A_410, %reduce_or3A_460, %reduce_or3A_461 : vector<16xi1>, vector<16xf32>
      %reduce_or3A_463 = arith.constant true
      %reduce_or3A_464 = vector.broadcast %reduce_or3A_463 : i1 to vector<16xi1>
      %reduce_or3A_465 = tpu.scan <max>, %reduce_or3A_462 masked %reduce_or3A_464 : vector<16xf32>, vector<16xi1> -> vector<16xf32>
      %reduce_or3A_466 = vector.extract %reduce_or3A_465[15] : f32 from vector<16xf32>
      %reduce_or3A_467 = arith.constant 0.000000e+00 : f32
      %reduce_or3A_468 = arith.cmpf ogt, %reduce_or3A_466, %reduce_or3A_467 : f32
      %or3A_469 = arith.ori %or3A_400, %reduce_or3A_468 : i1
      %get3A_470 = arith.constant 48 : index
      %get3A_471 = tpu.vector_load %arg7[%get3A_470] {strides = array<i32>} : memref<128xf32, #tpu.memory_space<vmem>>, vector<16xf32>,
      %get3A_472 = arith.constant 48 : index
      %get3A_473 = tpu.vector_load %arg8[%get3A_472] {strides = array<i32>} : memref<128xi32, #tpu.memory_space<vmem>>, vector<16xi32>,
      %add3A_474 = arith.constant 48 : i32
      %add3A_475 = arith.addi %min3A_264, %add3A_474 : i32
      %add3A_476 = vector.broadcast %add3A_475 : i32 to vector<16xi32>
      %add3A_477 = arith.addi %add3A_476, %iota3A : vector<16xi32>
      %ne3A_478 = vector.broadcast %reduce_max3A_186 : i32 to vector<16xi32>
      %ne3A_479 = arith.cmpi ne, %get3A_473, %ne3A_478 : vector<16xi32>
      %convert_element_type3A_480 = arith.extui %ne3A_479 : vector<16xi1> to vector<16xi32>
      %cumsum3A_481 = arith.constant true
      %cumsum3A_482 = vector.broadcast %cumsum3A_481 : i1 to vector<16xi1>
      %cumsum3A_483 = tpu.scan <sum>, %convert_element_type3A_480 masked %cumsum3A_482 : vector<16xi32>, vector<16xi1> -> vector<16xi32>
      %eq3A_484 = arith.constant 0 : i32
      %eq3A_485 = vector.broadcast %eq3A_484 : i32 to vector<16xi32>
      %eq3A_486 = arith.cmpi eq, %cumsum3A_483, %eq3A_485 : vector<16xi32>
      %not3A_487 = arith.constant true
      %not3A_488 = arith.xori %or3A_469, %not3A_487 : i1
      %and3A_489 = vector.broadcast %not3A_488 : i1 to vector<16xi1>
      %and3A_490 = arith.andi %eq3A_486, %and3A_489 : vector<16xi1>
      %broadcast_in_dim3A_491 = vector.broadcast %while3A_213 : f32 to vector<16xf32>
      %select_n3A_492 = arith.select %and3A_490, %get3A_471, %broadcast_in_dim3A_491 : vector<16xi1>, vector<16xf32>
      %reduce_max3A_493 = arith.constant true
      %reduce_max3A_494 = vector.broadcast %reduce_max3A_493 : i1 to vector<16xi1>
      %reduce_max3A_495 = tpu.scan <max>, %select_n3A_492 masked %reduce_max3A_494 : vector<16xf32>, vector<16xi1> -> vector<16xf32>
      %reduce_max3A_496 = vector.extract %reduce_max3A_495[15] : f32 from vector<16xf32>
      %eq3A_497 = vector.broadcast %reduce_max3A_496 : f32 to vector<16xf32>
      %eq3A_498 = arith.cmpf oeq, %get3A_471, %eq3A_497 : vector<16xf32>
      %and3A_499 = arith.andi %and3A_490, %eq3A_498 : vector<16xi1>
      %jit3A_500 = arith.constant 2147483647 : i32
      %broadcast_in_dim3A_501 = vector.broadcast %jit3A_500 : i32 to vector<16xi32>
      %select_n3A_502 = arith.select %and3A_499, %add3A_477, %broadcast_in_dim3A_501 : vector<16xi1>, vector<16xi32>
      %reduce_min3A_503 = arith.constant true
      %reduce_min3A_504 = vector.broadcast %reduce_min3A_503 : i1 to vector<16xi1>
      %reduce_min3A_505 = arith.constant -2147483648 : i32
      %reduce_min3A_506 = vector.broadcast %reduce_min3A_505 : i32 to vector<16xi32>
      %reduce_min3A_507 = arith.xori %select_n3A_502, %reduce_min3A_506 : vector<16xi32>
      %reduce_min3A_508 = tpu.scan <min>, %reduce_min3A_507 masked %reduce_min3A_504 : vector<16xi32>, vector<16xi1> -> vector<16xi32>
      %reduce_min3A_509 = arith.xori %reduce_min3A_508, %reduce_min3A_506 : vector<16xi32>
      %reduce_min3A_510 = vector.extract %reduce_min3A_509[15] : i32 from vector<16xi32>
      %gt3A_511 = arith.cmpf ogt, %reduce_max3A_496, %select_n3A_455 : f32
      %reduce_or3A_512 = arith.constant 1.000000e+00 : f32
      %reduce_or3A_513 = arith.constant 0.000000e+00 : f32
      %reduce_or3A_514 = vector.broadcast %reduce_or3A_512 : f32 to vector<16xf32>
      %reduce_or3A_515 = vector.broadcast %reduce_or3A_513 : f32 to vector<16xf32>
      %reduce_or3A_516 = arith.select %and3A_490, %reduce_or3A_514, %reduce_or3A_515 : vector<16xi1>, vector<16xf32>
      %reduce_or3A_517 = arith.constant true
      %reduce_or3A_518 = vector.broadcast %reduce_or3A_517 : i1 to vector<16xi1>
      %reduce_or3A_519 = tpu.scan <max>, %reduce_or3A_516 masked %reduce_or3A_518 : vector<16xf32>, vector<16xi1> -> vector<16xf32>
      %reduce_or3A_520 = vector.extract %reduce_or3A_519[15] : f32 from vector<16xf32>
      %reduce_or3A_521 = arith.constant 0.000000e+00 : f32
      %reduce_or3A_522 = arith.cmpf ogt, %reduce_or3A_520, %reduce_or3A_521 : f32
      %and3A_523 = arith.andi %reduce_or3A_522, %gt3A_511 : i1
      %select_n3A_524 = arith.select %and3A_523, %reduce_max3A_496, %select_n3A_455 : f32
      %and3A_525 = arith.andi %reduce_or3A_522, %gt3A_511 : i1
      %select_n3A_526 = arith.select %and3A_525, %reduce_min3A_510, %select_n3A_457 : i32
      %reduce_or3A_527 = arith.constant 1.000000e+00 : f32
      %reduce_or3A_528 = arith.constant 0.000000e+00 : f32
      %reduce_or3A_529 = vector.broadcast %reduce_or3A_527 : f32 to vector<16xf32>
      %reduce_or3A_530 = vector.broadcast %reduce_or3A_528 : f32 to vector<16xf32>
      %reduce_or3A_531 = arith.select %ne3A_479, %reduce_or3A_529, %reduce_or3A_530 : vector<16xi1>, vector<16xf32>
      %reduce_or3A_532 = arith.constant true
      %reduce_or3A_533 = vector.broadcast %reduce_or3A_532 : i1 to vector<16xi1>
      %reduce_or3A_534 = tpu.scan <max>, %reduce_or3A_531 masked %reduce_or3A_533 : vector<16xf32>, vector<16xi1> -> vector<16xf32>
      %reduce_or3A_535 = vector.extract %reduce_or3A_534[15] : f32 from vector<16xf32>
      %reduce_or3A_536 = arith.constant 0.000000e+00 : f32
      %reduce_or3A_537 = arith.cmpf ogt, %reduce_or3A_535, %reduce_or3A_536 : f32
      %or3A_538 = arith.ori %or3A_469, %reduce_or3A_537 : i1
      %get3A_539 = arith.constant 64 : index
      %get3A_540 = tpu.vector_load %arg7[%get3A_539] {strides = array<i32>} : memref<128xf32, #tpu.memory_space<vmem>>, vector<16xf32>,
      %get3A_541 = arith.constant 64 : index
      %get3A_542 = tpu.vector_load %arg8[%get3A_541] {strides = array<i32>} : memref<128xi32, #tpu.memory_space<vmem>>, vector<16xi32>,
      %add3A_543 = arith.constant 64 : i32
      %add3A_544 = arith.addi %min3A_264, %add3A_543 : i32
      %add3A_545 = vector.broadcast %add3A_544 : i32 to vector<16xi32>
      %add3A_546 = arith.addi %add3A_545, %iota3A : vector<16xi32>
      %ne3A_547 = vector.broadcast %reduce_max3A_186 : i32 to vector<16xi32>
      %ne3A_548 = arith.cmpi ne, %get3A_542, %ne3A_547 : vector<16xi32>
      %convert_element_type3A_549 = arith.extui %ne3A_548 : vector<16xi1> to vector<16xi32>
      %cumsum3A_550 = arith.constant true
      %cumsum3A_551 = vector.broadcast %cumsum3A_550 : i1 to vector<16xi1>
      %cumsum3A_552 = tpu.scan <sum>, %convert_element_type3A_549 masked %cumsum3A_551 : vector<16xi32>, vector<16xi1> -> vector<16xi32>
      %eq3A_553 = arith.constant 0 : i32
      %eq3A_554 = vector.broadcast %eq3A_553 : i32 to vector<16xi32>
      %eq3A_555 = arith.cmpi eq, %cumsum3A_552, %eq3A_554 : vector<16xi32>
      %not3A_556 = arith.constant true
      %not3A_557 = arith.xori %or3A_538, %not3A_556 : i1
      %and3A_558 = vector.broadcast %not3A_557 : i1 to vector<16xi1>
      %and3A_559 = arith.andi %eq3A_555, %and3A_558 : vector<16xi1>
      %broadcast_in_dim3A_560 = vector.broadcast %while3A_213 : f32 to vector<16xf32>
      %select_n3A_561 = arith.select %and3A_559, %get3A_540, %broadcast_in_dim3A_560 : vector<16xi1>, vector<16xf32>
      %reduce_max3A_562 = arith.constant true
      %reduce_max3A_563 = vector.broadcast %reduce_max3A_562 : i1 to vector<16xi1>
      %reduce_max3A_564 = tpu.scan <max>, %select_n3A_561 masked %reduce_max3A_563 : vector<16xf32>, vector<16xi1> -> vector<16xf32>
      %reduce_max3A_565 = vector.extract %reduce_max3A_564[15] : f32 from vector<16xf32>
      %eq3A_566 = vector.broadcast %reduce_max3A_565 : f32 to vector<16xf32>
      %eq3A_567 = arith.cmpf oeq, %get3A_540, %eq3A_566 : vector<16xf32>
      %and3A_568 = arith.andi %and3A_559, %eq3A_567 : vector<16xi1>
      %jit3A_569 = arith.constant 2147483647 : i32
      %broadcast_in_dim3A_570 = vector.broadcast %jit3A_569 : i32 to vector<16xi32>
      %select_n3A_571 = arith.select %and3A_568, %add3A_546, %broadcast_in_dim3A_570 : vector<16xi1>, vector<16xi32>
      %reduce_min3A_572 = arith.constant true
      %reduce_min3A_573 = vector.broadcast %reduce_min3A_572 : i1 to vector<16xi1>
      %reduce_min3A_574 = arith.constant -2147483648 : i32
      %reduce_min3A_575 = vector.broadcast %reduce_min3A_574 : i32 to vector<16xi32>
      %reduce_min3A_576 = arith.xori %select_n3A_571, %reduce_min3A_575 : vector<16xi32>
      %reduce_min3A_577 = tpu.scan <min>, %reduce_min3A_576 masked %reduce_min3A_573 : vector<16xi32>, vector<16xi1> -> vector<16xi32>
      %reduce_min3A_578 = arith.xori %reduce_min3A_577, %reduce_min3A_575 : vector<16xi32>
      %reduce_min3A_579 = vector.extract %reduce_min3A_578[15] : i32 from vector<16xi32>
      %gt3A_580 = arith.cmpf ogt, %reduce_max3A_565, %select_n3A_524 : f32
      %reduce_or3A_581 = arith.constant 1.000000e+00 : f32
      %reduce_or3A_582 = arith.constant 0.000000e+00 : f32
      %reduce_or3A_583 = vector.broadcast %reduce_or3A_581 : f32 to vector<16xf32>
      %reduce_or3A_584 = vector.broadcast %reduce_or3A_582 : f32 to vector<16xf32>
      %reduce_or3A_585 = arith.select %and3A_559, %reduce_or3A_583, %reduce_or3A_584 : vector<16xi1>, vector<16xf32>
      %reduce_or3A_586 = arith.constant true
      %reduce_or3A_587 = vector.broadcast %reduce_or3A_586 : i1 to vector<16xi1>
      %reduce_or3A_588 = tpu.scan <max>, %reduce_or3A_585 masked %reduce_or3A_587 : vector<16xf32>, vector<16xi1> -> vector<16xf32>
      %reduce_or3A_589 = vector.extract %reduce_or3A_588[15] : f32 from vector<16xf32>
      %reduce_or3A_590 = arith.constant 0.000000e+00 : f32
      %reduce_or3A_591 = arith.cmpf ogt, %reduce_or3A_589, %reduce_or3A_590 : f32
      %and3A_592 = arith.andi %reduce_or3A_591, %gt3A_580 : i1
      %select_n3A_593 = arith.select %and3A_592, %reduce_max3A_565, %select_n3A_524 : f32
      %and3A_594 = arith.andi %reduce_or3A_591, %gt3A_580 : i1
      %select_n3A_595 = arith.select %and3A_594, %reduce_min3A_579, %select_n3A_526 : i32
      %reduce_or3A_596 = arith.constant 1.000000e+00 : f32
      %reduce_or3A_597 = arith.constant 0.000000e+00 : f32
      %reduce_or3A_598 = vector.broadcast %reduce_or3A_596 : f32 to vector<16xf32>
      %reduce_or3A_599 = vector.broadcast %reduce_or3A_597 : f32 to vector<16xf32>
      %reduce_or3A_600 = arith.select %ne3A_548, %reduce_or3A_598, %reduce_or3A_599 : vector<16xi1>, vector<16xf32>
      %reduce_or3A_601 = arith.constant true
      %reduce_or3A_602 = vector.broadcast %reduce_or3A_601 : i1 to vector<16xi1>
      %reduce_or3A_603 = tpu.scan <max>, %reduce_or3A_600 masked %reduce_or3A_602 : vector<16xf32>, vector<16xi1> -> vector<16xf32>
      %reduce_or3A_604 = vector.extract %reduce_or3A_603[15] : f32 from vector<16xf32>
      %reduce_or3A_605 = arith.constant 0.000000e+00 : f32
      %reduce_or3A_606 = arith.cmpf ogt, %reduce_or3A_604, %reduce_or3A_605 : f32
      %or3A_607 = arith.ori %or3A_538, %reduce_or3A_606 : i1
      %get3A_608 = arith.constant 80 : index
      %get3A_609 = tpu.vector_load %arg7[%get3A_608] {strides = array<i32>} : memref<128xf32, #tpu.memory_space<vmem>>, vector<16xf32>,
      %get3A_610 = arith.constant 80 : index
      %get3A_611 = tpu.vector_load %arg8[%get3A_610] {strides = array<i32>} : memref<128xi32, #tpu.memory_space<vmem>>, vector<16xi32>,
      %add3A_612 = arith.constant 80 : i32
      %add3A_613 = arith.addi %min3A_264, %add3A_612 : i32
      %add3A_614 = vector.broadcast %add3A_613 : i32 to vector<16xi32>
      %add3A_615 = arith.addi %add3A_614, %iota3A : vector<16xi32>
      %ne3A_616 = vector.broadcast %reduce_max3A_186 : i32 to vector<16xi32>
      %ne3A_617 = arith.cmpi ne, %get3A_611, %ne3A_616 : vector<16xi32>
      %convert_element_type3A_618 = arith.extui %ne3A_617 : vector<16xi1> to vector<16xi32>
      %cumsum3A_619 = arith.constant true
      %cumsum3A_620 = vector.broadcast %cumsum3A_619 : i1 to vector<16xi1>
      %cumsum3A_621 = tpu.scan <sum>, %convert_element_type3A_618 masked %cumsum3A_620 : vector<16xi32>, vector<16xi1> -> vector<16xi32>
      %eq3A_622 = arith.constant 0 : i32
      %eq3A_623 = vector.broadcast %eq3A_622 : i32 to vector<16xi32>
      %eq3A_624 = arith.cmpi eq, %cumsum3A_621, %eq3A_623 : vector<16xi32>
      %not3A_625 = arith.constant true
      %not3A_626 = arith.xori %or3A_607, %not3A_625 : i1
      %and3A_627 = vector.broadcast %not3A_626 : i1 to vector<16xi1>
      %and3A_628 = arith.andi %eq3A_624, %and3A_627 : vector<16xi1>
      %broadcast_in_dim3A_629 = vector.broadcast %while3A_213 : f32 to vector<16xf32>
      %select_n3A_630 = arith.select %and3A_628, %get3A_609, %broadcast_in_dim3A_629 : vector<16xi1>, vector<16xf32>
      %reduce_max3A_631 = arith.constant true
      %reduce_max3A_632 = vector.broadcast %reduce_max3A_631 : i1 to vector<16xi1>
      %reduce_max3A_633 = tpu.scan <max>, %select_n3A_630 masked %reduce_max3A_632 : vector<16xf32>, vector<16xi1> -> vector<16xf32>
      %reduce_max3A_634 = vector.extract %reduce_max3A_633[15] : f32 from vector<16xf32>
      %eq3A_635 = vector.broadcast %reduce_max3A_634 : f32 to vector<16xf32>
      %eq3A_636 = arith.cmpf oeq, %get3A_609, %eq3A_635 : vector<16xf32>
      %and3A_637 = arith.andi %and3A_628, %eq3A_636 : vector<16xi1>
      %jit3A_638 = arith.constant 2147483647 : i32
      %broadcast_in_dim3A_639 = vector.broadcast %jit3A_638 : i32 to vector<16xi32>
      %select_n3A_640 = arith.select %and3A_637, %add3A_615, %broadcast_in_dim3A_639 : vector<16xi1>, vector<16xi32>
      %reduce_min3A_641 = arith.constant true
      %reduce_min3A_642 = vector.broadcast %reduce_min3A_641 : i1 to vector<16xi1>
      %reduce_min3A_643 = arith.constant -2147483648 : i32
      %reduce_min3A_644 = vector.broadcast %reduce_min3A_643 : i32 to vector<16xi32>
      %reduce_min3A_645 = arith.xori %select_n3A_640, %reduce_min3A_644 : vector<16xi32>
      %reduce_min3A_646 = tpu.scan <min>, %reduce_min3A_645 masked %reduce_min3A_642 : vector<16xi32>, vector<16xi1> -> vector<16xi32>
      %reduce_min3A_647 = arith.xori %reduce_min3A_646, %reduce_min3A_644 : vector<16xi32>
      %reduce_min3A_648 = vector.extract %reduce_min3A_647[15] : i32 from vector<16xi32>
      %gt3A_649 = arith.cmpf ogt, %reduce_max3A_634, %select_n3A_593 : f32
      %reduce_or3A_650 = arith.constant 1.000000e+00 : f32
      %reduce_or3A_651 = arith.constant 0.000000e+00 : f32
      %reduce_or3A_652 = vector.broadcast %reduce_or3A_650 : f32 to vector<16xf32>
      %reduce_or3A_653 = vector.broadcast %reduce_or3A_651 : f32 to vector<16xf32>
      %reduce_or3A_654 = arith.select %and3A_628, %reduce_or3A_652, %reduce_or3A_653 : vector<16xi1>, vector<16xf32>
      %reduce_or3A_655 = arith.constant true
      %reduce_or3A_656 = vector.broadcast %reduce_or3A_655 : i1 to vector<16xi1>
      %reduce_or3A_657 = tpu.scan <max>, %reduce_or3A_654 masked %reduce_or3A_656 : vector<16xf32>, vector<16xi1> -> vector<16xf32>
      %reduce_or3A_658 = vector.extract %reduce_or3A_657[15] : f32 from vector<16xf32>
      %reduce_or3A_659 = arith.constant 0.000000e+00 : f32
      %reduce_or3A_660 = arith.cmpf ogt, %reduce_or3A_658, %reduce_or3A_659 : f32
      %and3A_661 = arith.andi %reduce_or3A_660, %gt3A_649 : i1
      %select_n3A_662 = arith.select %and3A_661, %reduce_max3A_634, %select_n3A_593 : f32
      %and3A_663 = arith.andi %reduce_or3A_660, %gt3A_649 : i1
      %select_n3A_664 = arith.select %and3A_663, %reduce_min3A_648, %select_n3A_595 : i32
      %reduce_or3A_665 = arith.constant 1.000000e+00 : f32
      %reduce_or3A_666 = arith.constant 0.000000e+00 : f32
      %reduce_or3A_667 = vector.broadcast %reduce_or3A_665 : f32 to vector<16xf32>
      %reduce_or3A_668 = vector.broadcast %reduce_or3A_666 : f32 to vector<16xf32>
      %reduce_or3A_669 = arith.select %ne3A_617, %reduce_or3A_667, %reduce_or3A_668 : vector<16xi1>, vector<16xf32>
      %reduce_or3A_670 = arith.constant true
      %reduce_or3A_671 = vector.broadcast %reduce_or3A_670 : i1 to vector<16xi1>
      %reduce_or3A_672 = tpu.scan <max>, %reduce_or3A_669 masked %reduce_or3A_671 : vector<16xf32>, vector<16xi1> -> vector<16xf32>
      %reduce_or3A_673 = vector.extract %reduce_or3A_672[15] : f32 from vector<16xf32>
      %reduce_or3A_674 = arith.constant 0.000000e+00 : f32
      %reduce_or3A_675 = arith.cmpf ogt, %reduce_or3A_673, %reduce_or3A_674 : f32
      %or3A_676 = arith.ori %or3A_607, %reduce_or3A_675 : i1
      %get3A_677 = arith.constant 96 : index
      %get3A_678 = tpu.vector_load %arg7[%get3A_677] {strides = array<i32>} : memref<128xf32, #tpu.memory_space<vmem>>, vector<16xf32>,
      %get3A_679 = arith.constant 96 : index
      %get3A_680 = tpu.vector_load %arg8[%get3A_679] {strides = array<i32>} : memref<128xi32, #tpu.memory_space<vmem>>, vector<16xi32>,
      %add3A_681 = arith.constant 96 : i32
      %add3A_682 = arith.addi %min3A_264, %add3A_681 : i32
      %add3A_683 = vector.broadcast %add3A_682 : i32 to vector<16xi32>
      %add3A_684 = arith.addi %add3A_683, %iota3A : vector<16xi32>
      %ne3A_685 = vector.broadcast %reduce_max3A_186 : i32 to vector<16xi32>
      %ne3A_686 = arith.cmpi ne, %get3A_680, %ne3A_685 : vector<16xi32>
      %convert_element_type3A_687 = arith.extui %ne3A_686 : vector<16xi1> to vector<16xi32>
      %cumsum3A_688 = arith.constant true
      %cumsum3A_689 = vector.broadcast %cumsum3A_688 : i1 to vector<16xi1>
      %cumsum3A_690 = tpu.scan <sum>, %convert_element_type3A_687 masked %cumsum3A_689 : vector<16xi32>, vector<16xi1> -> vector<16xi32>
      %eq3A_691 = arith.constant 0 : i32
      %eq3A_692 = vector.broadcast %eq3A_691 : i32 to vector<16xi32>
      %eq3A_693 = arith.cmpi eq, %cumsum3A_690, %eq3A_692 : vector<16xi32>
      %not3A_694 = arith.constant true
      %not3A_695 = arith.xori %or3A_676, %not3A_694 : i1
      %and3A_696 = vector.broadcast %not3A_695 : i1 to vector<16xi1>
      %and3A_697 = arith.andi %eq3A_693, %and3A_696 : vector<16xi1>
      %broadcast_in_dim3A_698 = vector.broadcast %while3A_213 : f32 to vector<16xf32>
      %select_n3A_699 = arith.select %and3A_697, %get3A_678, %broadcast_in_dim3A_698 : vector<16xi1>, vector<16xf32>
      %reduce_max3A_700 = arith.constant true
      %reduce_max3A_701 = vector.broadcast %reduce_max3A_700 : i1 to vector<16xi1>
      %reduce_max3A_702 = tpu.scan <max>, %select_n3A_699 masked %reduce_max3A_701 : vector<16xf32>, vector<16xi1> -> vector<16xf32>
      %reduce_max3A_703 = vector.extract %reduce_max3A_702[15] : f32 from vector<16xf32>
      %eq3A_704 = vector.broadcast %reduce_max3A_703 : f32 to vector<16xf32>
      %eq3A_705 = arith.cmpf oeq, %get3A_678, %eq3A_704 : vector<16xf32>
      %and3A_706 = arith.andi %and3A_697, %eq3A_705 : vector<16xi1>
      %jit3A_707 = arith.constant 2147483647 : i32
      %broadcast_in_dim3A_708 = vector.broadcast %jit3A_707 : i32 to vector<16xi32>
      %select_n3A_709 = arith.select %and3A_706, %add3A_684, %broadcast_in_dim3A_708 : vector<16xi1>, vector<16xi32>
      %reduce_min3A_710 = arith.constant true
      %reduce_min3A_711 = vector.broadcast %reduce_min3A_710 : i1 to vector<16xi1>
      %reduce_min3A_712 = arith.constant -2147483648 : i32
      %reduce_min3A_713 = vector.broadcast %reduce_min3A_712 : i32 to vector<16xi32>
      %reduce_min3A_714 = arith.xori %select_n3A_709, %reduce_min3A_713 : vector<16xi32>
      %reduce_min3A_715 = tpu.scan <min>, %reduce_min3A_714 masked %reduce_min3A_711 : vector<16xi32>, vector<16xi1> -> vector<16xi32>
      %reduce_min3A_716 = arith.xori %reduce_min3A_715, %reduce_min3A_713 : vector<16xi32>
      %reduce_min3A_717 = vector.extract %reduce_min3A_716[15] : i32 from vector<16xi32>
      %gt3A_718 = arith.cmpf ogt, %reduce_max3A_703, %select_n3A_662 : f32
      %reduce_or3A_719 = arith.constant 1.000000e+00 : f32
      %reduce_or3A_720 = arith.constant 0.000000e+00 : f32
      %reduce_or3A_721 = vector.broadcast %reduce_or3A_719 : f32 to vector<16xf32>
      %reduce_or3A_722 = vector.broadcast %reduce_or3A_720 : f32 to vector<16xf32>
      %reduce_or3A_723 = arith.select %and3A_697, %reduce_or3A_721, %reduce_or3A_722 : vector<16xi1>, vector<16xf32>
      %reduce_or3A_724 = arith.constant true
      %reduce_or3A_725 = vector.broadcast %reduce_or3A_724 : i1 to vector<16xi1>
      %reduce_or3A_726 = tpu.scan <max>, %reduce_or3A_723 masked %reduce_or3A_725 : vector<16xf32>, vector<16xi1> -> vector<16xf32>
      %reduce_or3A_727 = vector.extract %reduce_or3A_726[15] : f32 from vector<16xf32>
      %reduce_or3A_728 = arith.constant 0.000000e+00 : f32
      %reduce_or3A_729 = arith.cmpf ogt, %reduce_or3A_727, %reduce_or3A_728 : f32
      %and3A_730 = arith.andi %reduce_or3A_729, %gt3A_718 : i1
      %select_n3A_731 = arith.select %and3A_730, %reduce_max3A_703, %select_n3A_662 : f32
      %and3A_732 = arith.andi %reduce_or3A_729, %gt3A_718 : i1
      %select_n3A_733 = arith.select %and3A_732, %reduce_min3A_717, %select_n3A_664 : i32
      %reduce_or3A_734 = arith.constant 1.000000e+00 : f32
      %reduce_or3A_735 = arith.constant 0.000000e+00 : f32
      %reduce_or3A_736 = vector.broadcast %reduce_or3A_734 : f32 to vector<16xf32>
      %reduce_or3A_737 = vector.broadcast %reduce_or3A_735 : f32 to vector<16xf32>
      %reduce_or3A_738 = arith.select %ne3A_686, %reduce_or3A_736, %reduce_or3A_737 : vector<16xi1>, vector<16xf32>
      %reduce_or3A_739 = arith.constant true
      %reduce_or3A_740 = vector.broadcast %reduce_or3A_739 : i1 to vector<16xi1>
      %reduce_or3A_741 = tpu.scan <max>, %reduce_or3A_738 masked %reduce_or3A_740 : vector<16xf32>, vector<16xi1> -> vector<16xf32>
      %reduce_or3A_742 = vector.extract %reduce_or3A_741[15] : f32 from vector<16xf32>
      %reduce_or3A_743 = arith.constant 0.000000e+00 : f32
      %reduce_or3A_744 = arith.cmpf ogt, %reduce_or3A_742, %reduce_or3A_743 : f32
      %or3A_745 = arith.ori %or3A_676, %reduce_or3A_744 : i1
      %get3A_746 = arith.constant 112 : index
      %get3A_747 = tpu.vector_load %arg7[%get3A_746] {strides = array<i32>} : memref<128xf32, #tpu.memory_space<vmem>>, vector<16xf32>,
      %get3A_748 = arith.constant 112 : index
      %get3A_749 = tpu.vector_load %arg8[%get3A_748] {strides = array<i32>} : memref<128xi32, #tpu.memory_space<vmem>>, vector<16xi32>,
      %add3A_750 = arith.constant 112 : i32
      %add3A_751 = arith.addi %min3A_264, %add3A_750 : i32
      %add3A_752 = vector.broadcast %add3A_751 : i32 to vector<16xi32>
      %add3A_753 = arith.addi %add3A_752, %iota3A : vector<16xi32>
      %ne3A_754 = vector.broadcast %reduce_max3A_186 : i32 to vector<16xi32>
      %ne3A_755 = arith.cmpi ne, %get3A_749, %ne3A_754 : vector<16xi32>
      %convert_element_type3A_756 = arith.extui %ne3A_755 : vector<16xi1> to vector<16xi32>
      %cumsum3A_757 = arith.constant true
      %cumsum3A_758 = vector.broadcast %cumsum3A_757 : i1 to vector<16xi1>
      %cumsum3A_759 = tpu.scan <sum>, %convert_element_type3A_756 masked %cumsum3A_758 : vector<16xi32>, vector<16xi1> -> vector<16xi32>
      %eq3A_760 = arith.constant 0 : i32
      %eq3A_761 = vector.broadcast %eq3A_760 : i32 to vector<16xi32>
      %eq3A_762 = arith.cmpi eq, %cumsum3A_759, %eq3A_761 : vector<16xi32>
      %not3A_763 = arith.constant true
      %not3A_764 = arith.xori %or3A_745, %not3A_763 : i1
      %and3A_765 = vector.broadcast %not3A_764 : i1 to vector<16xi1>
      %and3A_766 = arith.andi %eq3A_762, %and3A_765 : vector<16xi1>
      %broadcast_in_dim3A_767 = vector.broadcast %while3A_213 : f32 to vector<16xf32>
      %select_n3A_768 = arith.select %and3A_766, %get3A_747, %broadcast_in_dim3A_767 : vector<16xi1>, vector<16xf32>
      %reduce_max3A_769 = arith.constant true
      %reduce_max3A_770 = vector.broadcast %reduce_max3A_769 : i1 to vector<16xi1>
      %reduce_max3A_771 = tpu.scan <max>, %select_n3A_768 masked %reduce_max3A_770 : vector<16xf32>, vector<16xi1> -> vector<16xf32>
      %reduce_max3A_772 = vector.extract %reduce_max3A_771[15] : f32 from vector<16xf32>
      %eq3A_773 = vector.broadcast %reduce_max3A_772 : f32 to vector<16xf32>
      %eq3A_774 = arith.cmpf oeq, %get3A_747, %eq3A_773 : vector<16xf32>
      %and3A_775 = arith.andi %and3A_766, %eq3A_774 : vector<16xi1>
      %jit3A_776 = arith.constant 2147483647 : i32
      %broadcast_in_dim3A_777 = vector.broadcast %jit3A_776 : i32 to vector<16xi32>
      %select_n3A_778 = arith.select %and3A_775, %add3A_753, %broadcast_in_dim3A_777 : vector<16xi1>, vector<16xi32>
      %reduce_min3A_779 = arith.constant true
      %reduce_min3A_780 = vector.broadcast %reduce_min3A_779 : i1 to vector<16xi1>
      %reduce_min3A_781 = arith.constant -2147483648 : i32
      %reduce_min3A_782 = vector.broadcast %reduce_min3A_781 : i32 to vector<16xi32>
      %reduce_min3A_783 = arith.xori %select_n3A_778, %reduce_min3A_782 : vector<16xi32>
      %reduce_min3A_784 = tpu.scan <min>, %reduce_min3A_783 masked %reduce_min3A_780 : vector<16xi32>, vector<16xi1> -> vector<16xi32>
      %reduce_min3A_785 = arith.xori %reduce_min3A_784, %reduce_min3A_782 : vector<16xi32>
      %reduce_min3A_786 = vector.extract %reduce_min3A_785[15] : i32 from vector<16xi32>
      %gt3A_787 = arith.cmpf ogt, %reduce_max3A_772, %select_n3A_731 : f32
      %reduce_or3A_788 = arith.constant 1.000000e+00 : f32
      %reduce_or3A_789 = arith.constant 0.000000e+00 : f32
      %reduce_or3A_790 = vector.broadcast %reduce_or3A_788 : f32 to vector<16xf32>
      %reduce_or3A_791 = vector.broadcast %reduce_or3A_789 : f32 to vector<16xf32>
      %reduce_or3A_792 = arith.select %and3A_766, %reduce_or3A_790, %reduce_or3A_791 : vector<16xi1>, vector<16xf32>
      %reduce_or3A_793 = arith.constant true
      %reduce_or3A_794 = vector.broadcast %reduce_or3A_793 : i1 to vector<16xi1>
      %reduce_or3A_795 = tpu.scan <max>, %reduce_or3A_792 masked %reduce_or3A_794 : vector<16xf32>, vector<16xi1> -> vector<16xf32>
      %reduce_or3A_796 = vector.extract %reduce_or3A_795[15] : f32 from vector<16xf32>
      %reduce_or3A_797 = arith.constant 0.000000e+00 : f32
      %reduce_or3A_798 = arith.cmpf ogt, %reduce_or3A_796, %reduce_or3A_797 : f32
      %and3A_799 = arith.andi %reduce_or3A_798, %gt3A_787 : i1
      %select_n3A_800 = arith.select %and3A_799, %reduce_max3A_772, %select_n3A_731 : f32
      %and3A_801 = arith.andi %reduce_or3A_798, %gt3A_787 : i1
      %select_n3A_802 = arith.select %and3A_801, %reduce_min3A_786, %select_n3A_733 : i32
      %reduce_or3A_803 = arith.constant 1.000000e+00 : f32
      %reduce_or3A_804 = arith.constant 0.000000e+00 : f32
      %reduce_or3A_805 = vector.broadcast %reduce_or3A_803 : f32 to vector<16xf32>
      %reduce_or3A_806 = vector.broadcast %reduce_or3A_804 : f32 to vector<16xf32>
      %reduce_or3A_807 = arith.select %ne3A_755, %reduce_or3A_805, %reduce_or3A_806 : vector<16xi1>, vector<16xf32>
      %reduce_or3A_808 = arith.constant true
      %reduce_or3A_809 = vector.broadcast %reduce_or3A_808 : i1 to vector<16xi1>
      %reduce_or3A_810 = tpu.scan <max>, %reduce_or3A_807 masked %reduce_or3A_809 : vector<16xf32>, vector<16xi1> -> vector<16xf32>
      %reduce_or3A_811 = vector.extract %reduce_or3A_810[15] : f32 from vector<16xf32>
      %reduce_or3A_812 = arith.constant 0.000000e+00 : f32
      %reduce_or3A_813 = arith.cmpf ogt, %reduce_or3A_811, %reduce_or3A_812 : f32
      %or3A_814 = arith.ori %or3A_745, %reduce_or3A_813 : i1
      %add3A_815 = arith.constant 128 : i32
      %add3A_816 = arith.addi %min3A_264, %add3A_815 : i32
      scf.yield %add3A_816, %or3A_814, %select_n3A_800, %select_n3A_802 : i32, i1, f32, i32
    }
    %broadcast_in_dim3A_215 = vector.broadcast %reduce_max3A_186 : i32 to vector<16xi32>
    %sub3A_216 = arith.subi %while3A_214#3, %reduce_max3A_194 : i32
    %broadcast_in_dim3A_217 = vector.broadcast %sub3A_216 : i32 to vector<16xi32>
    %and3A_218 = vector.broadcast %ge3A_209 : i1 to vector<16xi1>
    %and3A_219 = arith.andi %eq3A_173, %and3A_218 : vector<16xi1>
    tpu.vector_store_idx %arg9[%broadcast_in_dim3A_215], %broadcast_in_dim3A_217 masked %and3A_219 : memref<100128xi32, #tpu.memory_space<vmem>>[vector<16xi32>], vector<16xi32>, vector<16xi1>
    %sub3A_220 = arith.subi %reduce_max3A_92, %mul3A_113 : i32
    %add3A_221 = arith.constant 127 : i32
    %add3A_222 = arith.addi %sub3A_220, %add3A_221 : i32
    %jit3A_223 = arith.constant 128 : i32
    %div3A_224 = arith.divsi %add3A_222, %jit3A_223 : i32
    %sign3A_225 = arith.constant 0 : i32
    %sign3A_226 = arith.cmpi sgt, %add3A_222, %sign3A_225 : i32
    %sign3A_227 = arith.extui %sign3A_226 : i1 to i32
    %sign3A_228 = arith.constant 0 : i32
    %sign3A_229 = arith.cmpi slt, %add3A_222, %sign3A_228 : i32
    %sign3A_230 = arith.extui %sign3A_229 : i1 to i32
    %sign3A_231 = arith.subi %sign3A_227, %sign3A_230 : i32
    %sign3A_232 = arith.constant 0 : i32
    %sign3A_233 = arith.cmpi sgt, %jit3A_223, %sign3A_232 : i32
    %sign3A_234 = arith.extui %sign3A_233 : i1 to i32
    %sign3A_235 = arith.constant 0 : i32
    %sign3A_236 = arith.cmpi slt, %jit3A_223, %sign3A_235 : i32
    %sign3A_237 = arith.extui %sign3A_236 : i1 to i32
    %sign3A_238 = arith.subi %sign3A_234, %sign3A_237 : i32
    %ne3A_239 = arith.cmpi ne, %sign3A_231, %sign3A_238 : i32
    %rem3A_240 = arith.remsi %add3A_222, %jit3A_223 : i32
    %ne3A_241 = arith.constant 0 : i32
    %ne3A_242 = arith.cmpi ne, %rem3A_240, %ne3A_241 : i32
    %and3A_243 = arith.andi %ne3A_239, %ne3A_242 : i1
    %sub3A_244 = arith.constant 1 : i32
    %sub3A_245 = arith.subi %div3A_224, %sub3A_244 : i32
    %select_n3A_246 = arith.select %and3A_243, %sub3A_245, %div3A_224 : i32
    %while3A_247 = arith.constant 0 : i32
    %while3A_248 = arith.constant 0 : i32
    %while3A_249 = arith.subi %select_n3A_246, %while3A_247 : i32
    %while3A_250 = arith.addi %while3A_247, %while3A_249 : i32
    %while3A_251 = arith.constant 1 : i32
    %while3A_252 = arith.divsi %while3A_249, %while3A_251 : i32
    %while3A_253 = arith.muli %while3A_252, %while3A_251 : i32
    %while3A_254 = arith.addi %while3A_247, %while3A_253 : i32
    %while3A_255 = arith.constant 1 : i32
    %while3A_256 = scf.for %while3A_259 = %while3A_247 to %while3A_254 step %while3A_255 iter_args(%while3A_260 = %while3A_248) -> (i32)  : i32 {
      %mul3A_261 = arith.constant 128 : i32
      %mul3A_262 = arith.muli %while3A_259, %mul3A_261 : i32
      %add3A_263 = arith.addi %mul3A_113, %mul3A_262 : i32
      %multiple_of3A_264 = tpu.assume_multiple %add3A_263, 8 : i32
      %add3A_265 = arith.constant 0 : i32
      %add3A_266 = arith.addi %multiple_of3A_264, %add3A_265 : i32
      %add3A_267 = vector.broadcast %add3A_266 : i32 to vector<16xi32>
      %add3A_268 = arith.addi %add3A_267, %iota3A : vector<16xi32>
      %ge3A_269 = vector.broadcast %reduce_max3A_84 : i32 to vector<16xi32>
      %ge3A_270 = arith.cmpi sge, %add3A_268, %ge3A_269 : vector<16xi32>
      %lt3A_271 = vector.broadcast %reduce_max3A_92 : i32 to vector<16xi32>
      %lt3A_272 = arith.cmpi slt, %add3A_268, %lt3A_271 : vector<16xi32>
      %and3A_273 = arith.andi %ge3A_270, %lt3A_272 : vector<16xi1>
      %jit3A_274 = arith.constant 100000 : i32
      %broadcast_in_dim3A_275 = vector.broadcast %jit3A_274 : i32 to vector<16xi32>
      %select_n3A_276 = arith.select %and3A_273, %add3A_268, %broadcast_in_dim3A_275 : vector<16xi1>, vector<16xi32>
      %swap3A = arith.constant 0 : index
      %swap3A_277 = tpu.vector_load %arg10[%swap3A] {strides = array<i32>} : memref<128xi32, #tpu.memory_space<vmem>>, vector<16xi32>,
      tpu.vector_store %arg10[%swap3A], %select_n3A_276 {strides = array<i32>} : memref<128xi32, #tpu.memory_space<vmem>>, vector<16xi32>,
      %add3A_278 = arith.constant 16 : i32
      %add3A_279 = arith.addi %multiple_of3A_264, %add3A_278 : i32
      %add3A_280 = vector.broadcast %add3A_279 : i32 to vector<16xi32>
      %add3A_281 = arith.addi %add3A_280, %iota3A : vector<16xi32>
      %ge3A_282 = vector.broadcast %reduce_max3A_84 : i32 to vector<16xi32>
      %ge3A_283 = arith.cmpi sge, %add3A_281, %ge3A_282 : vector<16xi32>
      %lt3A_284 = vector.broadcast %reduce_max3A_92 : i32 to vector<16xi32>
      %lt3A_285 = arith.cmpi slt, %add3A_281, %lt3A_284 : vector<16xi32>
      %and3A_286 = arith.andi %ge3A_283, %lt3A_285 : vector<16xi1>
      %jit3A_287 = arith.constant 100000 : i32
      %broadcast_in_dim3A_288 = vector.broadcast %jit3A_287 : i32 to vector<16xi32>
      %select_n3A_289 = arith.select %and3A_286, %add3A_281, %broadcast_in_dim3A_288 : vector<16xi1>, vector<16xi32>
      %swap3A_290 = arith.constant 16 : index
      %swap3A_291 = tpu.vector_load %arg10[%swap3A_290] {strides = array<i32>} : memref<128xi32, #tpu.memory_space<vmem>>, vector<16xi32>,
      tpu.vector_store %arg10[%swap3A_290], %select_n3A_289 {strides = array<i32>} : memref<128xi32, #tpu.memory_space<vmem>>, vector<16xi32>,
      %add3A_292 = arith.constant 32 : i32
      %add3A_293 = arith.addi %multiple_of3A_264, %add3A_292 : i32
      %add3A_294 = vector.broadcast %add3A_293 : i32 to vector<16xi32>
      %add3A_295 = arith.addi %add3A_294, %iota3A : vector<16xi32>
      %ge3A_296 = vector.broadcast %reduce_max3A_84 : i32 to vector<16xi32>
      %ge3A_297 = arith.cmpi sge, %add3A_295, %ge3A_296 : vector<16xi32>
      %lt3A_298 = vector.broadcast %reduce_max3A_92 : i32 to vector<16xi32>
      %lt3A_299 = arith.cmpi slt, %add3A_295, %lt3A_298 : vector<16xi32>
      %and3A_300 = arith.andi %ge3A_297, %lt3A_299 : vector<16xi1>
      %jit3A_301 = arith.constant 100000 : i32
      %broadcast_in_dim3A_302 = vector.broadcast %jit3A_301 : i32 to vector<16xi32>
      %select_n3A_303 = arith.select %and3A_300, %add3A_295, %broadcast_in_dim3A_302 : vector<16xi1>, vector<16xi32>
      %swap3A_304 = arith.constant 32 : index
      %swap3A_305 = tpu.vector_load %arg10[%swap3A_304] {strides = array<i32>} : memref<128xi32, #tpu.memory_space<vmem>>, vector<16xi32>,
      tpu.vector_store %arg10[%swap3A_304], %select_n3A_303 {strides = array<i32>} : memref<128xi32, #tpu.memory_space<vmem>>, vector<16xi32>,
      %add3A_306 = arith.constant 48 : i32
      %add3A_307 = arith.addi %multiple_of3A_264, %add3A_306 : i32
      %add3A_308 = vector.broadcast %add3A_307 : i32 to vector<16xi32>
      %add3A_309 = arith.addi %add3A_308, %iota3A : vector<16xi32>
      %ge3A_310 = vector.broadcast %reduce_max3A_84 : i32 to vector<16xi32>
      %ge3A_311 = arith.cmpi sge, %add3A_309, %ge3A_310 : vector<16xi32>
      %lt3A_312 = vector.broadcast %reduce_max3A_92 : i32 to vector<16xi32>
      %lt3A_313 = arith.cmpi slt, %add3A_309, %lt3A_312 : vector<16xi32>
      %and3A_314 = arith.andi %ge3A_311, %lt3A_313 : vector<16xi1>
      %jit3A_315 = arith.constant 100000 : i32
      %broadcast_in_dim3A_316 = vector.broadcast %jit3A_315 : i32 to vector<16xi32>
      %select_n3A_317 = arith.select %and3A_314, %add3A_309, %broadcast_in_dim3A_316 : vector<16xi1>, vector<16xi32>
      %swap3A_318 = arith.constant 48 : index
      %swap3A_319 = tpu.vector_load %arg10[%swap3A_318] {strides = array<i32>} : memref<128xi32, #tpu.memory_space<vmem>>, vector<16xi32>,
      tpu.vector_store %arg10[%swap3A_318], %select_n3A_317 {strides = array<i32>} : memref<128xi32, #tpu.memory_space<vmem>>, vector<16xi32>,
      %add3A_320 = arith.constant 64 : i32
      %add3A_321 = arith.addi %multiple_of3A_264, %add3A_320 : i32
      %add3A_322 = vector.broadcast %add3A_321 : i32 to vector<16xi32>
      %add3A_323 = arith.addi %add3A_322, %iota3A : vector<16xi32>
      %ge3A_324 = vector.broadcast %reduce_max3A_84 : i32 to vector<16xi32>
      %ge3A_325 = arith.cmpi sge, %add3A_323, %ge3A_324 : vector<16xi32>
      %lt3A_326 = vector.broadcast %reduce_max3A_92 : i32 to vector<16xi32>
      %lt3A_327 = arith.cmpi slt, %add3A_323, %lt3A_326 : vector<16xi32>
      %and3A_328 = arith.andi %ge3A_325, %lt3A_327 : vector<16xi1>
      %jit3A_329 = arith.constant 100000 : i32
      %broadcast_in_dim3A_330 = vector.broadcast %jit3A_329 : i32 to vector<16xi32>
      %select_n3A_331 = arith.select %and3A_328, %add3A_323, %broadcast_in_dim3A_330 : vector<16xi1>, vector<16xi32>
      %swap3A_332 = arith.constant 64 : index
      %swap3A_333 = tpu.vector_load %arg10[%swap3A_332] {strides = array<i32>} : memref<128xi32, #tpu.memory_space<vmem>>, vector<16xi32>,
      tpu.vector_store %arg10[%swap3A_332], %select_n3A_331 {strides = array<i32>} : memref<128xi32, #tpu.memory_space<vmem>>, vector<16xi32>,
      %add3A_334 = arith.constant 80 : i32
      %add3A_335 = arith.addi %multiple_of3A_264, %add3A_334 : i32
      %add3A_336 = vector.broadcast %add3A_335 : i32 to vector<16xi32>
      %add3A_337 = arith.addi %add3A_336, %iota3A : vector<16xi32>
      %ge3A_338 = vector.broadcast %reduce_max3A_84 : i32 to vector<16xi32>
      %ge3A_339 = arith.cmpi sge, %add3A_337, %ge3A_338 : vector<16xi32>
      %lt3A_340 = vector.broadcast %reduce_max3A_92 : i32 to vector<16xi32>
      %lt3A_341 = arith.cmpi slt, %add3A_337, %lt3A_340 : vector<16xi32>
      %and3A_342 = arith.andi %ge3A_339, %lt3A_341 : vector<16xi1>
      %jit3A_343 = arith.constant 100000 : i32
      %broadcast_in_dim3A_344 = vector.broadcast %jit3A_343 : i32 to vector<16xi32>
      %select_n3A_345 = arith.select %and3A_342, %add3A_337, %broadcast_in_dim3A_344 : vector<16xi1>, vector<16xi32>
      %swap3A_346 = arith.constant 80 : index
      %swap3A_347 = tpu.vector_load %arg10[%swap3A_346] {strides = array<i32>} : memref<128xi32, #tpu.memory_space<vmem>>, vector<16xi32>,
      tpu.vector_store %arg10[%swap3A_346], %select_n3A_345 {strides = array<i32>} : memref<128xi32, #tpu.memory_space<vmem>>, vector<16xi32>,
      %add3A_348 = arith.constant 96 : i32
      %add3A_349 = arith.addi %multiple_of3A_264, %add3A_348 : i32
      %add3A_350 = vector.broadcast %add3A_349 : i32 to vector<16xi32>
      %add3A_351 = arith.addi %add3A_350, %iota3A : vector<16xi32>
      %ge3A_352 = vector.broadcast %reduce_max3A_84 : i32 to vector<16xi32>
      %ge3A_353 = arith.cmpi sge, %add3A_351, %ge3A_352 : vector<16xi32>
      %lt3A_354 = vector.broadcast %reduce_max3A_92 : i32 to vector<16xi32>
      %lt3A_355 = arith.cmpi slt, %add3A_351, %lt3A_354 : vector<16xi32>
      %and3A_356 = arith.andi %ge3A_353, %lt3A_355 : vector<16xi1>
      %jit3A_357 = arith.constant 100000 : i32
      %broadcast_in_dim3A_358 = vector.broadcast %jit3A_357 : i32 to vector<16xi32>
      %select_n3A_359 = arith.select %and3A_356, %add3A_351, %broadcast_in_dim3A_358 : vector<16xi1>, vector<16xi32>
      %swap3A_360 = arith.constant 96 : index
      %swap3A_361 = tpu.vector_load %arg10[%swap3A_360] {strides = array<i32>} : memref<128xi32, #tpu.memory_space<vmem>>, vector<16xi32>,
      tpu.vector_store %arg10[%swap3A_360], %select_n3A_359 {strides = array<i32>} : memref<128xi32, #tpu.memory_space<vmem>>, vector<16xi32>,
      %add3A_362 = arith.constant 112 : i32
      %add3A_363 = arith.addi %multiple_of3A_264, %add3A_362 : i32
      %add3A_364 = vector.broadcast %add3A_363 : i32 to vector<16xi32>
      %add3A_365 = arith.addi %add3A_364, %iota3A : vector<16xi32>
      %ge3A_366 = vector.broadcast %reduce_max3A_84 : i32 to vector<16xi32>
      %ge3A_367 = arith.cmpi sge, %add3A_365, %ge3A_366 : vector<16xi32>
      %lt3A_368 = vector.broadcast %reduce_max3A_92 : i32 to vector<16xi32>
      %lt3A_369 = arith.cmpi slt, %add3A_365, %lt3A_368 : vector<16xi32>
      %and3A_370 = arith.andi %ge3A_367, %lt3A_369 : vector<16xi1>
      %jit3A_371 = arith.constant 100000 : i32
      %broadcast_in_dim3A_372 = vector.broadcast %jit3A_371 : i32 to vector<16xi32>
      %select_n3A_373 = arith.select %and3A_370, %add3A_365, %broadcast_in_dim3A_372 : vector<16xi1>, vector<16xi32>
      %swap3A_374 = arith.constant 112 : index
      %swap3A_375 = tpu.vector_load %arg10[%swap3A_374] {strides = array<i32>} : memref<128xi32, #tpu.memory_space<vmem>>, vector<16xi32>,
      tpu.vector_store %arg10[%swap3A_374], %select_n3A_373 {strides = array<i32>} : memref<128xi32, #tpu.memory_space<vmem>>, vector<16xi32>,
      "tpu.region"() ({
        %run_scoped3A = tpu.sem_alloc : memref<!tpu.dma_semaphore, #tpu.memory_space<semaphore_mem>>
        %dma_start3A = tpu.memref_slice %arg9[%multiple_of3A_264] : memref<100128xi32, #tpu.memory_space<vmem>> -> memref<128xi32, #tpu.memory_space<vmem>>
        %dma_start3A_377 = arith.constant 0 : i32
        %dma_start3A_378 = tpu.memref_slice %arg4[%dma_start3A_377] : memref<100128xi32, #tpu.memory_space<hbm>> -> memref<100128xi32, #tpu.memory_space<hbm>>
        tpu.enqueue_indirect_dma source(%dma_start3A : memref<128xi32, #tpu.memory_space<vmem>>) target(%dma_start3A_378 : memref<100128xi32, #tpu.memory_space<hbm>>) offsets(%arg10 : memref<128xi32, #tpu.memory_space<vmem>>) semaphore(%run_scoped3A : memref<!tpu.dma_semaphore, #tpu.memory_space<semaphore_mem>>)
        %dma_wait3A = tpu.memref_slice %arg9[%multiple_of3A_264] : memref<100128xi32, #tpu.memory_space<vmem>> -> memref<128xi32, #tpu.memory_space<vmem>>
        %dma_wait3A_379 = arith.constant 0 : i32
        %dma_wait3A_380 = tpu.memref_slice %arg4[%dma_wait3A_379] : memref<100128xi32, #tpu.memory_space<hbm>> -> memref<100128xi32, #tpu.memory_space<hbm>>
        tpu.wait_indirect_dma semaphore(%run_scoped3A : memref<!tpu.dma_semaphore, #tpu.memory_space<semaphore_mem>>) src(%dma_wait3A : memref<128xi32, #tpu.memory_space<vmem>>) dst(%dma_wait3A_380 : memref<100128xi32, #tpu.memory_space<hbm>>)
        tpu.yield
      }) : () -> ()
      %while3A_376 = arith.constant 0 : i32
      scf.yield %while3A_376 : i32
    }
    %while3A_257 = arith.constant 1 : i32
    %while3A_258 = scf.for %while3A_259 = %while3A_254 to %while3A_250 step %while3A_257 iter_args(%while3A_260 = %while3A_256) -> (i32)  : i32 {
      %mul3A_261 = arith.constant 128 : i32
      %mul3A_262 = arith.muli %while3A_259, %mul3A_261 : i32
      %add3A_263 = arith.addi %mul3A_113, %mul3A_262 : i32
      %multiple_of3A_264 = tpu.assume_multiple %add3A_263, 8 : i32
      %add3A_265 = arith.constant 0 : i32
      %add3A_266 = arith.addi %multiple_of3A_264, %add3A_265 : i32
      %add3A_267 = vector.broadcast %add3A_266 : i32 to vector<16xi32>
      %add3A_268 = arith.addi %add3A_267, %iota3A : vector<16xi32>
      %ge3A_269 = vector.broadcast %reduce_max3A_84 : i32 to vector<16xi32>
      %ge3A_270 = arith.cmpi sge, %add3A_268, %ge3A_269 : vector<16xi32>
      %lt3A_271 = vector.broadcast %reduce_max3A_92 : i32 to vector<16xi32>
      %lt3A_272 = arith.cmpi slt, %add3A_268, %lt3A_271 : vector<16xi32>
      %and3A_273 = arith.andi %ge3A_270, %lt3A_272 : vector<16xi1>
      %jit3A_274 = arith.constant 100000 : i32
      %broadcast_in_dim3A_275 = vector.broadcast %jit3A_274 : i32 to vector<16xi32>
      %select_n3A_276 = arith.select %and3A_273, %add3A_268, %broadcast_in_dim3A_275 : vector<16xi1>, vector<16xi32>
      %swap3A = arith.constant 0 : index
      %swap3A_277 = tpu.vector_load %arg10[%swap3A] {strides = array<i32>} : memref<128xi32, #tpu.memory_space<vmem>>, vector<16xi32>,
      tpu.vector_store %arg10[%swap3A], %select_n3A_276 {strides = array<i32>} : memref<128xi32, #tpu.memory_space<vmem>>, vector<16xi32>,
      %add3A_278 = arith.constant 16 : i32
      %add3A_279 = arith.addi %multiple_of3A_264, %add3A_278 : i32
      %add3A_280 = vector.broadcast %add3A_279 : i32 to vector<16xi32>
      %add3A_281 = arith.addi %add3A_280, %iota3A : vector<16xi32>
      %ge3A_282 = vector.broadcast %reduce_max3A_84 : i32 to vector<16xi32>
      %ge3A_283 = arith.cmpi sge, %add3A_281, %ge3A_282 : vector<16xi32>
      %lt3A_284 = vector.broadcast %reduce_max3A_92 : i32 to vector<16xi32>
      %lt3A_285 = arith.cmpi slt, %add3A_281, %lt3A_284 : vector<16xi32>
      %and3A_286 = arith.andi %ge3A_283, %lt3A_285 : vector<16xi1>
      %jit3A_287 = arith.constant 100000 : i32
      %broadcast_in_dim3A_288 = vector.broadcast %jit3A_287 : i32 to vector<16xi32>
      %select_n3A_289 = arith.select %and3A_286, %add3A_281, %broadcast_in_dim3A_288 : vector<16xi1>, vector<16xi32>
      %swap3A_290 = arith.constant 16 : index
      %swap3A_291 = tpu.vector_load %arg10[%swap3A_290] {strides = array<i32>} : memref<128xi32, #tpu.memory_space<vmem>>, vector<16xi32>,
      tpu.vector_store %arg10[%swap3A_290], %select_n3A_289 {strides = array<i32>} : memref<128xi32, #tpu.memory_space<vmem>>, vector<16xi32>,
      %add3A_292 = arith.constant 32 : i32
      %add3A_293 = arith.addi %multiple_of3A_264, %add3A_292 : i32
      %add3A_294 = vector.broadcast %add3A_293 : i32 to vector<16xi32>
      %add3A_295 = arith.addi %add3A_294, %iota3A : vector<16xi32>
      %ge3A_296 = vector.broadcast %reduce_max3A_84 : i32 to vector<16xi32>
      %ge3A_297 = arith.cmpi sge, %add3A_295, %ge3A_296 : vector<16xi32>
      %lt3A_298 = vector.broadcast %reduce_max3A_92 : i32 to vector<16xi32>
      %lt3A_299 = arith.cmpi slt, %add3A_295, %lt3A_298 : vector<16xi32>
      %and3A_300 = arith.andi %ge3A_297, %lt3A_299 : vector<16xi1>
      %jit3A_301 = arith.constant 100000 : i32
      %broadcast_in_dim3A_302 = vector.broadcast %jit3A_301 : i32 to vector<16xi32>
      %select_n3A_303 = arith.select %and3A_300, %add3A_295, %broadcast_in_dim3A_302 : vector<16xi1>, vector<16xi32>
      %swap3A_304 = arith.constant 32 : index
      %swap3A_305 = tpu.vector_load %arg10[%swap3A_304] {strides = array<i32>} : memref<128xi32, #tpu.memory_space<vmem>>, vector<16xi32>,
      tpu.vector_store %arg10[%swap3A_304], %select_n3A_303 {strides = array<i32>} : memref<128xi32, #tpu.memory_space<vmem>>, vector<16xi32>,
      %add3A_306 = arith.constant 48 : i32
      %add3A_307 = arith.addi %multiple_of3A_264, %add3A_306 : i32
      %add3A_308 = vector.broadcast %add3A_307 : i32 to vector<16xi32>
      %add3A_309 = arith.addi %add3A_308, %iota3A : vector<16xi32>
      %ge3A_310 = vector.broadcast %reduce_max3A_84 : i32 to vector<16xi32>
      %ge3A_311 = arith.cmpi sge, %add3A_309, %ge3A_310 : vector<16xi32>
      %lt3A_312 = vector.broadcast %reduce_max3A_92 : i32 to vector<16xi32>
      %lt3A_313 = arith.cmpi slt, %add3A_309, %lt3A_312 : vector<16xi32>
      %and3A_314 = arith.andi %ge3A_311, %lt3A_313 : vector<16xi1>
      %jit3A_315 = arith.constant 100000 : i32
      %broadcast_in_dim3A_316 = vector.broadcast %jit3A_315 : i32 to vector<16xi32>
      %select_n3A_317 = arith.select %and3A_314, %add3A_309, %broadcast_in_dim3A_316 : vector<16xi1>, vector<16xi32>
      %swap3A_318 = arith.constant 48 : index
      %swap3A_319 = tpu.vector_load %arg10[%swap3A_318] {strides = array<i32>} : memref<128xi32, #tpu.memory_space<vmem>>, vector<16xi32>,
      tpu.vector_store %arg10[%swap3A_318], %select_n3A_317 {strides = array<i32>} : memref<128xi32, #tpu.memory_space<vmem>>, vector<16xi32>,
      %add3A_320 = arith.constant 64 : i32
      %add3A_321 = arith.addi %multiple_of3A_264, %add3A_320 : i32
      %add3A_322 = vector.broadcast %add3A_321 : i32 to vector<16xi32>
      %add3A_323 = arith.addi %add3A_322, %iota3A : vector<16xi32>
      %ge3A_324 = vector.broadcast %reduce_max3A_84 : i32 to vector<16xi32>
      %ge3A_325 = arith.cmpi sge, %add3A_323, %ge3A_324 : vector<16xi32>
      %lt3A_326 = vector.broadcast %reduce_max3A_92 : i32 to vector<16xi32>
      %lt3A_327 = arith.cmpi slt, %add3A_323, %lt3A_326 : vector<16xi32>
      %and3A_328 = arith.andi %ge3A_325, %lt3A_327 : vector<16xi1>
      %jit3A_329 = arith.constant 100000 : i32
      %broadcast_in_dim3A_330 = vector.broadcast %jit3A_329 : i32 to vector<16xi32>
      %select_n3A_331 = arith.select %and3A_328, %add3A_323, %broadcast_in_dim3A_330 : vector<16xi1>, vector<16xi32>
      %swap3A_332 = arith.constant 64 : index
      %swap3A_333 = tpu.vector_load %arg10[%swap3A_332] {strides = array<i32>} : memref<128xi32, #tpu.memory_space<vmem>>, vector<16xi32>,
      tpu.vector_store %arg10[%swap3A_332], %select_n3A_331 {strides = array<i32>} : memref<128xi32, #tpu.memory_space<vmem>>, vector<16xi32>,
      %add3A_334 = arith.constant 80 : i32
      %add3A_335 = arith.addi %multiple_of3A_264, %add3A_334 : i32
      %add3A_336 = vector.broadcast %add3A_335 : i32 to vector<16xi32>
      %add3A_337 = arith.addi %add3A_336, %iota3A : vector<16xi32>
      %ge3A_338 = vector.broadcast %reduce_max3A_84 : i32 to vector<16xi32>
      %ge3A_339 = arith.cmpi sge, %add3A_337, %ge3A_338 : vector<16xi32>
      %lt3A_340 = vector.broadcast %reduce_max3A_92 : i32 to vector<16xi32>
      %lt3A_341 = arith.cmpi slt, %add3A_337, %lt3A_340 : vector<16xi32>
      %and3A_342 = arith.andi %ge3A_339, %lt3A_341 : vector<16xi1>
      %jit3A_343 = arith.constant 100000 : i32
      %broadcast_in_dim3A_344 = vector.broadcast %jit3A_343 : i32 to vector<16xi32>
      %select_n3A_345 = arith.select %and3A_342, %add3A_337, %broadcast_in_dim3A_344 : vector<16xi1>, vector<16xi32>
      %swap3A_346 = arith.constant 80 : index
      %swap3A_347 = tpu.vector_load %arg10[%swap3A_346] {strides = array<i32>} : memref<128xi32, #tpu.memory_space<vmem>>, vector<16xi32>,
      tpu.vector_store %arg10[%swap3A_346], %select_n3A_345 {strides = array<i32>} : memref<128xi32, #tpu.memory_space<vmem>>, vector<16xi32>,
      %add3A_348 = arith.constant 96 : i32
      %add3A_349 = arith.addi %multiple_of3A_264, %add3A_348 : i32
      %add3A_350 = vector.broadcast %add3A_349 : i32 to vector<16xi32>
      %add3A_351 = arith.addi %add3A_350, %iota3A : vector<16xi32>
      %ge3A_352 = vector.broadcast %reduce_max3A_84 : i32 to vector<16xi32>
      %ge3A_353 = arith.cmpi sge, %add3A_351, %ge3A_352 : vector<16xi32>
      %lt3A_354 = vector.broadcast %reduce_max3A_92 : i32 to vector<16xi32>
      %lt3A_355 = arith.cmpi slt, %add3A_351, %lt3A_354 : vector<16xi32>
      %and3A_356 = arith.andi %ge3A_353, %lt3A_355 : vector<16xi1>
      %jit3A_357 = arith.constant 100000 : i32
      %broadcast_in_dim3A_358 = vector.broadcast %jit3A_357 : i32 to vector<16xi32>
      %select_n3A_359 = arith.select %and3A_356, %add3A_351, %broadcast_in_dim3A_358 : vector<16xi1>, vector<16xi32>
      %swap3A_360 = arith.constant 96 : index
      %swap3A_361 = tpu.vector_load %arg10[%swap3A_360] {strides = array<i32>} : memref<128xi32, #tpu.memory_space<vmem>>, vector<16xi32>,
      tpu.vector_store %arg10[%swap3A_360], %select_n3A_359 {strides = array<i32>} : memref<128xi32, #tpu.memory_space<vmem>>, vector<16xi32>,
      %add3A_362 = arith.constant 112 : i32
      %add3A_363 = arith.addi %multiple_of3A_264, %add3A_362 : i32
      %add3A_364 = vector.broadcast %add3A_363 : i32 to vector<16xi32>
      %add3A_365 = arith.addi %add3A_364, %iota3A : vector<16xi32>
      %ge3A_366 = vector.broadcast %reduce_max3A_84 : i32 to vector<16xi32>
      %ge3A_367 = arith.cmpi sge, %add3A_365, %ge3A_366 : vector<16xi32>
      %lt3A_368 = vector.broadcast %reduce_max3A_92 : i32 to vector<16xi32>
      %lt3A_369 = arith.cmpi slt, %add3A_365, %lt3A_368 : vector<16xi32>
      %and3A_370 = arith.andi %ge3A_367, %lt3A_369 : vector<16xi1>
      %jit3A_371 = arith.constant 100000 : i32
      %broadcast_in_dim3A_372 = vector.broadcast %jit3A_371 : i32 to vector<16xi32>
      %select_n3A_373 = arith.select %and3A_370, %add3A_365, %broadcast_in_dim3A_372 : vector<16xi1>, vector<16xi32>
      %swap3A_374 = arith.constant 112 : index
      %swap3A_375 = tpu.vector_load %arg10[%swap3A_374] {strides = array<i32>} : memref<128xi32, #tpu.memory_space<vmem>>, vector<16xi32>,
      tpu.vector_store %arg10[%swap3A_374], %select_n3A_373 {strides = array<i32>} : memref<128xi32, #tpu.memory_space<vmem>>, vector<16xi32>,
      "tpu.region"() ({
        %run_scoped3A = tpu.sem_alloc : memref<!tpu.dma_semaphore, #tpu.memory_space<semaphore_mem>>
        %dma_start3A = tpu.memref_slice %arg9[%multiple_of3A_264] : memref<100128xi32, #tpu.memory_space<vmem>> -> memref<128xi32, #tpu.memory_space<vmem>>
        %dma_start3A_377 = arith.constant 0 : i32
        %dma_start3A_378 = tpu.memref_slice %arg4[%dma_start3A_377] : memref<100128xi32, #tpu.memory_space<hbm>> -> memref<100128xi32, #tpu.memory_space<hbm>>
        tpu.enqueue_indirect_dma source(%dma_start3A : memref<128xi32, #tpu.memory_space<vmem>>) target(%dma_start3A_378 : memref<100128xi32, #tpu.memory_space<hbm>>) offsets(%arg10 : memref<128xi32, #tpu.memory_space<vmem>>) semaphore(%run_scoped3A : memref<!tpu.dma_semaphore, #tpu.memory_space<semaphore_mem>>)
        %dma_wait3A = tpu.memref_slice %arg9[%multiple_of3A_264] : memref<100128xi32, #tpu.memory_space<vmem>> -> memref<128xi32, #tpu.memory_space<vmem>>
        %dma_wait3A_379 = arith.constant 0 : i32
        %dma_wait3A_380 = tpu.memref_slice %arg4[%dma_wait3A_379] : memref<100128xi32, #tpu.memory_space<hbm>> -> memref<100128xi32, #tpu.memory_space<hbm>>
        tpu.wait_indirect_dma semaphore(%run_scoped3A : memref<!tpu.dma_semaphore, #tpu.memory_space<semaphore_mem>>) src(%dma_wait3A : memref<128xi32, #tpu.memory_space<vmem>>) dst(%dma_wait3A_380 : memref<100128xi32, #tpu.memory_space<hbm>>)
        tpu.yield
      }) : () -> ()
      %while3A_376 = arith.constant 0 : i32
      scf.yield %while3A_376 : i32
    }
    return
  }
}

</mosaic_0001>

<sc_bundles>
// kernel: kernel.3.cloned.1.call-start
scs
__scs_entry_jumppad:
0x0: {  	(pc) =	sbr.rel $0x88, $3  }
0x1: {  	(tag) =	ssettag $0x0;
	lr =	simm.s32 $0x1  }
0x2: {  	[smem:$0x3F9F] =	sst lr;
	_ =	strace $0xD0000000  }
0x3: {  	_ = 	snop  }
0x4: {  	_ = 	snop  }
0x5: {  	_ = 	snop  }
0x6: {  	_ = 	snop  }
0x7: {  	_ = 	snop  }
__scs_overlays_trampoline_lowered:
0x8: {  	[smem:$0x3FAE] =	sst s0  }
0x9: {  	[smem:$0x3FAF] =	sst s1  }
0xa: {  	[smem:$0x3FB0] =	sst s2  }
0xb: {  	[smem:$0x3FB1] =	sst s3  }
0xc: {  	[smem:$0x3FB2] =	sst s4  }
0xd: {  	[smem:$0x3FB3] =	sst s5  }
0xe: {  	[smem:$0x3FB4] =	sst s6  }
0xf: {  	[smem:$0x3FB5] =	sst s7  }
0x10: {  	[smem:$0x3FB6] =	sst s8  }
0x11: {  	[smem:$0x3FB7] =	sst s9;
	s0 =	simm.s32 @!p0 $0x0  }
0x12: {  	s1 =	sld [smem:$0x3F9D];
	s0 =	simm.s32 @p0 $0x1  }
0x13: {  	[smem:$0x3FB8] =	sst s0;
	s0 =	simm.s32 @!p1 $0x0  }
0x14: {  	s2 =	sld [smem:$0x3F9C];
	s0 =	simm.s32 @p1 $0x1  }
0x15: {  	[smem:$0x3FB9] =	sst s0;
	s0 =	simm.s32 @!p2 $0x0  }
0x16: {  	s3 =	sld [smem:$0x3FDB];
	s0 =	simm.s32 @p2 $0x1  }
0x17: {  	s4 =	simm.s32 $0x1BF5;
	[smem:$0x3FBB] =	sst s0  }
0x18: {  	s0 =	sld [smem:$0x3F9E];
	_ =	swait.ge [sflag:s4], $0x0  }
0x19: {  	s7 =	sld [smem:$0x3F9F]  }
0x1a: {  	s8 =	sadd.s32 $0xFFFFE003, lr  }
0x1b: {  	s9 =	sadd.s32 $0xFFFFFEF7, lr;
	s5 =	simm.s32 $0xFFFFFFFF;
	p2 =	slt.u32 s8, $0xFFFFF086  }
0x1c: {  	p1 =	slt.u32 s9, $0xF7A;
	s5 =	simm.s32 @!p2 $0x0  }
0x1d: {  	s5 =	simm.s32 @p1 $0x1;
	p0 =	seq.s32 s7, s2  }
0x1e: {  	s7 =	smul.u32 @!p0 $0xF7A, s2;
	p2 =	seq.s32 @!p0 s5, $0x0  }
0x1f: {  	s9 =	smul.u32 $0xF7A, s1;
	s8 =	simm.s32 @!p0 $0x1BF5;
	p2 =	por !p2, p0  }
0x20: {  	[sflag:s8] =	ssyncset.s32 @!p0 $0xFFFFF086;
	s6 =	sadd.s32 @!p0 s3, s7;
	s7 =	simm.s32 @!p0 $0x108  }
0x21: {  	s3 =	sadd.s32 s3, s9;
	s6 =	sadd.s32 @!p0 $0x88, s6;
	s7 =	simm.s32 @p2 $0x1082  }
0x22: {  	[simem:s7], [sflag:s8] =	dma.local @!p0 [hbm:s6], $0xF7A  }
0x23: {  	s9 =	sor.u32 $0xD0000000, s2;
	s6 =	simm.s32 $0x108;
	_ =	swait.ge @!p0 [sflag:s8], $0x0  }
0x24: {  	s3 =	sadd.s32 $0x88, s3;
	s6 =	simm.s32 @!p1 $0x1082;
	[sflag:s4] =	ssyncset.s32 $0xFFFFF086  }
0x25: {  	[simem:s6], [sflag:s4] =	dma.local [hbm:s3], $0xF7A  }
0x26: {  	[smem:$0x3F9F] =	sst s1;
	(tag) =	ssettag s2;
	_ =	strace s9  }
0x27: {  	s1 =	sld [smem:$0x3FAF]  }
0x28: {  	s2 =	sld [smem:$0x3FB0]  }
0x29: {  	s4 =	sld [smem:$0x3FB2]  }
0x2a: {  	p0 =	seq.s32 s5, $0x0;
	s5 =	sld [smem:$0x3FB3]  }
0x2b: {  	s6 =	sld [smem:$0x3FB4]  }
0x2c: {  	s7 =	sld [smem:$0x3FB5]  }
0x2d: {  	s3 =	simm.s32 $0x108;
	s8 =	sld [smem:$0x3FB6]  }
0x2e: {  	s3 =	simm.s32 @!p0 $0x1082;
	s9 =	sld [smem:$0x3FB7]  }
0x2f: {  	lr =	sadd.s32 s0, s3;
	s0 =	sld [smem:$0x3FAE]  }
0x30: {  	s3 =	sld [smem:$0x3FB1]  }
0x31: {  	[smem:$0x3FBA] =	sst s10  }
0x32: {  	s10 =	sld [smem:$0x3FB8];
	_ =	sdelay $0x3  }
0x33: {  	p0 =	seq.s32 s10, $0x1;
	s10 =	sld [smem:$0x3FBA];
	_ =	sdelay $0x3  }
0x34: {  	[smem:$0x3FBA] =	sst s10  }
0x35: {  	s10 =	sld [smem:$0x3FB9];
	_ =	sdelay $0x3  }
0x36: {  	p1 =	seq.s32 s10, $0x1;
	s10 =	sld [smem:$0x3FBA];
	_ =	sdelay $0x3  }
0x37: {  	[smem:$0x3FBA] =	sst s10  }
0x38: {  	s10 =	sld [smem:$0x3FBB]  }
0x39: {  	_ = 	snop;
	(pc) =	sbr.ind lr, $3  }
0x3a: {  	_ = 	snop  }
0x3b: {  	_ = 	snop  }
0x3c: {  	p2 =	seq.s32 s10, $0x1;
	s10 =	sld [smem:$0x3FBA]  }
0x3d: {  	_ =	shalt  }
0x3e: {  	_ =	shalt  }
0x3f: {  	_ =	shalt  }
0x40: {  	_ =	shalt  }
0x41: {  	_ =	shalt  }
0x42: {  	_ =	shalt  }
0x43: {  	_ =	shalt  }
0x44: {  	_ =	shalt  }
0x45: {  	_ =	shalt  }
0x46: {  	_ =	shalt  }
0x47: {  	_ =	shalt  }
0x48: {  	_ =	shalt  }
0x49: {  	_ =	shalt  }
0x4a: {  	_ =	shalt  }
0x4b: {  	_ =	shalt  }
0x4c: {  	_ =	shalt  }
0x4d: {  	_ =	shalt  }
0x4e: {  	_ =	shalt  }
0x4f: {  	_ =	shalt  }
0x50: {  	_ =	shalt  }
0x51: {  	_ =	shalt  }
0x52: {  	_ =	shalt  }
0x53: {  	_ =	shalt  }
0x54: {  	_ =	shalt  }
0x55: {  	_ =	shalt  }
0x56: {  	_ =	shalt  }
0x57: {  	_ =	shalt  }
0x58: {  	_ =	shalt  }
0x59: {  	_ =	shalt  }
0x5a: {  	_ =	shalt  }
0x5b: {  	_ =	shalt  }
0x5c: {  	_ =	shalt  }
0x5d: {  	_ =	shalt  }
0x5e: {  	_ =	shalt  }
0x5f: {  	_ =	shalt  }
0x60: {  	_ =	shalt  }
0x61: {  	_ =	shalt  }
0x62: {  	_ =	shalt  }
0x63: {  	_ =	shalt  }
0x64: {  	_ =	shalt  }
0x65: {  	_ =	shalt  }
0x66: {  	_ =	shalt  }
0x67: {  	_ =	shalt  }
0x68: {  	_ =	shalt  }
0x69: {  	_ =	shalt  }
0x6a: {  	_ =	shalt  }
0x6b: {  	_ =	shalt  }
0x6c: {  	_ =	shalt  }
0x6d: {  	_ =	shalt  }
0x6e: {  	_ =	shalt  }
0x6f: {  	_ =	shalt  }
0x70: {  	_ =	shalt  }
0x71: {  	_ =	shalt  }
0x72: {  	_ =	shalt  }
0x73: {  	_ =	shalt  }
0x74: {  	_ =	shalt  }
0x75: {  	_ =	shalt  }
0x76: {  	_ =	shalt  }
0x77: {  	_ =	shalt  }
0x78: {  	_ =	shalt  }
0x79: {  	_ =	shalt  }
0x7a: {  	_ =	shalt  }
0x7b: {  	_ =	shalt  }
0x7c: {  	_ =	shalt  }
0x7d: {  	_ =	shalt  }
0x7e: {  	_ =	shalt  }
0x7f: {  	_ =	shalt  }
0x80: {  	_ =	shalt  }
0x81: {  	_ =	shalt  }
0x82: {  	_ =	shalt  }
0x83: {  	_ =	shalt  }
0x84: {  	_ =	shalt  }
0x85: {  	_ =	shalt  }
0x86: {  	_ =	shalt  }
0x87: {  	_ =	shalt  }
.Lfunc_end0:
.L_simem_size_0:
called_computation_lowered:
.L_overlay_start_0:
0x88: {  	s2 =	sld [smem:$0x3FD9]  }
0x89: {  	s3 =	sld [smem:$0x3FFE];
	_ =	sdelay $0x1  }
0x8a: {  	s1 =	srdreg.scid  }
0x8b: {  	s0 =	sand.u32 $0x1, s1  }
0x8c: {  	s18 =	sshll.u32 s0, $0xA;
	s2 =	sadd.s32 s3, s2  }
0x8d: {  	s2 =	sadd.s32 s2, s18  }
0x8e: {  	[smem:$0x3FC6] =	sst s2  }
0x8f: {  	_ = 	snop  }
0x90: {  	s2 =	sld [smem:$0x3FC9]  }
0x91: {  	s19 =	sld [smem:$0x3FC8]  }
0x92: {  	s4 =	sld [smem:$0x3FD0];
	(tm) =	ssettm $0x1  }
0x93: {  	s5 =	sld [smem:$0x3FFB];
	_ =	sdelay $0x3  }
0x94: {  	_ =	strace s5  }
0x95: {  	s5 =	sld [smem:$0x3FFC];
	_ =	sdelay $0x3  }
0x96: {  	_ =	strace s5  }
0x97: {  	s5 =	sld [smem:$0x3FFD];
	_ =	sdelay $0x3  }
0x98: {  	_ =	strace s5  }
0x99: {  	_ =	strace $0x8FFFFFFF  }
0x9a: {  	s20 =	sld [smem:$0x3FDB];
	_ =	sdelay $0x1  }
0x9b: {  	s6 =	simm.s32 $_scs_section_size  }
0x9c: {  	s7 =	simm.s32 $_size__tile_overlayer_lowered;
	s8 =	simm.s32 $_tile_overlayer_lowered  }
0x9d: {  	s23 =	simm.s32 $0x1BFF;
	s22 =	sshll.u32 s8, $0x1;
	s5 =	sadd.s32 s6, s20  }
0x9e: {  	s9 =	simm.s32 $0x0;
	s21 =	sshll.u32 s7, $0x1;
	s7 =	sadd.s32 s22, s5  }
0x9f: {  	[timem:s9], [sflag:s23] =	dma.local [hbm:s7], s21  }
0xa0: {  	_ =	swait.ge [sflag:s23], s21  }
0xa1: {  	s6 =	ssub.s32 $0x0, s21;
	[sflag:s23] =	ssyncset.done $0x0  }
0xa2: {  	[sflag:s23] =	ssyncadd.s32 s6;
	_ =	sdelay $0x1  }
0xa3: {  	s24 =	simm.s32 $0x1B8B  }
0xa4: {  	_ =	swait.ge [sflag:s24], $0x1  }
0xa5: {  	[sflag:s24] =	ssyncset.done $0x0  }
0xa6: {  	s25 =	simm.s32 $0x1B8E;
	[sflag:s24] =	ssyncadd.s32 $0xFFFFFFFF  }
0xa7: {  	s26 =	simm.s32 $execute0_lowered;
	[smem:$0x3FD2] =	sst s25  }
0xa8: {  	s6 =	sshll.u32 s26, $0x1;
	_ =	strace $0x80000046;
	[dreg:$0x1] =	wrdreg $0xFFFFFFFF  }
0xa9: {  	s28 =	simm.s32 $_size_execute0_lowered;
	s5 =	sadd.s32 s5, s6;
	[dreg:$0x0] =	wrdreg $0x0  }
0xaa: {  	s6 =	sshll.u32 s28, $0x1;
	[dreg:$0x2] =	wrdreg s5  }
0xab: {  	[dreg:$0x3] =	wrdreg s6  }
0xac: {  	[dreg:$0x4] =	wrdreg $0xC0  }
0xad: {  	_ =	task [dreg:s9], $0x5FFFF  }
0xae: {  	[dreg:$0x1] =	wrdreg $0xFFFFFFFF  }
0xaf: {  	[dreg:$0x0] =	wrdreg $0x60  }
0xb0: {  	[dreg:$0x2] =	wrdreg s2  }
0xb1: {  	[dreg:$0x3] =	wrdreg s19  }
0xb2: {  	[dreg:$0x4] =	wrdreg s4  }
0xb3: {  	[dreg:$0x5] =	wrdreg $0x9  }
0xb4: {  	_ =	task.clear_ibuf [dreg:s9], $0x6FFFF;
	_ =	strace $0x90000046  }
0xb5: {  	s29 =	simm.s32 $0x9;
	_ =	strace $0x80000048  }
0xb6: {  	_ =	swait.ge [sflag:s29], $0x1  }
0xb7: {  	[sflag:s29] =	ssyncadd.s32 $0xFFFFFFFF  }
0xb8: {  	_ =	strace $0x90000048  }
0xb9: {  	_ =	sfence  }
0xba: {  	s30 =	sld [smem:$0x0];
	_ =	sdelay $0x2  }
0xbb: {  	s31 =	sshll.u32 s1, $0xD;
	s1 =	sshrl.u32 s1, $0x2  }
0xbc: {  	s3 =	sand.u32 $0x4000, s31;
	s1 =	sadd.s32 s1, s30  }
0xbd: {  	s0 =	sor.u32 s3, s0;
	s1 =	sshll.u32 s1, $0x11  }
0xbe: {  	s0 =	sor.u32 s1, s0  }
0xbf: {  	s0 =	sadd.s32 $0x8F2B, s0  }
0xc0: {  	[sflag:s0] =	ssyncadd.remote.s32 $0x1  }
0xc1: {  	_ =	sfence.sel $0xFFFF  }
0xc2: {  	[dreg:$0x0] =	wrdreg $0xFFFFFFFF;
	(pc) =	sbr.abs _section_cstart, $3  }
0xc3: {  	[dreg:$0x1] =	wrdreg $0xFFFFFFFF  }
0xc4: {  	_ =	task.clear_ibuf [dreg:s9], $0x2FFFF;
	_ =	strace $0x9FFFFFFF  }
0xc5: {  	(tm) =	ssettm $0x7FFFFFFF  }
tec
execute0_lowered:
.L_overlay_start_1:
0x0: {  	(tag) =	ssettag $0x1  }
0x1: {  	s10 =	rddreg [dreg:$0x0]  }
0x2: {  	s0 =	srdreg.scid;
	s6 =	rddreg [dreg:$0x1]  }
0x3: {  	s4 =	stileid.u32;
	s15 =	rddreg [dreg:$0x2]  }
0x4: {  	s20 =	simm.s32 $0x0;
	s16 =	simm.s32 $0x1;
	s22 =	simm.s32 $0x2780  }
0x5: {  	s21 =	simm.s32 $0x5000;
	s23 =	simm.s32 $0x1D780;
	s0 =	sand.u32 $0x1, s0  }
0x6: {  	v0 =	vimm.s32 $0xEDCBA987;
	s1 =	sshll.u32 s4, $0x1;
	[smem:$0x7FF] =	sst s20;
	s4 =	smul.u32 $0x30D40, s4  }
0x7: {  	v3 =	vimm.s32 $0x65432100;
	v5 =	vimm.s32 $0xDCBA9876;
	s5 =	sor.u32 s0, s1;
	s2 =	ssub.s32 $0x2, s0;
	s0 =	smul.u32 $0x186A0, s0  }
0x8: {  	v1 =	vimm.s32 $0x0;
	v6 =	vimm.s32 $0x54321000;
	s28 =	simm.s32 $0x0;
	_ =	strace $0x80000047;
	s13 =	smul.u32 $0x186A0, s5  }
0x9: {  	v7 =	vimm.s32 $0xBA987654;
	v8 =	vimm.s32 $0xE40000;
	v9 =	vimm.s32 $0x32100000;
	s3 =	sshrl.u32 s2, $0x1;
	p0 =	seq.s32 s5, $0x1F;
	[dreg:$0x4] =	wrdreg s5  }
0xa: {  	vm0 =	vmmov $0x1;
	vm1 =	vcmask $0x3F30;
	v2 =	vunpack.c.l.s4.s8 v0;
	p4 =	seq.s32 s5, $0x0;
	s2 =	ssub.s32 s2, s3;
	s0 =	sadd.s32 s0, s4  }
0xb: {  	v0 =	vimm.s32 $0xF;
	v3 =	vunpack.c.l.s4.s8 v3;
	v5 =	vunpack.c.l.s4.s8 v5;
	s24 =	smax.u32 s13, $0x10;
	s25 =	sadd.s32 $0x186A0, s13;
	[dreg:$0xc] =	wrdreg s0  }
0xc: {  	v6 =	vunpack.c.l.s4.s8 v6;
	v7 =	vunpack.c.l.s4.s8 v7;
	v8 =	vunpack.c.l.s2.s4 v8;
	s26 =	sshrl.u32 s13, $0x3;
	s31 =	smax.u32 s2, $0x1;
	[dreg:$0x5] =	wrdreg s13  }
0xd: {  	v9 =	vunpack.c.l.s4.s8 v9;
	v4 =	vunpack.c.0.s8.s32 v2;
	v2 =	vimm.s32 $0x7FFFFFFF;
	s0 =	simm.s32 @!p0 $0x0;
	s1 =	sadd.s32 $0xFFFFFFF0, s24;
	[dreg:$0x7] =	wrdreg s25  }
0xe: {  	v5 =	vunpack.c.0.s8.s32 v5;
	v7 =	vunpack.c.0.s8.s32 v7;
	v8 =	vunpack.c.l.s4.s8 v8;
	s3 =	smin.u32 s25, $0x30D3F0;
	s7 =	sadd.s32 s6, s26;
	[dreg:$0xb] =	wrdreg s31  }
0xf: {  	v3 =	vunpack.c.0.s8.s32 v3;
	v6 =	vunpack.c.0.s8.s32 v6;
	v4 =	vand.u32 $0xF, v4;
	s0 =	simm.s32 @p0 $0x1;
	s1 =	sshrl.u32 s1, $0x3;
	[dreg:$0x8] =	wrdreg s7  }
.Ltmp0:
0x10: {  	v5 =	vand.u32 $0xF, v5;
	v7 =	vand.u32 $0xF, v7;
	v8 =	vunpack.c.0.s8.s32 v8;
	s30 =	sadd.s32 $0x30D2, s7;
	[smem:$0x7FC] =	sst s0;
	(pc) =	sbr.rel .LBB2_1-.Ltmp0, $4  }
0x11: {  	v5 =	vcombine.low v6, v5;
	v6 =	vunpack.c.0.s8.s32 v9;
	v9 =	vimm.s32 $0x7060504;
	s0 =	simm.s32 @!p4 $0x0;
	s1 =	sadd.s32 s6, s1;
	[dreg:$0x9] =	wrdreg s30  }
0x12: {  	v3 =	vcombine.low v3, v4;
	v4 =	vlaneseq.u32;
	s29 =	sshrl.u32 s3, $0x3;
	v9 =	vunpack.c.0.s8.s32 v9;
	s0 =	simm.s32 @p4 $0x1;
	[dreg:$0x6] =	wrdreg s1  }
0x13: {  	s24 =	simm.s32 $0x80;
	v8 =	vand.u32 $0x3, v8;
	v6 =	vcombine.low v6, v7;
	v7 =	vor.u32 $0x80000000, v4;
	s1 =	sadd.s32 s6, s29;
	[smem:$0x7FD] =	sst s0  }
0x14: {  	s25 =	simm.s32 $0x4F00;
	s26 =	simm.s32 $0x4F80;
	v8 =	vsel vm1, v9, v8;
	vm1 =	vmxor vm1, vm1;
	v9 =	vimm.f32 $0.0e+00;
	[dreg:$0xa] =	wrdreg s1  }
.LBB2_16:
0x15: {  	[tilespmem:$0x1D7F0] =	vst v14  }
0x16: {  	[tilespmem:$0x1D7C0] =	vst v13  }
0x17: {  	[tilespmem:$0x1D790] =	vst v12  }
0x18: {  	[hbm4b:s15+s24] =	stream.indirect.scatter [tilespmem:s0], [sflag:$0x1], $0x1, s23, s24, $0xb8;
	[tilespmem:$0x1DA00] =	vst v63  }
0x19: {  	_ =	swait.ge [sflag:s16], $0x80  }
0x1a: {  	[sflag:s16] =	ssyncset.done $0x0  }
0x1b: {  	[sflag:s16] =	ssyncadd.s32 $0xFFFFFF80  }
.LBB2_17:
0x1c: {  	s28 =	sadd.s32 $0x1, s28;
	s0 =	rddreg [dreg:$0xb]  }
0x1d: {  	p0 =	sne.s32 s28, s0  }
.Ltmp1:
0x1e: {  	_ = 	snop;
	(pc) =	sbr.rel @!p0 .LBB2_18-.Ltmp1, $1  }
0x1f: {  	_ =	sdelay $0x3  }
.LBB2_1:
0x20: {  	s0 =	rddreg [dreg:$0x6];
	s1 =	simm.s32 $0x1D800  }
0x21: {  	[tilespmem:s1], [sflag:$0x1] =	stream.linear.gather [hbm4b:s0+s20], $0x10, $0x38;
	[tilespmem:$0x1DA00] =	vst v63  }
0x22: {  	_ =	swait.ge [sflag:s16], $0x10  }
0x23: {  	[sflag:s16] =	ssyncset.done $0x0  }
0x24: {  	s4 =	simm.s32 $0x1D880;
	s3 =	rddreg [dreg:$0x8];
	[sflag:s16] =	ssyncadd.s32 $0xFFFFFFF0  }
0x25: {  	[tilespmem:s4], [sflag:$0x1] =	stream.linear.gather [hbm4b:s3+s20], $0x10, $0x38;
	[tilespmem:$0x1DA00] =	vst v63  }
0x26: {  	_ =	swait.ge [sflag:s16], $0x10  }
0x27: {  	[sflag:s16] =	ssyncset.done $0x0  }
0x28: {  	s7 =	simm.s32 $0x1D900;
	s5 =	rddreg [dreg:$0x9];
	[sflag:s16] =	ssyncadd.s32 $0xFFFFFFF0  }
0x29: {  	[tilespmem:s7], [sflag:$0x1] =	stream.linear.gather [hbm4b:s5+s20], $0x10, $0x38;
	[tilespmem:$0x1DA00] =	vst v63  }
0x2a: {  	_ =	swait.ge [sflag:s16], $0x10  }
0x2b: {  	[sflag:s16] =	ssyncset.done $0x0  }
0x2c: {  	s9 =	simm.s32 $0x1D980;
	s8 =	rddreg [dreg:$0xa];
	[sflag:s16] =	ssyncadd.s32 $0xFFFFFFF0  }
0x2d: {  	[tilespmem:s9], [sflag:$0x1] =	stream.linear.gather [hbm4b:s8+s20], $0x10, $0x38;
	[tilespmem:$0x1DA00] =	vst v63  }
0x2e: {  	_ =	swait.ge [sflag:s16], $0x10  }
0x2f: {  	[sflag:s16] =	ssyncset.done $0x0  }
0x30: {  	[sflag:s16] =	ssyncadd.s32 $0xFFFFFFF0  }
0x31: {  	v10 =	vld [tilespmem:$0x1D800]  }
0x32: {  	v11 =	vld [tilespmem:$0x1D880];
	_ =	sdelay $0x4  }
0x33: {  	v10 =	vperm.xlane v10, v0;
	v11 =	vperm.xlane v11, v1  }
0x34: {  	v12 =	vld [tilespmem:$0x1D900]  }
0x35: {  	v13 =	vld [tilespmem:$0x1D980];
	vm2 =	veq.s32 v10, v11  }
0x36: {  	v14 =	vsel vm2, $0x1, v1  }
0x37: {  	v11 =	vadd.s32 v14, v11  }
0x38: {  	v11 =	vxor.u32 $0x80000000, v11  }
0x39: {  	v11 =	vpsel p4, $0x80000000, v11  }
0x3a: {  	v12 =	vperm.xlane v12, v0;
	v13 =	vperm.xlane v13, v1;
	(xrf0) =	vmax.scan.msk.u32 $0xffff, v11;
	_ =	sdelay $0x1  }
0x3b: {  	s11 =	sld [smem:$0x7FC];
	vm2 =	veq.s32 v12, v13  }
0x3c: {  	v11 =	vsel vm2, $0x1, v1  }
0x3d: {  	v11 =	vadd.s32 v11, v13  }
0x3e: {  	p0 =	seq.s32 s11, $0x1;
	v11 =	vxor.u32 $0x80000000, v11  }
0x3f: {  	v11 =	vpsel p0, $0x800186A0, v11;
	v63, _, _ =	vpop (xrf0)  }
0x40: {  	(xrf0) =	vmax.scan.msk.u32 $0xffff, v11;
	(v2sf) =	vpush v63, $0xF;
	_ =	sdelay $0x5  }
0x41: {  	v11, _, _ =	vpop (xrf0)  }
0x42: {  	(v2sf) =	vpush v11, $0xF;
	_ =	sdelay $0x7  }
0x43: {  	s12 =	spop (v2sf)  }
0x44: {  	s7 =	sxor.u32 $0x80000000, s12  }
0x45: {  	p1 =	sgt.s32 s12, $0xFFFFFFFF;
	s0 =	sand.u32 $0x7, s12;
	p2 =	slt.s32 s7, $0x1  }
0x46: {  	s14 =	sshra.s32 s7, $0x1F;
	p3 =	sne.s32 s0, $0x0;
	p0 =	por p1, p2  }
0x47: {  	s17 =	sshrl.u32 s14, $0x1D;
	p0 =	por !p3, !p0  }
0x48: {  	s1 =	simm.s32 $0x1;
	s0 =	sadd.s32 s17, s7;
	p0 =	por !p0, !p0  }
0x49: {  	s0 =	sshra.s32 s0, $0x3;
	s1 =	simm.s32 @!p0 $0x0  }
0x4a: {  	s2 =	spop (v2sf);
	s0 =	ssub.s32 s0, s1  }
0x4b: {  	s29 =	sxor.u32 $0x80000000, s2;
	s30 =	sshll.u32 s0, $0x3  }
0x4c: {  	s18 =	ssub.s32 s29, s30  }
0x4d: {  	s1 =	sadd.s32 $0x7F, s18  }
0x4e: {  	s19 =	sand.u32 $0x7F, s1  }
0x4f: {  	s31 =	sshra.s32 s1, $0x1F;
	p6 =	slt.s32 s1, $0x1;
	p5 =	sne.s32 s19, $0x0  }
0x50: {  	s2 =	sshrl.u32 s31, $0x19;
	p0 =	por !p6, !p5  }
0x51: {  	s1 =	sadd.s32 s2, s1;
	s2 =	simm.s32 $0x1;
	p0 =	por !p0, !p0  }
0x52: {  	s1 =	sshra.s32 s1, $0x7;
	s2 =	simm.s32 @!p0 $0x0  }
0x53: {  	s4 =	ssub.s32 s1, s2  }
0x54: {  	p2 =	slt.s32 s4, $0x1  }
.Ltmp2:
0x55: {  	_ = 	snop;
	(pc) =	sbr.rel @p2 .LBB2_5-.Ltmp2, $3  }
0x56: {  	_ =	sdelay $0x1  }
0x57: {  	s0 =	sshll.u32 s0, $0x5  }
0x58: {  	s5 =	sshra.s32 s0, $0x2  }
0x59: {  	s0 =	sand.u32 $0x78, s30  }
0x5a: {  	s0 =	sor.u32 $0x5000, s0  }
0x5b: {  	p0 =	sne.s32 s4, $0x1;
	v11 =	vmov s0  }
.Ltmp3:
0x5c: {  	_ = 	snop;
	(pc) =	sbr.rel @!p0 .LBB2_4-.Ltmp3, $3  }
0x5d: {  	_ =	sdelay $0x1  }
0x5e: {  	s1 =	sand.u32 $0xFFFFFF80, s30  }
0x5f: {  	s2 =	smov.u32 s30;
	s0 =	sadd.s32 $0x5040, s5;
	[tilespmem:v11+s1+$0x0 ss:$0x1] =	vst.idx.msk $0xffff, v2;
	s1 =	sadd.s32 $0xFFFFFFFF, s4  }
.LBB2_3:
0x60: {  	p3 =	sne.s32 s1, $0x1;
	[tilespmem:s0+$0xFFFFFFD0] =	vst v2  }
0x61: {  	[tilespmem:s0+$0xFFFFFFE0] =	vst v2  }
0x62: {  	[tilespmem:s0+$0xFFFFFFF0] =	vst v2  }
.Ltmp4:
0x63: {  	[tilespmem:s0+$0x0] =	vst v2;
	(pc) =	sbr.rel @p3 .LBB2_3-.Ltmp4, $4  }
0x64: {  	[tilespmem:s0+$0x10] =	vst v2  }
0x65: {  	s2 =	sadd.s32 $0x80, s2;
	[tilespmem:s0+$0x20] =	vst v2  }
0x66: {  	s3 =	sand.u32 $0xFFFFFF80, s2;
	[tilespmem:s0+$0x30] =	vst v2  }
0x67: {  	s1 =	sadd.s32 $0xFFFFFFFF, s1;
	s0 =	sadd.s32 $0x80, s0;
	[tilespmem:v11+s3+$0x0 ss:$0x1] =	vst.idx.msk $0xffff, v2  }
.LBB2_4:
0x68: {  	[tilespmem:s0+$0xFFFFFFD0] =	vst v2  }
0x69: {  	[tilespmem:s0+$0xFFFFFFE0] =	vst v2  }
0x6a: {  	[tilespmem:s0+$0xFFFFFFF0] =	vst v2  }
0x6b: {  	[tilespmem:s0+$0x0] =	vst v2  }
0x6c: {  	[tilespmem:s0+$0x10] =	vst v2  }
0x6d: {  	[tilespmem:s0+$0x20] =	vst v2  }
0x6e: {  	[tilespmem:s0+$0x30] =	vst v2  }
.LBB2_5:
0x6f: {  	v10 =	vpsel p4, $0xFFFFFFFF, v10  }
0x70: {  	s0 =	simm.s32 $0x0;
	v11 =	vimm.f32 $-Inf;
	v12 =	vimm.s32 $0x7FFFFFFF;
	v13 =	vimm.s32 $0xFFFFFFFF;
	s14 =	rddreg [dreg:$0xc];
	s17 =	simm.s32 $0x0  }
.LBB2_6:
0x71: {  	s1 =	smul.u32 $0x2710, s17;
	_ =	sdelay $0x1  }
0x72: {  	s1 =	sadd.s32 s13, s1  }
0x73: {  	s1 =	sshrl.u32 s1, $0x3  }
0x74: {  	s2 =	sadd.s32 s10, s1  }
0x75: {  	[tilespmem:s0], [sflag:$0x1] =	stream.linear.gather [hbm4b:s2+s0], $0x2710, $0x38;
	[tilespmem:$0x1DA00] =	vst v63  }
0x76: {  	_ =	swait.ge [sflag:s16], $0x2710  }
0x77: {  	[sflag:s16] =	ssyncset.done $0x0  }
0x78: {  	s1 =	sadd.s32 s6, s1;
	[sflag:s16] =	ssyncadd.s32 $0xFFFFD8F0  }
0x79: {  	[tilespmem:s22], [sflag:$0x1] =	stream.linear.gather [hbm4b:s1+s0], $0x2710, $0x38;
	[tilespmem:$0x1DA00] =	vst v63  }
0x7a: {  	_ =	swait.ge [sflag:s16], $0x2710  }
0x7b: {  	[sflag:s16] =	ssyncset.done $0x0  }
0x7c: {  	s18 =	simm.s32 $0x27A0;
	[sflag:s16] =	ssyncadd.s32 $0xFFFFD8F0  }
0x7d: {  	v14 =	vld [tilespmem:s18+$0xFFFFFFE0];
	_ =	sdelay $0x4  }
0x7e: {  	v15 =	vperm.xlane v14, v3;
	_ =	sdelay $0x1  }
0x7f: {  	s8 =	sadd.s32 $0x0, s14;
	vm2 =	vne.s32 v14, v15  }
0x80: {  	v15 =	vor.u32 s8, v7;
	vm2 =	vmor vm2, vm0  }
0x81: {  	v15 =	vnsel vm2, $0x7FFFFFFF, v15  }
0x82: {  	(xrf0) =	vmax.scan.msk.u32 $0xffff, v15;
	_ =	sdelay $0x4  }
0x83: {  	s19 =	simm.s32 $0x20  }
0x84: {  	v15 =	vld [tilespmem:s19+$0xFFFFFFE0];
	v16, _, _ =	vpop (xrf0)  }
0x85: {  	v17 =	vmov s8;
	v16 =	vxor.u32 $0x80000000, v16  }
0x86: {  	v17 =	vsub.s32 v16, v17  }
0x87: {  	vm2 =	vgt.s32 v17, v3  }
0x88: {  	v18 =	vsel vm2, v17, v3  }
0x89: {  	v19 =	vperm.xlane v15, v18;
	_ =	sdelay $0x1  }
0x8a: {  	vm2 =	vgt.s32 v17, v5;
	vm3 =	vge.f32 v19, v15  }
0x8b: {  	v20 =	vsel vm2, v17, v5;
	v15 =	vsel vm3, v19, v15  }
0x8c: {  	v19 =	vperm.xlane v15, v20  }
0x8d: {  	v21 =	vor.u32 s8, v4  }
0x8e: {  	vm2 =	vgt.s32 v17, v6;
	v18 =	vperm.xlane v21, v18;
	vm4 =	vge.f32 v19, v15  }
0x8f: {  	v29 =	vsel vm2, v17, v6;
	v15 =	vsel vm4, v19, v15  }
0x90: {  	v18 =	vsel vm3, v18, v21;
	v30 =	vperm.xlane v15, v29  }
0x91: {  	v20 =	vperm.xlane v18, v20  }
0x92: {  	vm2 =	vgt.s32 v17, v8;
	vm3 =	vge.f32 v30, v15  }
0x93: {  	v17 =	vsel vm2, v17, v8;
	v18 =	vsel vm4, v20, v18;
	v15 =	vsel vm3, v30, v15  }
0x94: {  	vm2 =	veq.s32 v14, v10;
	v19 =	vperm.xlane v18, v29;
	v31 =	vperm.xlane v15, v17  }
0x95: {  	v10 =	vsel vm2, v13, v16  }
0x96: {  	vm14 =	vgt.s32 v10, $0xFFFFFFFF;
	v13 =	vsel vm3, v19, v18;
	vm3 =	vge.f32 v31, v15  }
0x97: {  	v16 =	vperm.xlane v13, v17;
	v15 =	vsel vm3, v31, v15  }
0x98: {  	vm5 =	vge.f32 v11, v15  }
0x99: {  	v13 =	vsel vm3, v16, v13;
	vm2 =	vmand vm2, vm5  }
0x9a: {  	v12 =	vsel vm2, v12, v13  }
0x9b: {  	v13 =	vsub.s32 v12, v10  }
0x9c: {  	[tilespmem:v14+s21+$0x0] =	vst.idx.msk vm14, v13  }
0x9d: {  	v13 =	vld [tilespmem:s18+$0xFFFFFFF0];
	_ =	sdelay $0x4  }
0x9e: {  	v16 =	vperm.xlane v13, v3;
	_ =	sdelay $0x1  }
0x9f: {  	s9 =	sadd.s32 $0x10, s8;
	vm3 =	vne.s32 v13, v16  }
0xa0: {  	v16 =	vor.u32 s9, v7;
	vm3 =	vmor vm3, vm0  }
0xa1: {  	v16 =	vnsel vm3, $0x7FFFFFFF, v16  }
0xa2: {  	(xrf0) =	vmax.scan.msk.u32 $0xffff, v16;
	_ =	sdelay $0x5  }
0xa3: {  	v16 =	vld [tilespmem:s19+$0xFFFFFFF0];
	v17, _, _ =	vpop (xrf0)  }
0xa4: {  	v32 =	vmov s9;
	v17 =	vxor.u32 $0x80000000, v17  }
0xa5: {  	v18 =	vsub.s32 v17, v32  }
0xa6: {  	vm3 =	vgt.s32 v18, v3  }
0xa7: {  	v33 =	vsel vm3, v18, v3  }
0xa8: {  	v34 =	vperm.xlane v16, v33;
	_ =	sdelay $0x1  }
0xa9: {  	vm3 =	vgt.s32 v18, v5;
	vm15 =	vge.f32 v34, v16  }
0xaa: {  	v35 =	vsel vm3, v18, v5;
	v16 =	vsel vm15, v34, v16  }
0xab: {  	v20 =	vperm.xlane v16, v35  }
0xac: {  	v22 =	vor.u32 s9, v4  }
0xad: {  	vm3 =	vgt.s32 v18, v6;
	v19 =	vperm.xlane v22, v33;
	vm8 =	vge.f32 v20, v16  }
0xae: {  	v36 =	vsel vm3, v18, v6;
	v16 =	vsel vm8, v20, v16  }
0xaf: {  	v19 =	vsel vm15, v19, v22;
	v37 =	vperm.xlane v16, v36  }
0xb0: {  	v11 =	vsel vm2, v11, v15;
	v10 =	vperm.xlane v10, v0;
	v15 =	vperm.xlane v19, v35  }
0xb1: {  	v14 =	vperm.xlane v14, v0;
	vm2 =	vgt.s32 v18, v8;
	vm3 =	vge.f32 v37, v16  }
0xb2: {  	v18 =	vsel vm2, v18, v8;
	v15 =	vsel vm8, v15, v19;
	v16 =	vsel vm3, v37, v16  }
0xb3: {  	vm2 =	veq.s32 v13, v14;
	v19 =	vperm.xlane v15, v36;
	v38 =	vperm.xlane v16, v18  }
0xb4: {  	v11 =	vperm.xlane v11, v0;
	v10 =	vsel vm2, v10, v17  }
0xb5: {  	vm9 =	vgt.s32 v10, $0xFFFFFFFF;
	v14 =	vsel vm3, v19, v15;
	vm3 =	vge.f32 v38, v16  }
0xb6: {  	v15 =	vperm.xlane v14, v18;
	v16 =	vsel vm3, v38, v16  }
0xb7: {  	v12 =	vperm.xlane v12, v0;
	vm10 =	vge.f32 v11, v16  }
0xb8: {  	v14 =	vsel vm3, v15, v14;
	vm2 =	vmand vm2, vm10  }
0xb9: {  	v12 =	vsel vm2, v12, v14  }
0xba: {  	v14 =	vsub.s32 v12, v10  }
0xbb: {  	[tilespmem:v13+s21+$0x0] =	vst.idx.msk vm9, v14  }
0xbc: {  	v14 =	vld [tilespmem:s18+$0x0];
	_ =	sdelay $0x4  }
0xbd: {  	v15 =	vperm.xlane v14, v3;
	_ =	sdelay $0x1  }
0xbe: {  	s11 =	sadd.s32 $0x20, s8;
	vm3 =	vne.s32 v14, v15  }
0xbf: {  	v15 =	vor.u32 s11, v7;
	vm3 =	vmor vm3, vm0  }
0xc0: {  	v15 =	vnsel vm3, $0x7FFFFFFF, v15  }
0xc1: {  	(xrf0) =	vmax.scan.msk.u32 $0xffff, v15;
	_ =	sdelay $0x5  }
0xc2: {  	v15 =	vld [tilespmem:s19+$0x0];
	v17, _, _ =	vpop (xrf0)  }
0xc3: {  	v39 =	vmov s11;
	v17 =	vxor.u32 $0x80000000, v17  }
0xc4: {  	v18 =	vsub.s32 v17, v39  }
0xc5: {  	vm3 =	vgt.s32 v18, v3  }
0xc6: {  	v40 =	vsel vm3, v18, v3  }
0xc7: {  	v41 =	vperm.xlane v15, v40;
	_ =	sdelay $0x1  }
0xc8: {  	vm3 =	vgt.s32 v18, v5;
	vm11 =	vge.f32 v41, v15  }
0xc9: {  	v42 =	vsel vm3, v18, v5;
	v15 =	vsel vm11, v41, v15  }
0xca: {  	v20 =	vperm.xlane v15, v42  }
0xcb: {  	v43 =	vor.u32 s11, v4  }
0xcc: {  	vm3 =	vgt.s32 v18, v6;
	v19 =	vperm.xlane v43, v40;
	vm12 =	vge.f32 v20, v15  }
0xcd: {  	v44 =	vsel vm3, v18, v6;
	v15 =	vsel vm12, v20, v15  }
0xce: {  	v19 =	vsel vm11, v19, v43;
	v45 =	vperm.xlane v15, v44  }
0xcf: {  	v11 =	vsel vm2, v11, v16;
	v10 =	vperm.xlane v10, v0;
	v16 =	vperm.xlane v19, v42  }
0xd0: {  	v13 =	vperm.xlane v13, v0;
	vm2 =	vgt.s32 v18, v8;
	vm3 =	vge.f32 v45, v15  }
0xd1: {  	v18 =	vsel vm2, v18, v8;
	v16 =	vsel vm12, v16, v19;
	v15 =	vsel vm3, v45, v15  }
0xd2: {  	vm2 =	veq.s32 v14, v13;
	v19 =	vperm.xlane v16, v44;
	v46 =	vperm.xlane v15, v18  }
0xd3: {  	v11 =	vperm.xlane v11, v0;
	v10 =	vsel vm2, v10, v17  }
0xd4: {  	vm13 =	vgt.s32 v10, $0xFFFFFFFF;
	v13 =	vsel vm3, v19, v16;
	vm3 =	vge.f32 v46, v15  }
0xd5: {  	v16 =	vperm.xlane v13, v18;
	v15 =	vsel vm3, v46, v15  }
0xd6: {  	v12 =	vperm.xlane v12, v0;
	vm14 =	vge.f32 v11, v15  }
0xd7: {  	v13 =	vsel vm3, v16, v13;
	vm2 =	vmand vm2, vm14  }
0xd8: {  	v12 =	vsel vm2, v12, v13  }
0xd9: {  	v13 =	vsub.s32 v12, v10  }
0xda: {  	[tilespmem:v14+s21+$0x0] =	vst.idx.msk vm13, v13  }
0xdb: {  	v13 =	vld [tilespmem:s18+$0x10];
	_ =	sdelay $0x4  }
0xdc: {  	v16 =	vperm.xlane v13, v3;
	_ =	sdelay $0x1  }
0xdd: {  	s12 =	sadd.s32 $0x30, s8;
	vm3 =	vne.s32 v13, v16  }
0xde: {  	v16 =	vor.u32 s12, v7;
	vm3 =	vmor vm3, vm0  }
0xdf: {  	v16 =	vnsel vm3, $0x7FFFFFFF, v16  }
0xe0: {  	(xrf0) =	vmax.scan.msk.u32 $0xffff, v16;
	_ =	sdelay $0x5  }
0xe1: {  	v16 =	vld [tilespmem:s19+$0x10];
	v17, _, _ =	vpop (xrf0)  }
0xe2: {  	v47 =	vmov s12;
	v17 =	vxor.u32 $0x80000000, v17  }
0xe3: {  	v18 =	vsub.s32 v17, v47  }
0xe4: {  	vm3 =	vgt.s32 v18, v3  }
0xe5: {  	v48 =	vsel vm3, v18, v3  }
0xe6: {  	v49 =	vperm.xlane v16, v48;
	_ =	sdelay $0x1  }
0xe7: {  	vm3 =	vgt.s32 v18, v5;
	vm15 =	vge.f32 v49, v16  }
0xe8: {  	v50 =	vsel vm3, v18, v5;
	v16 =	vsel vm15, v49, v16  }
0xe9: {  	v20 =	vperm.xlane v16, v50  }
0xea: {  	v51 =	vor.u32 s12, v4  }
0xeb: {  	vm3 =	vgt.s32 v18, v6;
	v19 =	vperm.xlane v51, v48;
	vm8 =	vge.f32 v20, v16  }
0xec: {  	v52 =	vsel vm3, v18, v6;
	v16 =	vsel vm8, v20, v16  }
0xed: {  	v19 =	vsel vm15, v19, v51;
	v53 =	vperm.xlane v16, v52  }
0xee: {  	v11 =	vsel vm2, v11, v15;
	v10 =	vperm.xlane v10, v0;
	v15 =	vperm.xlane v19, v50  }
0xef: {  	v14 =	vperm.xlane v14, v0;
	vm2 =	vgt.s32 v18, v8;
	vm3 =	vge.f32 v53, v16  }
0xf0: {  	v18 =	vsel vm2, v18, v8;
	v15 =	vsel vm8, v15, v19;
	v16 =	vsel vm3, v53, v16  }
0xf1: {  	vm2 =	veq.s32 v13, v14;
	v19 =	vperm.xlane v15, v52;
	v54 =	vperm.xlane v16, v18  }
0xf2: {  	v11 =	vperm.xlane v11, v0;
	v17 =	vsel vm2, v10, v17  }
0xf3: {  	vm9 =	vgt.s32 v17, $0xFFFFFFFF;
	v10 =	vsel vm3, v19, v15;
	vm3 =	vge.f32 v54, v16  }
0xf4: {  	v14 =	vperm.xlane v10, v18;
	v15 =	vsel vm3, v54, v16  }
0xf5: {  	v12 =	vperm.xlane v12, v0;
	vm10 =	vge.f32 v11, v15  }
0xf6: {  	v10 =	vsel vm3, v14, v10;
	vm2 =	vmand vm2, vm10  }
0xf7: {  	v12 =	vsel vm2, v12, v10  }
0xf8: {  	v10 =	vsub.s32 v12, v17  }
0xf9: {  	[tilespmem:v13+s21+$0x0] =	vst.idx.msk vm9, v10  }
0xfa: {  	v14 =	vld [tilespmem:s18+$0x20];
	_ =	sdelay $0x4  }
0xfb: {  	v10 =	vperm.xlane v14, v3;
	_ =	sdelay $0x1  }
0xfc: {  	s31 =	sadd.s32 $0x40, s8;
	vm3 =	vne.s32 v14, v10  }
0xfd: {  	v10 =	vor.u32 s31, v7;
	vm3 =	vmor vm3, vm0  }
0xfe: {  	v10 =	vnsel vm3, $0x7FFFFFFF, v10  }
0xff: {  	(xrf0) =	vmax.scan.msk.u32 $0xffff, v10;
	_ =	sdelay $0x5  }
0x100: {  	v10 =	vld [tilespmem:s19+$0x20];
	v16, _, _ =	vpop (xrf0)  }
0x101: {  	v55 =	vmov s31;
	v16 =	vxor.u32 $0x80000000, v16  }
0x102: {  	v18 =	vsub.s32 v16, v55  }
0x103: {  	vm3 =	vgt.s32 v18, v3  }
0x104: {  	v56 =	vsel vm3, v18, v3  }
0x105: {  	v57 =	vperm.xlane v10, v56;
	_ =	sdelay $0x1  }
0x106: {  	vm3 =	vgt.s32 v18, v5;
	vm11 =	vge.f32 v57, v10  }
0x107: {  	v58 =	vsel vm3, v18, v5;
	v10 =	vsel vm11, v57, v10  }
0x108: {  	v20 =	vperm.xlane v10, v58  }
0x109: {  	v59 =	vor.u32 s31, v4  }
0x10a: {  	v19 =	vperm.xlane v59, v56;
	vm3 =	vgt.s32 v18, v6;
	vm12 =	vge.f32 v20, v10  }
0x10b: {  	v23 =	vsel vm3, v18, v6;
	v20 =	vsel vm12, v20, v10  }
0x10c: {  	v10 =	vsel vm11, v19, v59;
	v60 =	vperm.xlane v20, v23  }
0x10d: {  	v11 =	vsel vm2, v11, v15;
	v15 =	vperm.xlane v17, v0;
	v21 =	vperm.xlane v10, v58  }
0x10e: {  	v13 =	vperm.xlane v13, v0;
	vm3 =	vgt.s32 v18, v8;
	vm13 =	vge.f32 v60, v20  }
0x10f: {  	v18 =	vsel vm3, v18, v8;
	v21 =	vsel vm12, v21, v10;
	v19 =	vsel vm13, v60, v20  }
0x110: {  	vm14 =	veq.s32 v14, v13;
	v61 =	vperm.xlane v21, v23;
	v62 =	vperm.xlane v19, v18  }
0x111: {  	v11 =	vperm.xlane v11, v0;
	v15 =	vsel vm14, v15, v16  }
0x112: {  	vm2 =	vgt.s32 v15, $0xFFFFFFFF;
	v17 =	vsel vm13, v61, v21;
	vm3 =	vge.f32 v62, v19  }
0x113: {  	v13 =	vperm.xlane v17, v18;
	v63 =	vsel vm3, v62, v19  }
0x114: {  	v12 =	vperm.xlane v12, v0;
	vm15 =	vge.f32 v11, v63  }
0x115: {  	v10 =	vperm.xlane v14, v0;
	v16 =	vsel vm3, v13, v17;
	vm3 =	vmand vm14, vm15  }
0x116: {  	v13 =	vperm.xlane v15, v0;
	v11 =	vsel vm3, v11, v63;
	v12 =	vsel vm3, v12, v16  }
0x117: {  	s9 =	simm.s32 $0x50;
	v15 =	vsub.s32 v12, v15;
	v11 =	vperm.xlane v11, v0;
	v12 =	vperm.xlane v12, v0  }
.LBB2_7:
0x118: {  	p3 =	sne.s32 s9, $0x26C0;
	[tilespmem:v14+s21+$0x0] =	vst.idx.msk vm2, v15;
	s18 =	sadd.s32 $0x50, s18;
	s19 =	sadd.s32 $0x50, s19  }
0x119: {  	s1 =	smov.u32 s9;
	s9 =	sadd.s32 $0x50, s9;
	v14 =	vld [tilespmem:s18+$0xFFFFFFE0];
	_ =	sdelay $0x4  }
0x11a: {  	v15 =	vperm.xlane v14, v3;
	_ =	sdelay $0x1  }
0x11b: {  	s1 =	sadd.s32 s1, s14;
	vm2 =	vne.s32 v14, v15  }
0x11c: {  	s2 =	sadd.s32 $0x10, s1;
	s12 =	sadd.s32 $0x20, s1;
	s11 =	sadd.s32 $0x30, s1;
	v15 =	vor.u32 s1, v7;
	vm2 =	vmor vm2, vm0  }
0x11d: {  	s8 =	sadd.s32 $0x40, s1;
	v15 =	vnsel vm2, $0x7FFFFFFF, v15  }
0x11e: {  	(xrf0) =	vmax.scan.msk.u32 $0xffff, v15;
	_ =	sdelay $0x5  }
0x11f: {  	v15 =	vld [tilespmem:s19+$0xFFFFFFE0];
	v16, _, _ =	vpop (xrf0)  }
0x120: {  	v17 =	vmov s1;
	v16 =	vxor.u32 $0x80000000, v16  }
0x121: {  	v17 =	vsub.s32 v16, v17  }
0x122: {  	vm2 =	vgt.s32 v17, v3;
	vm3 =	vgt.s32 v17, v5;
	vm4 =	vgt.s32 v17, v6  }
0x123: {  	v18 =	vsel vm2, v17, v3;
	v19 =	vsel vm3, v17, v5;
	vm2 =	vgt.s32 v17, v8  }
0x124: {  	v20 =	vperm.xlane v15, v18;
	_ =	sdelay $0x1  }
0x125: {  	vm3 =	vge.f32 v20, v15  }
0x126: {  	v15 =	vsel vm3, v20, v15  }
0x127: {  	v20 =	vperm.xlane v15, v19  }
0x128: {  	v21 =	vor.u32 s1, v4  }
0x129: {  	v18 =	vperm.xlane v21, v18;
	vm5 =	vge.f32 v20, v15  }
0x12a: {  	v15 =	vsel vm5, v20, v15;
	v20 =	vsel vm4, v17, v6  }
0x12b: {  	v18 =	vsel vm3, v18, v21;
	v21 =	vperm.xlane v15, v20  }
0x12c: {  	v19 =	vperm.xlane v18, v19  }
0x12d: {  	vm3 =	vge.f32 v21, v15  }
0x12e: {  	v18 =	vsel vm5, v19, v18;
	v17 =	vsel vm2, v17, v8;
	v15 =	vsel vm3, v21, v15  }
0x12f: {  	vm2 =	veq.s32 v14, v10;
	v19 =	vperm.xlane v18, v20;
	v20 =	vperm.xlane v15, v17  }
0x130: {  	v13 =	vsel vm2, v13, v16  }
0x131: {  	vm4 =	vgt.s32 v13, $0xFFFFFFFF;
	v10 =	vsel vm3, v19, v18;
	vm3 =	vge.f32 v20, v15  }
0x132: {  	v16 =	vperm.xlane v10, v17;
	v15 =	vsel vm3, v20, v15  }
0x133: {  	vm5 =	vge.f32 v11, v15  }
0x134: {  	v10 =	vsel vm3, v16, v10;
	vm2 =	vmand vm2, vm5  }
0x135: {  	v11 =	vsel vm2, v11, v15;
	v12 =	vsel vm2, v12, v10  }
0x136: {  	v10 =	vsub.s32 v12, v13  }
0x137: {  	[tilespmem:v14+s21+$0x0] =	vst.idx.msk vm4, v10  }
0x138: {  	v10 =	vld [tilespmem:s18+$0xFFFFFFF0];
	_ =	sdelay $0x4  }
0x139: {  	v15 =	vperm.xlane v10, v3;
	_ =	sdelay $0x1  }
0x13a: {  	vm2 =	vne.s32 v10, v15  }
0x13b: {  	v15 =	vor.u32 s2, v7;
	vm2 =	vmor vm2, vm0  }
0x13c: {  	v15 =	vnsel vm2, $0x7FFFFFFF, v15  }
0x13d: {  	(xrf0) =	vmax.scan.msk.u32 $0xffff, v15;
	_ =	sdelay $0x5  }
0x13e: {  	v15 =	vld [tilespmem:s19+$0xFFFFFFF0];
	v16, _, _ =	vpop (xrf0)  }
0x13f: {  	v17 =	vmov s2;
	v16 =	vxor.u32 $0x80000000, v16  }
0x140: {  	v17 =	vsub.s32 v16, v17  }
0x141: {  	vm2 =	vgt.s32 v17, v3;
	vm3 =	vgt.s32 v17, v5;
	vm4 =	vgt.s32 v17, v6  }
0x142: {  	v18 =	vsel vm2, v17, v3;
	v19 =	vsel vm3, v17, v5;
	vm2 =	vgt.s32 v17, v8  }
0x143: {  	v20 =	vperm.xlane v15, v18;
	_ =	sdelay $0x1  }
0x144: {  	vm3 =	vge.f32 v20, v15  }
0x145: {  	v15 =	vsel vm3, v20, v15  }
0x146: {  	v20 =	vperm.xlane v15, v19  }
0x147: {  	v21 =	vor.u32 s2, v4  }
0x148: {  	v18 =	vperm.xlane v21, v18;
	vm5 =	vge.f32 v20, v15  }
0x149: {  	v15 =	vsel vm5, v20, v15;
	v20 =	vsel vm4, v17, v6  }
0x14a: {  	v18 =	vsel vm3, v18, v21;
	v21 =	vperm.xlane v15, v20  }
0x14b: {  	v19 =	vperm.xlane v18, v19  }
0x14c: {  	v13 =	vperm.xlane v13, v0;
	v14 =	vperm.xlane v14, v0;
	vm3 =	vge.f32 v21, v15  }
0x14d: {  	v18 =	vsel vm5, v19, v18;
	v17 =	vsel vm2, v17, v8;
	v15 =	vsel vm3, v21, v15  }
0x14e: {  	vm2 =	veq.s32 v10, v14;
	v19 =	vperm.xlane v18, v20;
	v20 =	vperm.xlane v15, v17  }
0x14f: {  	v11 =	vperm.xlane v11, v0;
	v13 =	vsel vm2, v13, v16  }
0x150: {  	vm4 =	vgt.s32 v13, $0xFFFFFFFF;
	v14 =	vsel vm3, v19, v18;
	vm3 =	vge.f32 v20, v15  }
0x151: {  	v16 =	vperm.xlane v14, v17;
	v15 =	vsel vm3, v20, v15  }
0x152: {  	v12 =	vperm.xlane v12, v0;
	vm5 =	vge.f32 v11, v15  }
0x153: {  	v14 =	vsel vm3, v16, v14;
	vm2 =	vmand vm2, vm5  }
0x154: {  	v11 =	vsel vm2, v11, v15;
	v14 =	vsel vm2, v12, v14  }
0x155: {  	v12 =	vsub.s32 v14, v13  }
0x156: {  	[tilespmem:v10+s21+$0x0] =	vst.idx.msk vm4, v12  }
0x157: {  	v12 =	vld [tilespmem:s18+$0x0];
	_ =	sdelay $0x4  }
0x158: {  	v15 =	vperm.xlane v12, v3;
	_ =	sdelay $0x1  }
0x159: {  	vm2 =	vne.s32 v12, v15  }
0x15a: {  	v15 =	vor.u32 s12, v7;
	vm2 =	vmor vm2, vm0  }
0x15b: {  	v15 =	vnsel vm2, $0x7FFFFFFF, v15  }
0x15c: {  	(xrf0) =	vmax.scan.msk.u32 $0xffff, v15;
	_ =	sdelay $0x5  }
0x15d: {  	v15 =	vld [tilespmem:s19+$0x0];
	v16, _, _ =	vpop (xrf0)  }
0x15e: {  	v17 =	vmov s12;
	v16 =	vxor.u32 $0x80000000, v16  }
0x15f: {  	v17 =	vsub.s32 v16, v17  }
0x160: {  	vm2 =	vgt.s32 v17, v3;
	vm3 =	vgt.s32 v17, v5;
	vm4 =	vgt.s32 v17, v6  }
0x161: {  	v18 =	vsel vm2, v17, v3;
	v19 =	vsel vm3, v17, v5;
	vm2 =	vgt.s32 v17, v8  }
0x162: {  	v20 =	vperm.xlane v15, v18;
	_ =	sdelay $0x1  }
0x163: {  	vm3 =	vge.f32 v20, v15  }
0x164: {  	v15 =	vsel vm3, v20, v15  }
0x165: {  	v20 =	vperm.xlane v15, v19  }
0x166: {  	v21 =	vor.u32 s12, v4  }
0x167: {  	v18 =	vperm.xlane v21, v18;
	vm5 =	vge.f32 v20, v15  }
0x168: {  	v15 =	vsel vm5, v20, v15;
	v20 =	vsel vm4, v17, v6  }
0x169: {  	v18 =	vsel vm3, v18, v21;
	v21 =	vperm.xlane v15, v20  }
0x16a: {  	v19 =	vperm.xlane v18, v19  }
0x16b: {  	v13 =	vperm.xlane v13, v0;
	v10 =	vperm.xlane v10, v0;
	vm3 =	vge.f32 v21, v15  }
0x16c: {  	v18 =	vsel vm5, v19, v18;
	v17 =	vsel vm2, v17, v8;
	v15 =	vsel vm3, v21, v15  }
0x16d: {  	vm2 =	veq.s32 v12, v10;
	v19 =	vperm.xlane v18, v20;
	v20 =	vperm.xlane v15, v17  }
0x16e: {  	v10 =	vperm.xlane v11, v0;
	v13 =	vsel vm2, v13, v16  }
0x16f: {  	vm4 =	vgt.s32 v13, $0xFFFFFFFF;
	v11 =	vsel vm3, v19, v18;
	vm3 =	vge.f32 v20, v15  }
0x170: {  	v16 =	vperm.xlane v11, v17;
	v15 =	vsel vm3, v20, v15  }
0x171: {  	v14 =	vperm.xlane v14, v0;
	vm5 =	vge.f32 v10, v15  }
0x172: {  	v11 =	vsel vm3, v16, v11;
	vm2 =	vmand vm2, vm5  }
0x173: {  	v10 =	vsel vm2, v10, v15;
	v14 =	vsel vm2, v14, v11  }
0x174: {  	v11 =	vsub.s32 v14, v13  }
0x175: {  	[tilespmem:v12+s21+$0x0] =	vst.idx.msk vm4, v11  }
0x176: {  	v11 =	vld [tilespmem:s18+$0x10];
	_ =	sdelay $0x4  }
0x177: {  	v15 =	vperm.xlane v11, v3;
	_ =	sdelay $0x1  }
0x178: {  	vm2 =	vne.s32 v11, v15  }
0x179: {  	v15 =	vor.u32 s11, v7;
	vm2 =	vmor vm2, vm0  }
0x17a: {  	v15 =	vnsel vm2, $0x7FFFFFFF, v15  }
0x17b: {  	(xrf0) =	vmax.scan.msk.u32 $0xffff, v15;
	_ =	sdelay $0x5  }
0x17c: {  	v15 =	vld [tilespmem:s19+$0x10];
	v16, _, _ =	vpop (xrf0)  }
0x17d: {  	v17 =	vmov s11;
	v16 =	vxor.u32 $0x80000000, v16  }
0x17e: {  	v17 =	vsub.s32 v16, v17  }
0x17f: {  	vm2 =	vgt.s32 v17, v3;
	vm3 =	vgt.s32 v17, v5;
	vm4 =	vgt.s32 v17, v6  }
0x180: {  	v18 =	vsel vm2, v17, v3;
	v19 =	vsel vm3, v17, v5;
	vm2 =	vgt.s32 v17, v8  }
0x181: {  	v20 =	vperm.xlane v15, v18;
	_ =	sdelay $0x1  }
0x182: {  	vm3 =	vge.f32 v20, v15  }
0x183: {  	v15 =	vsel vm3, v20, v15  }
0x184: {  	v20 =	vperm.xlane v15, v19  }
0x185: {  	v21 =	vor.u32 s11, v4  }
0x186: {  	v18 =	vperm.xlane v21, v18;
	vm5 =	vge.f32 v20, v15  }
0x187: {  	v15 =	vsel vm5, v20, v15;
	v20 =	vsel vm4, v17, v6  }
0x188: {  	v18 =	vsel vm3, v18, v21;
	v21 =	vperm.xlane v15, v20  }
0x189: {  	v19 =	vperm.xlane v18, v19  }
0x18a: {  	v13 =	vperm.xlane v13, v0;
	v12 =	vperm.xlane v12, v0;
	vm3 =	vge.f32 v21, v15  }
0x18b: {  	v18 =	vsel vm5, v19, v18;
	v17 =	vsel vm2, v17, v8;
	v15 =	vsel vm3, v21, v15  }
0x18c: {  	vm2 =	veq.s32 v11, v12;
	v19 =	vperm.xlane v18, v20;
	v20 =	vperm.xlane v15, v17  }
0x18d: {  	v10 =	vperm.xlane v10, v0;
	v12 =	vsel vm2, v13, v16  }
0x18e: {  	vm4 =	vgt.s32 v12, $0xFFFFFFFF;
	v13 =	vsel vm3, v19, v18;
	vm3 =	vge.f32 v20, v15  }
0x18f: {  	v16 =	vperm.xlane v13, v17;
	v15 =	vsel vm3, v20, v15  }
0x190: {  	v14 =	vperm.xlane v14, v0;
	vm5 =	vge.f32 v10, v15  }
0x191: {  	v13 =	vsel vm3, v16, v13;
	vm2 =	vmand vm2, vm5  }
0x192: {  	v15 =	vsel vm2, v10, v15;
	v16 =	vsel vm2, v14, v13  }
0x193: {  	v10 =	vsub.s32 v16, v12  }
0x194: {  	[tilespmem:v11+s21+$0x0] =	vst.idx.msk vm4, v10  }
0x195: {  	v14 =	vld [tilespmem:s18+$0x20];
	_ =	sdelay $0x4  }
0x196: {  	v13 =	vperm.xlane v14, v3;
	v10 =	vperm.xlane v14, v0;
	_ =	sdelay $0x1  }
0x197: {  	vm2 =	vne.s32 v14, v13  }
0x198: {  	v13 =	vor.u32 s8, v7;
	vm2 =	vmor vm2, vm0  }
0x199: {  	v13 =	vnsel vm2, $0x7FFFFFFF, v13  }
0x19a: {  	(xrf0) =	vmax.scan.msk.u32 $0xffff, v13;
	_ =	sdelay $0x5  }
0x19b: {  	v13 =	vld [tilespmem:s19+$0x20];
	v17, _, _ =	vpop (xrf0)  }
0x19c: {  	v18 =	vmov s8;
	v17 =	vxor.u32 $0x80000000, v17  }
0x19d: {  	v18 =	vsub.s32 v17, v18  }
0x19e: {  	vm2 =	vgt.s32 v18, v3;
	vm3 =	vgt.s32 v18, v5;
	vm4 =	vgt.s32 v18, v6  }
0x19f: {  	v19 =	vsel vm2, v18, v3;
	v20 =	vsel vm3, v18, v5;
	vm2 =	vgt.s32 v18, v8  }
0x1a0: {  	v21 =	vperm.xlane v13, v19;
	_ =	sdelay $0x1  }
0x1a1: {  	vm3 =	vge.f32 v21, v13  }
0x1a2: {  	v13 =	vsel vm3, v21, v13  }
0x1a3: {  	v21 =	vperm.xlane v13, v20  }
0x1a4: {  	v22 =	vor.u32 s8, v4  }
0x1a5: {  	v19 =	vperm.xlane v22, v19;
	vm5 =	vge.f32 v21, v13  }
0x1a6: {  	v13 =	vsel vm5, v21, v13;
	v21 =	vsel vm4, v18, v6  }
0x1a7: {  	v19 =	vsel vm3, v19, v22;
	v22 =	vperm.xlane v13, v21  }
0x1a8: {  	v20 =	vperm.xlane v19, v20  }
0x1a9: {  	v12 =	vperm.xlane v12, v0;
	v11 =	vperm.xlane v11, v0;
	vm3 =	vge.f32 v22, v13  }
0x1aa: {  	v19 =	vsel vm5, v20, v19;
	v18 =	vsel vm2, v18, v8;
	v13 =	vsel vm3, v22, v13  }
0x1ab: {  	vm4 =	veq.s32 v14, v11;
	v20 =	vperm.xlane v19, v21;
	v21 =	vperm.xlane v13, v18  }
0x1ac: {  	v11 =	vperm.xlane v15, v0;
	v12 =	vsel vm4, v12, v17  }
0x1ad: {  	vm2 =	vgt.s32 v12, $0xFFFFFFFF;
	v15 =	vsel vm3, v20, v19;
	vm3 =	vge.f32 v21, v13  }
.Ltmp5:
0x1ae: {  	v17 =	vperm.xlane v15, v18;
	v18 =	vsel vm3, v21, v13;
	v13 =	vperm.xlane v12, v0;
	(pc) =	sbr.rel @p3 .LBB2_7-.Ltmp5, $4  }
0x1af: {  	v16 =	vperm.xlane v16, v0;
	vm5 =	vge.f32 v11, v18  }
0x1b0: {  	v15 =	vsel vm3, v17, v15;
	vm3 =	vmand vm4, vm5  }
0x1b1: {  	v11 =	vsel vm3, v11, v18;
	v16 =	vsel vm3, v16, v15  }
0x1b2: {  	v15 =	vsub.s32 v16, v12;
	v11 =	vperm.xlane v11, v0;
	v12 =	vperm.xlane v16, v0  }
0x1b3: {  	s17 =	sadd.s32 $0x1, s17  }
0x1b4: {  	p0 =	sne.s32 s17, $0xA  }
.Ltmp6:
0x1b5: {  	_ = 	snop;
	(pc) =	sbr.rel @p0 .LBB2_6-.Ltmp6, $2  }
0x1b6: {  	_ =	sdelay $0x2  }
0x1b7: {  	[tilespmem:v14+s21+$0x0] =	vst.idx.msk vm2, v15;
	s14 =	sadd.s32 $0x2710, s14  }
0x1b8: {  	v10 =	vxor.u32 $0x80000000, v10  }
0x1b9: {  	(xrf0) =	vmax.scan.msk.u32 $0xffff, v10;
	v10 =	vxor.u32 $0x80000000, v13  }
0x1ba: {  	(xrf0) =	vmax.scan.msk.u32 $0xffff, v10;
	_ =	sdelay $0x1  }
0x1bb: {  	v10 =	vxor.u32 $0x80000000, v12;
	_ =	sdelay $0x2  }
0x1bc: {  	(xrf0) =	vmax.scan.msk.u32 $0xffff, v10;
	v10, _, _ =	vpop (xrf0)  }
0x1bd: {  	v63, _, _ =	vpop (xrf0);
	(v2sf) =	vpush v10, $0xF  }
0x1be: {  	(v2sf) =	vpush v63, $0xF;
	_ =	sdelay $0x5  }
0x1bf: {  	v10, _, _ =	vpop (xrf0)  }
0x1c0: {  	(v2sf) =	vpush v10, $0xF;
	_ =	sdelay $0x6  }
0x1c1: {  	s0 =	spop (v2sf)  }
0x1c2: {  	s2 =	spop (v2sf)  }
0x1c3: {  	s1 =	rddreg [dreg:$0x4];
	p0 =	sgt.s32 s2, $0xFFFFFFFF  }
0x1c4: {  	p1 =	sne.s32 @!p0 s1, $0x1F  }
0x1c5: {  	p0 =	por p0, !p1  }
.Ltmp7:
0x1c6: {  	_ = 	snop;
	(pc) =	sbr.rel @p0 .LBB2_13-.Ltmp7, $3  }
0x1c7: {  	_ =	sdelay $0x1  }
0x1c8: {  	s0 =	sxor.u32 $0x80000000, s0;
	s31 =	spop (v2sf)  }
0x1c9: {  	v10 =	vmov s0;
	s8 =	sxor.u32 $0x80000000, s31  }
0x1ca: {  	(xrf0) =	vmax.scan.msk.f32 $0xffff, v11;
	_ =	sdelay $0x5  }
0x1cb: {  	v11, _, _ =	vpop (xrf0)  }
0x1cc: {  	(v2sf) =	vpush v11, $0xF;
	_ =	sdelay $0x6  }
0x1cd: {  	[dreg:$0x13] =	wrdreg s2  }
0x1ce: {  	[dreg:$0x12] =	wrdreg s30  }
0x1cf: {  	[dreg:$0x11] =	wrdreg s29  }
0x1d0: {  	[dreg:$0x10] =	wrdreg s7  }
0x1d1: {  	[dreg:$0xf] =	wrdreg s5  }
0x1d2: {  	[dreg:$0xe] =	wrdreg s4  }
0x1d3: {  	s0 =	simm.s32 @!p2 $0x0;
	[dreg:$0xd] =	wrdreg s28  }
0x1d4: {  	s17 =	rddreg [dreg:$0x7];
	s0 =	simm.s32 @p2 $0x1  }
0x1d5: {  	[smem:$0x7FB] =	sst s0;
	s9 =	spop (v2sf)  }
.LBB2_11:
0x1d6: {  	p0 =	slt.s32 s17, $0x30D380;
	s14 =	smov.u32 s17  }
0x1d7: {  	s14 =	simm.s32 @!p0 $0x30D380  }
0x1d8: {  	s0 =	sshrl.u32 s14, $0x3  }
0x1d9: {  	s1 =	sadd.s32 s10, s0  }
0x1da: {  	[tilespmem:s25], [sflag:$0x1] =	stream.linear.gather [hbm4b:s1+s20], $0x80, $0x38;
	[tilespmem:$0x1DA00] =	vst v63  }
0x1db: {  	_ =	swait.ge [sflag:s16], $0x80  }
0x1dc: {  	[sflag:s16] =	ssyncset.done $0x0  }
0x1dd: {  	s0 =	sadd.s32 s6, s0;
	[sflag:s16] =	ssyncadd.s32 $0xFFFFFF80  }
0x1de: {  	[tilespmem:s26], [sflag:$0x1] =	stream.linear.gather [hbm4b:s0+s20], $0x80, $0x38;
	[tilespmem:$0x1DA00] =	vst v63  }
0x1df: {  	_ =	swait.ge [sflag:s16], $0x80  }
0x1e0: {  	[sflag:s16] =	ssyncset.done $0x0  }
0x1e1: {  	[sflag:s16] =	ssyncadd.s32 $0xFFFFFF80  }
0x1e2: {  	v11 =	vld [tilespmem:$0x4F80];
	_ =	sdelay $0x4  }
0x1e3: {  	vm2 =	vne.s32 v11, v10  }
0x1e4: {  	v11 =	vsel vm2, $0x1, v1  }
0x1e5: {  	(xrf0) =	vadd.scan.msk.s32 $0xffff, v11;
	_ =	sdelay $0x2  }
0x1e6: {  	v11 =	vld [tilespmem:$0x4F00];
	_ =	sdelay $0x2  }
0x1e7: {  	v12, _, _ =	vpop (xrf0)  }
0x1e8: {  	vm3 =	veq.s32 v12, $0x0  }
0x1e9: {  	v12 =	vnsel vm3, $0xFF800000, v11  }
0x1ea: {  	(xrf0) =	vmax.scan.msk.f32 $0xffff, v12;
	_ =	sdelay $0x5  }
0x1eb: {  	v12, _, _ =	vpop (xrf0)  }
0x1ec: {  	v13 =	vbroadcast v12, $0xF;
	_ =	sdelay $0x1  }
0x1ed: {  	v14 =	vadd.s32 s14, v4;
	vm4 =	veq.f32 v11, v13  }
0x1ee: {  	v11 =	vxor.u32 $0x80000000, v14;
	vm4 =	vmand vm3, vm4  }
0x1ef: {  	v11 =	vnsel vm4, $0xFFFFFFFF, v11  }
0x1f0: {  	(xrf0) =	vmin.scan.msk.u32 $0xffff, v11;
	v11 =	vsel vm3, $0x3F800000, v9  }
0x1f1: {  	(xrf0) =	vmax.scan.msk.f32 $0xffff, v11;
	v11 =	vsel vm2, $0x3F800000, v9  }
0x1f2: {  	(xrf0) =	vmax.scan.msk.f32 $0xffff, v11;
	_ =	sdelay $0x3  }
0x1f3: {  	(v2sf) =	vpush v12, $0xF;
	v11, _, _ =	vpop (xrf0)  }
0x1f4: {  	(v2sf) =	vpush v11, $0xF;
	v11, _, _ =	vpop (xrf0)  }
0x1f5: {  	(v2sf) =	vpush v11, $0xF;
	v11, _, _ =	vpop (xrf0)  }
0x1f6: {  	(v2sf) =	vpush v11, $0xF;
	_ =	sdelay $0x4  }
0x1f7: {  	v11 =	vld [tilespmem:$0x4F90];
	_ =	sdelay $0x4  }
0x1f8: {  	vm2 =	vne.s32 v11, v10  }
0x1f9: {  	v11 =	vsel vm2, $0x1, v1  }
0x1fa: {  	s19 =	spop (v2sf);
	(xrf0) =	vadd.scan.msk.s32 $0xffff, v11  }
0x1fb: {  	s11 =	spop (v2sf)  }
0x1fc: {  	s12 =	spop (v2sf)  }
0x1fd: {  	s1 =	spop (v2sf)  }
0x1fe: {  	v11 =	vld [tilespmem:$0x4F10];
	p3 =	sgt.f32 s1, $0.0e+00;
	_ =	sdelay $0x1  }
0x1ff: {  	vm3 =	vmmov vm1;
	v35, _, _ =	vpop (xrf0);
	p0 =	por !p3, !p3  }
0x200: {  	vm10 =	veq.s32 v35, $0x0;
	vm3 =	vmneg @p0 vm3  }
0x201: {  	vm3 =	vmand vm10, vm3  }
0x202: {  	v36 =	vnsel vm3, $0xFF800000, v11  }
0x203: {  	(xrf0) =	vmax.scan.msk.f32 $0xffff, v36;
	_ =	sdelay $0x5  }
0x204: {  	v12, _, _ =	vpop (xrf0)  }
0x205: {  	v37 =	vbroadcast v12, $0xF  }
0x206: {  	s2 =	sadd.s32 $0x10, s14  }
0x207: {  	v38 =	vadd.s32 s2, v4;
	vm11 =	veq.f32 v11, v37  }
0x208: {  	v11 =	vxor.u32 $0x80000000, v38;
	vm4 =	vmand vm3, vm11  }
0x209: {  	v11 =	vnsel vm4, $0xFFFFFFFF, v11  }
0x20a: {  	(xrf0) =	vmin.scan.msk.u32 $0xffff, v11;
	v11 =	vsel vm3, $0x3F800000, v9  }
0x20b: {  	(xrf0) =	vmax.scan.msk.f32 $0xffff, v11;
	v11 =	vsel vm2, $0x3F800000, v9  }
0x20c: {  	(xrf0) =	vmax.scan.msk.f32 $0xffff, v11;
	_ =	sdelay $0x3  }
0x20d: {  	(v2sf) =	vpush v12, $0xF;
	v11, _, _ =	vpop (xrf0)  }
0x20e: {  	(v2sf) =	vpush v11, $0xF;
	v11, _, _ =	vpop (xrf0)  }
0x20f: {  	(v2sf) =	vpush v11, $0xF;
	v11, _, _ =	vpop (xrf0)  }
0x210: {  	(v2sf) =	vpush v11, $0xF;
	_ =	sdelay $0x5  }
0x211: {  	v11 =	vld [tilespmem:$0x4FA0];
	_ =	sdelay $0x4  }
0x212: {  	vm2 =	vne.s32 v11, v10  }
0x213: {  	s13 =	spop (v2sf);
	v11 =	vsel vm2, $0x1, v1  }
0x214: {  	(xrf0) =	vadd.scan.msk.s32 $0xffff, v11;
	s18 =	spop (v2sf)  }
0x215: {  	s22 =	spop (v2sf)  }
0x216: {  	s3 =	spop (v2sf)  }
0x217: {  	p2 =	sgt.f32 s3, $0.0e+00  }
0x218: {  	v11 =	vld [tilespmem:$0x4F20]  }
0x219: {  	p3 =	por p3, p2  }
0x21a: {  	vm3 =	vmmov vm1;
	v39, _, _ =	vpop (xrf0);
	p0 =	por !p3, !p3  }
0x21b: {  	vm12 =	veq.s32 v39, $0x0;
	vm3 =	vmneg @p0 vm3  }
0x21c: {  	vm3 =	vmand vm12, vm3  }
0x21d: {  	v40 =	vnsel vm3, $0xFF800000, v11  }
0x21e: {  	(xrf0) =	vmax.scan.msk.f32 $0xffff, v40;
	_ =	sdelay $0x5  }
0x21f: {  	v12, _, _ =	vpop (xrf0)  }
0x220: {  	v41 =	vbroadcast v12, $0xF  }
0x221: {  	s4 =	sadd.s32 $0x20, s14  }
0x222: {  	v42 =	vadd.s32 s4, v4;
	vm13 =	veq.f32 v11, v41  }
0x223: {  	v11 =	vxor.u32 $0x80000000, v42;
	vm4 =	vmand vm3, vm13  }
0x224: {  	v11 =	vnsel vm4, $0xFFFFFFFF, v11  }
0x225: {  	(xrf0) =	vmin.scan.msk.u32 $0xffff, v11;
	v11 =	vsel vm3, $0x3F800000, v9  }
0x226: {  	(xrf0) =	vmax.scan.msk.f32 $0xffff, v11;
	v11 =	vsel vm2, $0x3F800000, v9  }
0x227: {  	(xrf0) =	vmax.scan.msk.f32 $0xffff, v11;
	_ =	sdelay $0x3  }
0x228: {  	(v2sf) =	vpush v12, $0xF;
	v11, _, _ =	vpop (xrf0)  }
0x229: {  	(v2sf) =	vpush v11, $0xF;
	v11, _, _ =	vpop (xrf0)  }
0x22a: {  	(v2sf) =	vpush v11, $0xF;
	v11, _, _ =	vpop (xrf0)  }
0x22b: {  	(v2sf) =	vpush v11, $0xF;
	_ =	sdelay $0x5  }
0x22c: {  	v11 =	vld [tilespmem:$0x4FB0];
	_ =	sdelay $0x4  }
0x22d: {  	vm2 =	vne.s32 v11, v10  }
0x22e: {  	s2 =	spop (v2sf);
	v11 =	vsel vm2, $0x1, v1  }
0x22f: {  	(xrf0) =	vadd.scan.msk.s32 $0xffff, v11;
	s15 =	spop (v2sf)  }
0x230: {  	s29 =	spop (v2sf)  }
0x231: {  	s5 =	spop (v2sf)  }
0x232: {  	p4 =	sgt.f32 s5, $0.0e+00  }
0x233: {  	v11 =	vld [tilespmem:$0x4F30]  }
0x234: {  	p3 =	por p3, p4  }
0x235: {  	vm3 =	vmmov vm1;
	v43, _, _ =	vpop (xrf0);
	p0 =	por !p3, !p3  }
0x236: {  	vm14 =	veq.s32 v43, $0x0;
	vm3 =	vmneg @p0 vm3  }
0x237: {  	vm3 =	vmand vm14, vm3  }
0x238: {  	v44 =	vnsel vm3, $0xFF800000, v11  }
0x239: {  	(xrf0) =	vmax.scan.msk.f32 $0xffff, v44;
	_ =	sdelay $0x5  }
0x23a: {  	v12, _, _ =	vpop (xrf0)  }
0x23b: {  	v45 =	vbroadcast v12, $0xF  }
0x23c: {  	s7 =	sadd.s32 $0x30, s14  }
0x23d: {  	v46 =	vadd.s32 s7, v4;
	vm15 =	veq.f32 v11, v45  }
0x23e: {  	v11 =	vxor.u32 $0x80000000, v46;
	vm4 =	vmand vm3, vm15  }
0x23f: {  	v11 =	vnsel vm4, $0xFFFFFFFF, v11  }
0x240: {  	(xrf0) =	vmin.scan.msk.u32 $0xffff, v11;
	v11 =	vsel vm3, $0x3F800000, v9  }
0x241: {  	(xrf0) =	vmax.scan.msk.f32 $0xffff, v11;
	v11 =	vsel vm2, $0x3F800000, v9  }
0x242: {  	(xrf0) =	vmax.scan.msk.f32 $0xffff, v11;
	_ =	sdelay $0x3  }
0x243: {  	(v2sf) =	vpush v12, $0xF;
	v11, _, _ =	vpop (xrf0)  }
0x244: {  	(v2sf) =	vpush v11, $0xF;
	v11, _, _ =	vpop (xrf0)  }
0x245: {  	(v2sf) =	vpush v11, $0xF;
	v11, _, _ =	vpop (xrf0)  }
0x246: {  	(v2sf) =	vpush v11, $0xF;
	_ =	sdelay $0x5  }
0x247: {  	v11 =	vld [tilespmem:$0x4FC0];
	_ =	sdelay $0x4  }
0x248: {  	vm2 =	vne.s32 v11, v10  }
0x249: {  	s28 =	spop (v2sf);
	v11 =	vsel vm2, $0x1, v1  }
0x24a: {  	(xrf0) =	vadd.scan.msk.s32 $0xffff, v11;
	s31 =	spop (v2sf)  }
0x24b: {  	s4 =	spop (v2sf)  }
0x24c: {  	s20 =	spop (v2sf)  }
0x24d: {  	p5 =	sgt.f32 s20, $0.0e+00  }
0x24e: {  	v11 =	vld [tilespmem:$0x4F40]  }
0x24f: {  	p3 =	por p3, p5  }
0x250: {  	vm3 =	vmmov vm1;
	v47, _, _ =	vpop (xrf0);
	p0 =	por !p3, !p3  }
0x251: {  	vm8 =	veq.s32 v47, $0x0;
	vm3 =	vmneg @p0 vm3  }
0x252: {  	vm3 =	vmand vm8, vm3  }
0x253: {  	v48 =	vnsel vm3, $0xFF800000, v11  }
0x254: {  	(xrf0) =	vmax.scan.msk.f32 $0xffff, v48;
	_ =	sdelay $0x5  }
0x255: {  	v12, _, _ =	vpop (xrf0)  }
0x256: {  	v49 =	vbroadcast v12, $0xF  }
0x257: {  	s24 =	sadd.s32 $0x40, s14  }
0x258: {  	v50 =	vadd.s32 s24, v4;
	vm9 =	veq.f32 v11, v49  }
0x259: {  	v11 =	vxor.u32 $0x80000000, v50;
	vm4 =	vmand vm3, vm9  }
0x25a: {  	v11 =	vnsel vm4, $0xFFFFFFFF, v11  }
0x25b: {  	(xrf0) =	vmin.scan.msk.u32 $0xffff, v11;
	v11 =	vsel vm3, $0x3F800000, v9  }
0x25c: {  	(xrf0) =	vmax.scan.msk.f32 $0xffff, v11;
	v11 =	vsel vm2, $0x3F800000, v9  }
0x25d: {  	(xrf0) =	vmax.scan.msk.f32 $0xffff, v11;
	_ =	sdelay $0x3  }
0x25e: {  	(v2sf) =	vpush v12, $0xF;
	v11, _, _ =	vpop (xrf0)  }
0x25f: {  	(v2sf) =	vpush v11, $0xF;
	v11, _, _ =	vpop (xrf0)  }
0x260: {  	(v2sf) =	vpush v11, $0xF;
	v11, _, _ =	vpop (xrf0)  }
0x261: {  	(v2sf) =	vpush v11, $0xF;
	_ =	sdelay $0x5  }
0x262: {  	v11 =	vld [tilespmem:$0x4FD0];
	_ =	sdelay $0x4  }
0x263: {  	vm2 =	vne.s32 v11, v10  }
0x264: {  	s26 =	spop (v2sf);
	v11 =	vsel vm2, $0x1, v1  }
0x265: {  	(xrf0) =	vadd.scan.msk.s32 $0xffff, v11;
	s30 =	spop (v2sf)  }
0x266: {  	s0 =	spop (v2sf)  }
0x267: {  	s25 =	spop (v2sf)  }
0x268: {  	p6 =	sgt.f32 s25, $0.0e+00  }
0x269: {  	v11 =	vld [tilespmem:$0x4F50]  }
0x26a: {  	p3 =	por p3, p6  }
0x26b: {  	vm3 =	vmmov vm1;
	v51, _, _ =	vpop (xrf0);
	p0 =	por !p3, !p3  }
0x26c: {  	vm10 =	veq.s32 v51, $0x0;
	vm3 =	vmneg @p0 vm3  }
0x26d: {  	vm3 =	vmand vm10, vm3  }
0x26e: {  	v52 =	vnsel vm3, $0xFF800000, v11  }
0x26f: {  	(xrf0) =	vmax.scan.msk.f32 $0xffff, v52;
	_ =	sdelay $0x5  }
0x270: {  	v12, _, _ =	vpop (xrf0)  }
0x271: {  	v53 =	vbroadcast v12, $0xF  }
0x272: {  	s3 =	sadd.s32 $0x50, s14  }
0x273: {  	v54 =	vadd.s32 s3, v4;
	vm11 =	veq.f32 v11, v53  }
0x274: {  	v11 =	vxor.u32 $0x80000000, v54;
	vm4 =	vmand vm3, vm11  }
0x275: {  	v11 =	vnsel vm4, $0xFFFFFFFF, v11  }
0x276: {  	(xrf0) =	vmin.scan.msk.u32 $0xffff, v11;
	v11 =	vsel vm3, $0x3F800000, v9  }
0x277: {  	(xrf0) =	vmax.scan.msk.f32 $0xffff, v11;
	v11 =	vsel vm2, $0x3F800000, v9  }
0x278: {  	(xrf0) =	vmax.scan.msk.f32 $0xffff, v11;
	_ =	sdelay $0x3  }
0x279: {  	(v2sf) =	vpush v12, $0xF;
	v11, _, _ =	vpop (xrf0)  }
0x27a: {  	(v2sf) =	vpush v11, $0xF;
	v11, _, _ =	vpop (xrf0)  }
0x27b: {  	(v2sf) =	vpush v11, $0xF;
	v11, _, _ =	vpop (xrf0)  }
0x27c: {  	(v2sf) =	vpush v11, $0xF;
	_ =	sdelay $0x5  }
0x27d: {  	v11 =	vld [tilespmem:$0x4FE0];
	_ =	sdelay $0x4  }
0x27e: {  	vm2 =	vne.s32 v11, v10  }
0x27f: {  	s24 =	spop (v2sf);
	v11 =	vsel vm2, $0x1, v1  }
0x280: {  	(xrf0) =	vadd.scan.msk.s32 $0xffff, v11;
	s20 =	spop (v2sf)  }
0x281: {  	s25 =	spop (v2sf)  }
0x282: {  	s5 =	spop (v2sf)  }
0x283: {  	p1 =	sgt.f32 s5, $0.0e+00  }
0x284: {  	v11 =	vld [tilespmem:$0x4F60]  }
0x285: {  	p3 =	por p3, p1  }
0x286: {  	vm3 =	vmmov vm1;
	v55, _, _ =	vpop (xrf0);
	p0 =	por !p3, !p3  }
0x287: {  	vm12 =	veq.s32 v55, $0x0;
	vm3 =	vmneg @p0 vm3  }
0x288: {  	vm3 =	vmand vm12, vm3  }
0x289: {  	v56 =	vnsel vm3, $0xFF800000, v11  }
0x28a: {  	(xrf0) =	vmax.scan.msk.f32 $0xffff, v56;
	_ =	sdelay $0x5  }
0x28b: {  	v12, _, _ =	vpop (xrf0)  }
0x28c: {  	v57 =	vbroadcast v12, $0xF  }
0x28d: {  	s7 =	sadd.s32 $0x60, s14  }
0x28e: {  	v58 =	vadd.s32 s7, v4;
	vm13 =	veq.f32 v11, v57  }
0x28f: {  	v11 =	vxor.u32 $0x80000000, v58;
	vm4 =	vmand vm3, vm13  }
0x290: {  	v11 =	vnsel vm4, $0xFFFFFFFF, v11  }
0x291: {  	(xrf0) =	vmin.scan.msk.u32 $0xffff, v11;
	v11 =	vsel vm3, $0x3F800000, v9  }
0x292: {  	(xrf0) =	vmax.scan.msk.f32 $0xffff, v11;
	v11 =	vsel vm2, $0x3F800000, v9  }
0x293: {  	(xrf0) =	vmax.scan.msk.f32 $0xffff, v11;
	_ =	sdelay $0x3  }
0x294: {  	(v2sf) =	vpush v12, $0xF;
	v11, _, _ =	vpop (xrf0)  }
0x295: {  	(v2sf) =	vpush v11, $0xF;
	v11, _, _ =	vpop (xrf0)  }
0x296: {  	(v2sf) =	vpush v11, $0xF;
	v11, _, _ =	vpop (xrf0)  }
0x297: {  	(v2sf) =	vpush v11, $0xF;
	_ =	sdelay $0x5  }
0x298: {  	v11 =	vld [tilespmem:$0x4FF0];
	_ =	sdelay $0x4  }
0x299: {  	vm2 =	vne.s32 v11, v10  }
0x29a: {  	s1 =	spop (v2sf);
	v11 =	vsel vm2, $0x1, v1  }
0x29b: {  	(xrf0) =	vadd.scan.msk.s32 $0xffff, v11;
	s5 =	spop (v2sf)  }
0x29c: {  	s3 =	spop (v2sf)  }
0x29d: {  	s7 =	spop (v2sf)  }
0x29e: {  	p2 =	sgt.f32 s7, $0.0e+00  }
0x29f: {  	v11 =	vld [tilespmem:$0x4F70]  }
0x2a0: {  	p3 =	por p3, p2  }
0x2a1: {  	vm3 =	vmmov vm1;
	v59, _, _ =	vpop (xrf0);
	p0 =	por !p3, !p3  }
0x2a2: {  	vm14 =	veq.s32 v59, $0x0;
	vm3 =	vmneg @p0 vm3  }
0x2a3: {  	vm3 =	vmand vm14, vm3  }
0x2a4: {  	v60 =	vnsel vm3, $0xFF800000, v11  }
0x2a5: {  	(xrf0) =	vmax.scan.msk.f32 $0xffff, v60;
	_ =	sdelay $0x3  }
0x2a6: {  	p4 =	sgt.f32 s12, $0.0e+00;
	p1 =	sgt.f32 s19, s9  }
0x2a7: {  	_ = 	snop  }
0x2a8: {  	p0 =	por !p4, !p1;
	v12, _, _ =	vpop (xrf0)  }
0x2a9: {  	p4 =	por !p0, !p0;
	v61 =	vbroadcast v12, $0xF  }
0x2aa: {  	p6 =	sgt.f32 s22, $0.0e+00;
	s22 =	sadd.s32 $0x70, s14;
	s9 =	smov.u32 @p4 s19  }
0x2ab: {  	v62 =	vadd.s32 s22, v4;
	p5 =	sgt.f32 s13, s9;
	vm15 =	veq.f32 v11, v61  }
0x2ac: {  	v11 =	vxor.u32 $0x80000000, v62;
	vm4 =	vmand vm3, vm15  }
0x2ad: {  	p0 =	por !p6, !p5;
	v11 =	vnsel vm4, $0xFFFFFFFF, v11  }
0x2ae: {  	p5 =	por !p0, !p0;
	(xrf0) =	vmin.scan.msk.u32 $0xffff, v11;
	v11 =	vsel vm3, $0x3F800000, v9  }
0x2af: {  	s9 =	smov.u32 @p5 s13;
	(xrf0) =	vmax.scan.msk.f32 $0xffff, v11;
	v11 =	vsel vm2, $0x3F800000, v9  }
0x2b0: {  	p2 =	sgt.f32 s29, $0.0e+00;
	p6 =	sgt.f32 s2, s9;
	(xrf0) =	vmax.scan.msk.f32 $0xffff, v11  }
0x2b1: {  	_ = 	snop  }
0x2b2: {  	p0 =	por !p2, !p6  }
0x2b3: {  	p6 =	por !p0, !p0  }
0x2b4: {  	(v2sf) =	vpush v12, $0xF;
	s9 =	smov.u32 @p6 s2;
	v11, _, _ =	vpop (xrf0)  }
0x2b5: {  	p1 =	sgt.f32 s4, $0.0e+00;
	p2 =	sgt.f32 s28, s9;
	v63, _, _ =	vpop (xrf0);
	(v2sf) =	vpush v11, $0xF  }
0x2b6: {  	(v2sf) =	vpush v63, $0xF;
	v11, _, _ =	vpop (xrf0)  }
0x2b7: {  	p0 =	por !p1, !p2;
	(v2sf) =	vpush v11, $0xF  }
0x2b8: {  	p1 =	por !p0, !p0  }
0x2b9: {  	s9 =	smov.u32 @p1 s28  }
0x2ba: {  	p0 =	sgt.f32 s0, $0.0e+00;
	p2 =	sgt.f32 s26, s9  }
0x2bb: {  	_ = 	snop  }
0x2bc: {  	p0 =	por !p0, !p2  }
0x2bd: {  	s0 =	sxor.u32 $0x80000000, s11;
	p0 =	por !p0, !p0  }
0x2be: {  	s8 =	smov.u32 @p4 s0;
	s9 =	smov.u32 @p0 s26  }
0x2bf: {  	s0 =	sxor.u32 $0x80000000, s18;
	p2 =	sgt.f32 s25, $0.0e+00;
	p4 =	sgt.f32 s24, s9  }
0x2c0: {  	s8 =	smov.u32 @p5 s0;
	s0 =	sxor.u32 $0x80000000, s15  }
0x2c1: {  	s8 =	smov.u32 @p6 s0;
	s0 =	sxor.u32 $0x80000000, s31;
	p2 =	por !p2, !p4  }
0x2c2: {  	s8 =	smov.u32 @p1 s0;
	p1 =	por !p2, !p2  }
0x2c3: {  	p6 =	sgt.f32 s3, $0.0e+00;
	s0 =	spop (v2sf);
	s9 =	smov.u32 @p1 s24  }
0x2c4: {  	p5 =	sgt.f32 s1, s9;
	s29 =	spop (v2sf)  }
0x2c5: {  	s4 =	sxor.u32 $0x80000000, s20;
	s2 =	sxor.u32 $0x80000000, s30;
	s30 =	spop (v2sf)  }
0x2c6: {  	s8 =	smov.u32 @p0 s2;
	p4 =	por !p6, !p5;
	s31 =	spop (v2sf)  }
0x2c7: {  	s8 =	smov.u32 @p1 s4;
	p1 =	por !p4, !p4;
	p0 =	sgt.f32 s31, $0.0e+00  }
0x2c8: {  	s9 =	smov.u32 @p1 s1;
	s1 =	sxor.u32 $0x80000000, s5  }
0x2c9: {  	s8 =	smov.u32 @p1 s1;
	p1 =	sgt.s32 @!p0 s17, $0x30D37F  }
0x2ca: {  	p1 =	por p0, p1  }
0x2cb: {  	p6 =	sgt.f32 s0, s9;
	p3 =	por p1, p3  }
.Ltmp8:
0x2cc: {  	p5 =	sgt.f32 s30, $0.0e+00;
	(pc) =	sbr.rel @!p3 .LBB2_11-.Ltmp8, $4  }
0x2cd: {  	_ = 	snop  }
0x2ce: {  	s20 =	simm.s32 $0x0;
	s25 =	simm.s32 $0x4F00;
	p2 =	por !p5, !p6  }
0x2cf: {  	s26 =	simm.s32 $0x4F80;
	s1 =	sxor.u32 $0x80000000, s29;
	p2 =	por !p2, !p2  }
0x2d0: {  	s17 =	sadd.s32 $0x80, s14;
	s9 =	smov.u32 @p2 s0;
	s8 =	smov.u32 @p2 s1  }
0x2d1: {  	s13 =	rddreg [dreg:$0x5]  }
0x2d2: {  	s15 =	rddreg [dreg:$0x2]  }
0x2d3: {  	s24 =	sld [smem:$0x7FD]  }
0x2d4: {  	s28 =	rddreg [dreg:$0xd]  }
0x2d5: {  	s4 =	rddreg [dreg:$0xe]  }
0x2d6: {  	s5 =	rddreg [dreg:$0xf]  }
0x2d7: {  	s7 =	rddreg [dreg:$0x10]  }
0x2d8: {  	s29 =	rddreg [dreg:$0x11]  }
0x2d9: {  	s0 =	smov.u32 s8;
	s31 =	sld [smem:$0x7FB]  }
0x2da: {  	s30 =	rddreg [dreg:$0x12];
	s0 =	smov.u32 @p0 s8  }
0x2db: {  	v11 =	vpsel p0, v10, v10;
	s22 =	simm.s32 $0x2780;
	s2 =	rddreg [dreg:$0x13];
	s8 =	smov.u32 @p1 s0  }
0x2dc: {  	v10 =	vpsel p1, v11, v10;
	p4 =	seq.s32 s24, $0x1;
	s24 =	simm.s32 $0x80;
	p2 =	seq.s32 s31, $0x1  }
.LBB2_13:
0x2dd: {  	p0 =	slt.s32 s2, $0x0;
	vm2 =	vmmov vm1  }
0x2de: {  	vm2 =	vmneg @p0 vm2  }
0x2df: {  	vm2 =	vmand vm2, vm0;
	_ =	sdelay $0x1  }
.Ltmp9:
0x2e0: {  	_ = 	snop;
	(pc) =	sbr.rel @p2 .LBB2_17-.Ltmp9, $4  }
0x2e1: {  	s0 =	sxor.u32 $0x80000000, s2  }
0x2e2: {  	s0 =	ssub.s32 s8, s0  }
0x2e3: {  	v11 =	vmov s0  }
0x2e4: {  	[tilespmem:v10+s21+$0x0] =	vst.idx.msk vm2, v11  }
0x2e5: {  	s3 =	sadd.s32 $0x70, s30  }
0x2e6: {  	v10 =	vmov s7;
	v11 =	vmov s29;
	s0 =	sadd.s32 $0xFFFFFFB0, s3;
	v14 =	vadd.s32 s3, v4  }
0x2e7: {  	s1 =	sadd.s32 $0xFFFFFFC0, s3;
	s2 =	sadd.s32 $0xFFFFFFE0, s3;
	s19 =	sadd.s32 $0xFFFFFFF0, s3;
	v12 =	vadd.s32 s0, v4;
	vm2 =	vge.s32 v14, v10;
	vm3 =	vlt.s32 v14, v11  }
0x2e8: {  	s29 =	sadd.s32 $0xFFFFFFA0, s3;
	s30 =	sadd.s32 $0xFFFFFFD0, s3;
	s31 =	sadd.s32 $0xFFFFFF90, s3;
	v13 =	vadd.s32 s1, v4;
	v15 =	vadd.s32 s2, v4;
	v16 =	vadd.s32 s19, v4  }
0x2e9: {  	v17 =	vadd.s32 s29, v4;
	v18 =	vadd.s32 s30, v4;
	v19 =	vadd.s32 s31, v4  }
0x2ea: {  	vm4 =	vlt.s32 v12, v11;
	vm5 =	vlt.s32 v13, v11;
	vm6 =	vlt.s32 v15, v11  }
0x2eb: {  	vm7 =	vge.s32 v15, v10;
	vm8 =	vge.s32 v12, v10;
	vm9 =	vlt.s32 v16, v11  }
0x2ec: {  	vm10 =	vlt.s32 v19, v11;
	vm11 =	vge.s32 v13, v10;
	vm12 =	vge.s32 v16, v10  }
0x2ed: {  	vm14 =	vge.s32 v19, v10;
	vm15 =	vlt.s32 v17, v11;
	vm5 =	vmand vm11, vm5  }
0x2ee: {  	p0 =	sne.s32 s4, $0x1;
	vm13 =	vge.s32 v18, v10;
	vm4 =	vmand vm8, vm4;
	v13 =	vnsel vm5, $0x186A0, v13  }
.Ltmp10:
0x2ef: {  	vm2 =	vmand vm2, vm3;
	vm6 =	vmand vm7, vm6;
	v12 =	vnsel vm4, $0x186A0, v12;
	[tilespmem:$0x1D7B0] =	vst v13;
	(pc) =	sbr.rel @!p0 .LBB2_16-.Ltmp10, $4  }
0x2f0: {  	vm7 =	vmand vm12, vm9;
	vm9 =	vge.s32 v17, v10;
	v15 =	vnsel vm6, $0x186A0, v15;
	[tilespmem:$0x1D7A0] =	vst v12  }
0x2f1: {  	vm12 =	vmand vm14, vm10;
	vm14 =	vlt.s32 v18, v11;
	v12 =	vnsel vm7, $0x186A0, v16;
	[tilespmem:$0x1D7D0] =	vst v15  }
0x2f2: {  	s0 =	sadd.s32 $0x5000, s5;
	vm15 =	vmand vm9, vm15;
	vm4 =	vmand vm13, vm14;
	v13 =	vnsel vm12, $0x186A0, v19;
	[tilespmem:$0x1D7E0] =	vst v12  }
0x2f3: {  	s2 =	sadd.s32 $0xFFFFFFFF, s4;
	s4 =	sadd.s32 $0x80, s3;
	s1 =	sadd.s32 $0x80, s0;
	v14 =	vnsel vm2, $0x186A0, v14;
	[tilespmem:$0x1D780] =	vst v13;
	v12 =	vnsel vm15, $0x186A0, v17;
	v13 =	vnsel vm4, $0x186A0, v18  }
.LBB2_15:
0x2f4: {  	s3 =	sadd.s32 $0xFFFFFFB0, s4;
	s5 =	sadd.s32 $0xFFFFFFC0, s4;
	s7 =	sadd.s32 $0xFFFFFFE0, s4;
	v15 =	vadd.s32 s4, v4;
	[tilespmem:$0x1D7F0] =	vst v14  }
0x2f5: {  	p2 =	sne.s32 s2, $0x1;
	s2 =	sadd.s32 $0xFFFFFFFF, s2;
	v14 =	vadd.s32 s3, v4;
	s3 =	sadd.s32 $0xFFFFFFF0, s4;
	vm2 =	vge.s32 v15, v10;
	vm3 =	vlt.s32 v15, v11;
	[tilespmem:$0x1D7C0] =	vst v13  }
0x2f6: {  	s8 =	sadd.s32 $0xFFFFFFA0, s4;
	v13 =	vadd.s32 s5, v4;
	s5 =	sadd.s32 $0xFFFFFFD0, s4;
	v16 =	vadd.s32 s7, v4;
	vm4 =	vlt.s32 v14, v11;
	[tilespmem:$0x1D790] =	vst v12  }
0x2f7: {  	vm5 =	vlt.s32 v13, v11;
	vm6 =	vlt.s32 v16, v11;
	v12 =	vadd.s32 s3, v4;
	[hbm4b:s15+s24] =	stream.indirect.scatter [tilespmem:s0], [sflag:$0x1], $0x1, s23, s24, $0xb8;
	[tilespmem:$0x1DA00] =	vst v63  }
0x2f8: {  	v17 =	vadd.s32 s8, v4;
	s3 =	sadd.s32 $0xFFFFFF90, s4;
	v18 =	vadd.s32 s5, v4;
	vm7 =	vge.s32 v16, v10;
	s0 =	smov.u32 s1;
	_ =	swait.ge [sflag:s16], $0x80  }
0x2f9: {  	vm8 =	vge.s32 v14, v10;
	v19 =	vadd.s32 s3, v4;
	vm9 =	vlt.s32 v12, v11;
	[sflag:s16] =	ssyncset.done $0x0  }
0x2fa: {  	vm11 =	vge.s32 v13, v10;
	vm12 =	vge.s32 v12, v10;
	vm10 =	vlt.s32 v19, v11;
	[sflag:s16] =	ssyncadd.s32 $0xFFFFFF80  }
0x2fb: {  	vm5 =	vmand vm11, vm5;
	vm6 =	vmand vm7, vm6;
	vm7 =	vmand vm12, vm9  }
0x2fc: {  	vm4 =	vmand vm8, vm4;
	vm9 =	vge.s32 v17, v10;
	v13 =	vnsel vm5, $0x186A0, v13  }
.Ltmp11:
0x2fd: {  	vm8 =	vlt.s32 v17, v11;
	vm5 =	vge.s32 v19, v10;
	v14 =	vnsel vm4, $0x186A0, v14;
	[tilespmem:$0x1D7B0] =	vst v13;
	(pc) =	sbr.rel @p2 .LBB2_15-.Ltmp11, $4  }
0x2fe: {  	vm4 =	vmand vm5, vm10;
	vm5 =	vge.s32 v18, v10;
	v12 =	vnsel vm7, $0x186A0, v12;
	[tilespmem:$0x1D7A0] =	vst v14  }
0x2ff: {  	v13 =	vnsel vm4, $0x186A0, v19;
	vm4 =	vlt.s32 v18, v11;
	v14 =	vnsel vm6, $0x186A0, v16;
	[tilespmem:$0x1D7E0] =	vst v12  }
0x300: {  	vm2 =	vmand vm2, vm3;
	vm6 =	vmand vm9, vm8;
	vm4 =	vmand vm5, vm4;
	[tilespmem:$0x1D780] =	vst v13  }
0x301: {  	s4 =	sadd.s32 $0x80, s4;
	s1 =	sadd.s32 $0x80, s1;
	v12 =	vnsel vm6, $0x186A0, v17;
	v13 =	vnsel vm4, $0x186A0, v18;
	[tilespmem:$0x1D7D0] =	vst v14;
	v14 =	vnsel vm2, $0x186A0, v15  }
.Ltmp12:
0x302: {  	_ = 	snop;
	(pc) =	sbr.rel .LBB2_16-.Ltmp12, $1  }
0x303: {  	_ =	sdelay $0x3  }
.LBB2_18:
0x304: {  	_ =	sfence.sel $0x180000  }
0x305: {  	[bflag:$0x0] =	sbarrier.arrive $0xFFFF  }
0x306: {  	_ =	strace $0x90000047  }
0x307: {  	s0 =	stileid.u32;
	[bflag:$0x2] =	sbarrier.arrive $0xFFFF  }
0x308: {  	p0 =	sne.s32 s0, $0x0;
	s0 =	rddreg [dreg:$0x3]  }
0x309: {  	s0 =	sadd.s32 @!p0 $0x100000, s0  }
0x30a: {  	[sflag:s0] =	ssyncadd.tile.s32 @!p0 $0x1;
	_ =	shalt  }
.Lfunc_end2:
_tile_overlayer_lowered:
.L_overlay_start_2:
0x30b: {  	(tag) =	ssettag $0x2  }
0x30c: {  	s0 =	rddreg [dreg:$0x0];
	s2 =	stileid.u32  }
0x30d: {  	s1 =	rddreg [dreg:$0x1];
	p0 =	sne.s32 s2, $0x0  }
0x30e: {  	s3 =	rddreg [dreg:$0x2];
	[bflag:$0x3] =	sbarrier.arrive $0xFFFF;
	s2 =	simm.s32 @!p0 $0x1C01  }
0x30f: {  	[timem:s3], [sflag:s2] =	dma.local @!p0 [hbm:s0], s1  }
0x310: {  	s0 =	simm.s32 @!p0 $0x1  }
0x311: {  	_ =	swait.ge @!p0 [sflag:s0], s1  }
0x312: {  	s1 =	ssub.s32 @!p0 $0x0, s1;
	[sflag:s0] =	ssyncset.done @!p0 $0x0  }
0x313: {  	[sflag:s0] =	ssyncadd.s32 @!p0 s1  }
0x314: {  	[bflag:$0x3] =	sbarrier.arrive $0xFFFF  }
0x315: {  	_ =	shalt  }

</sc_bundles>
